<compile_context>
chip_gen: v7x
topology: tpu7x:2x2x1
jax: 0.10.2.dev20260603
libtpu: 0.0.44.dev20260713+nightly
codegen_flags: <defaults>
</compile_context>

<pallas_src>
import functools

import jax
import jax.numpy as jnp
from jax import lax
from jax.experimental import pallas as pl
from jax.experimental.pallas import tpu as pltpu
from jax.experimental.pallas import tpu_sc as plsc

_D = 13
_N = 2 ** _D - 1
_DIM = 128
_A = 16
_OUT = 10

_CHUNK = 512


_LEAVES = 1 << (_D - 1)


def _make_leaf_gather():
    info = plsc.get_sparse_core_info()
    nw = info.num_cores * info.num_subcores
    per_w = _LEAVES // nw
    mesh = plsc.VectorSubcoreMesh(core_axis_name="c", subcore_axis_name="s")

    @functools.partial(
        pl.kernel, mesh=mesh,
        out_type=jax.ShapeDtypeStruct((_LEAVES, _DIM), jnp.float32),
        scratch_types=[
            pltpu.VMEM((per_w,), jnp.int32),
            pltpu.VMEM((per_w, _DIM), jnp.float32),
            pltpu.SemaphoreType.DMA,
        ],
    )
    def leaf_gather(table_hbm, idx_hbm, out_hbm, idx_v, rows_v, sem):
        wid = lax.axis_index("s") * info.num_cores + lax.axis_index("c")
        base = wid * per_w
        pltpu.sync_copy(idx_hbm.at[pl.ds(base, per_w)], idx_v)
        pltpu.async_copy(table_hbm.at[idx_v], rows_v, sem).wait()
        pltpu.sync_copy(rows_v, out_hbm.at[pl.ds(base, per_w)])

    return leaf_gather


_make_leaf_gather = functools.cache(_make_leaf_gather)


def _sweep_kernel(syms_ref, w_ref, b_ref, leaf_b_ref, out_w_ref, out_b_ref,
                  out_ref):
    bv = b_ref[...]
    w_half = (w_ref[...] * 0.5).astype(jnp.bfloat16)
    b_cols = jax.lax.broadcast_in_dim(
        jnp.transpose(bv), (_A, _DIM, _A), (1, 2)
    ).reshape(_A * _DIM, _A).astype(jnp.bfloat16)
    w_aug = jnp.concatenate([w_half, b_cols], axis=1)

    a_iota = jax.lax.broadcasted_iota(jnp.int32, (1, _A), 1)

    def sym_slice(level):
        start = (1 << level) - 1
        return syms_ref[start:start + (1 << level)]

    prev = jnp.tanh(leaf_b_ref[...])

    for level in range(_D - 2, -1, -1):
        length = 1 << level
        c3 = prev.reshape(length, 2, _DIM)
        x2 = c3[:, 0, :] + c3[:, 1, :]
        syms = sym_slice(level)
        s_oh = (syms == a_iota).astype(jnp.bfloat16)
        xa = jnp.concatenate(
            [x2.astype(jnp.bfloat16), s_oh], axis=1)
        sb = jnp.broadcast_to(syms, (length, _DIM))
        chunks = []
        for c0 in range(0, length, _CHUNK):
            c1 = min(c0 + _CHUNK, length)
            y_all = jax.lax.dot_general(
                xa[c0:c1], w_aug, (((1,), (1,)), ((), ())),
                preferred_element_type=jnp.float32)
            sbc = sb[c0:c1]
            acc = jnp.where(sbc == 0, y_all[:, 0:_DIM], 0.0)
            for a in range(1, _A):
                acc = acc + jnp.where(
                    sbc == a, y_all[:, a * _DIM:(a + 1) * _DIM], 0.0)
            chunks.append(acc)
        y = chunks[0] if len(chunks) == 1 else jnp.concatenate(chunks, axis=0)
        prev = jnp.tanh(y)

    out_ref[...] = (
        jax.lax.dot_general(prev, out_w_ref[...], (((1,), (1,)), ((), ())),
                            preferred_element_type=jnp.float32)
        + out_b_ref[...])


def kernel(node_syms, W, b, out_W, out_b):
    syms = node_syms.astype(jnp.int32)
    leaf_b = _make_leaf_gather()(b, syms[_LEAVES - 1:])
    res = pl.pallas_call(
        _sweep_kernel,
        out_shape=jax.ShapeDtypeStruct((1, _OUT), jnp.float32),
        compiler_params=pltpu.CompilerParams(
            vmem_limit_bytes=100 * 1024 * 1024),
    )(syms.reshape(_N, 1),
      W.reshape(_A * _DIM, _DIM), b, leaf_b, out_W, out_b.reshape(1, _OUT))
    return res[0]

# --- scband reference (transcript-rebuilt; emitter-appended) ---
"""Pipeline reference for scband-recursive-net-classifier-4990751998297 (READ-ONLY COPY).

The authoritative reference and input builder live on the scoring server;
editing this copy changes nothing except your own understanding.
"""

import jax, jax.numpy as jnp
import numpy as np

D = 13
N = 2 ** D - 1
DIM = 128
A = 16
OUT = 10


def setup_inputs(seed: int = 0) -> dict:
    key = jax.random.key(seed)
    ks = jax.random.split(key, 5)
    # tensorized tree: complete binary tree in BFS order; node i has children 2i+1, 2i+2
    node_syms = jax.random.randint(ks[0], (N,), 0, A)
    # per-symbol Linear(dim, dim): W[sym] is [out=dim, in=dim], b[sym] is [dim]
    W = jax.random.normal(ks[1], (A, DIM, DIM), dtype=jnp.float32) * (1.0 / np.sqrt(DIM))
    b = jax.random.normal(ks[2], (A, DIM), dtype=jnp.float32) * 0.05
    # output layer Linear(dim, num_classes)
    out_W = jax.random.normal(ks[3], (OUT, DIM), dtype=jnp.float32) * (1.0 / np.sqrt(DIM))
    out_b = jax.random.normal(ks[4], (OUT,), dtype=jnp.float32) * 0.05
    return {"node_syms": node_syms, "W": W, "b": b, "out_W": out_W, "out_b": out_b}


def reference(node_syms, W, b, out_W, out_b):
    # Bottom-up recursive net over a complete binary tree (BFS layout).
    # Leaves: encoding = tanh(Linear_sym(zeros)) = tanh(b[sym]).
    # Internal: encoding = tanh(Linear_sym(mean of children encodings)).
    enc = jnp.zeros((N, DIM), dtype=jnp.float32)
    leaf_start = 2 ** (D - 1) - 1
    leaf_syms = node_syms[leaf_start:]
    enc = enc.at[leaf_start:].set(jnp.tanh(jnp.take(b, leaf_syms, axis=0)))
    for level in range(D - 2, -1, -1):
        s = 2 ** level - 1
        e = 2 ** (level + 1) - 1
        idx = jnp.arange(s, e)
        left = jnp.take(enc, 2 * idx + 1, axis=0)
        right = jnp.take(enc, 2 * idx + 2, axis=0)
        children_mean = (left + right) * 0.5
        syms = node_syms[s:e]
        Wl = jnp.take(W, syms, axis=0)  # gather per-node weight matrices [L, DIM, DIM]
        bl = jnp.take(b, syms, axis=0)
        # torch Linear: y = x @ W.T + b  ->  y[l,k] = sum_d x[l,d] * W[l,k,d] + b[l,k]
        new_enc = jnp.tanh(jnp.einsum('ld,lkd->lk', children_mean, Wl) + bl)
        enc = enc.at[s:e].set(new_enc)
    root_enc = enc[0]
    return jnp.matmul(root_enc, out_W.T) + out_b

if __name__ == "__main__":
    import jax
    _d = setup_inputs()
    print(jax.jit(kernel)(*tuple(_d.values())))

</pallas_src>

<mosaic_0001>
#map = affine_map<(d0, d1) -> (0, 0)>
#map1 = affine_map<(d0, d1) -> (0)>
module attributes {stable_mosaic.version = 14 : i64} {
  func.func @leaf_gather(%arg0: i32, %arg1: i32, %arg2: memref<16x128xf32, #tpu.memory_space<hbm>>, %arg3: memref<4096xi32, #tpu.memory_space<hbm>>, %arg4: memref<4096x128xf32, #tpu.memory_space<hbm>>, %arg5: memref<128xi32, #tpu.memory_space<vmem>>, %arg6: memref<128x128xf32, #tpu.memory_space<vmem>>, %arg7: memref<!tpu.dma_semaphore, #tpu.memory_space<semaphore_mem>>) attributes {dimension_semantics = [#tpu.dimension_semantics<core_parallel>, #tpu.dimension_semantics<subcore_parallel>], iteration_bounds = array<i64: 2, 16>, scalar_prefetch = 0 : i64, scratch_operands = 3 : i64, tpu.core_type = #tpu.core_type<sc_vector_subcore>, window_params = [{transform_indices = #map}, {transform_indices = #map1}, {transform_indices = #map}]} {
    %mul3A = arith.constant 2 : i32
    %mul3A_0 = arith.muli %arg1, %mul3A : i32
    %add3A = arith.addi %mul3A_0, %arg0 : i32
    %mul3A_1 = arith.constant 128 : i32
    %mul3A_2 = arith.muli %add3A, %mul3A_1 : i32
    "tpu.region"() ({
      %run_scoped3A = tpu.sem_alloc : memref<!tpu.dma_semaphore, #tpu.memory_space<semaphore_mem>>
      %dma_start3A_7 = tpu.memref_slice %arg3[%mul3A_2] : memref<4096xi32, #tpu.memory_space<hbm>> -> memref<128xi32, #tpu.memory_space<hbm>>
      %dma_start3A_8 = tpu.memref_slice %arg3[%mul3A_2] : memref<4096xi32, #tpu.memory_space<hbm>> -> memref<128xi32, #tpu.memory_space<hbm>>
      tpu.enqueue_dma source(%dma_start3A_8 : memref<128xi32, #tpu.memory_space<hbm>>) target(%arg5 : memref<128xi32, #tpu.memory_space<vmem>>) target_semaphore(%run_scoped3A : memref<!tpu.dma_semaphore, #tpu.memory_space<semaphore_mem>>)
      %dma_wait3A_9 = tpu.memref_slice %arg3[%mul3A_2] : memref<4096xi32, #tpu.memory_space<hbm>> -> memref<128xi32, #tpu.memory_space<hbm>>
      %dma_wait3A_10 = tpu.memref_slice %arg3[%mul3A_2] : memref<4096xi32, #tpu.memory_space<hbm>> -> memref<128xi32, #tpu.memory_space<hbm>>
      tpu.wait_dma2 semaphore(%run_scoped3A : memref<!tpu.dma_semaphore, #tpu.memory_space<semaphore_mem>>) src(%dma_wait3A_10 : memref<128xi32, #tpu.memory_space<hbm>>) dst(%arg5 : memref<128xi32, #tpu.memory_space<vmem>>)
      tpu.yield
    }) : () -> ()
    %dma_start3A = arith.constant 0 : i32
    %dma_start3A_3 = arith.constant 0 : i32
    %dma_start3A_4 = tpu.memref_slice %arg2[%dma_start3A, %dma_start3A_3] : memref<16x128xf32, #tpu.memory_space<hbm>> -> memref<16x128xf32, #tpu.memory_space<hbm>>
    tpu.enqueue_indirect_dma source(%dma_start3A_4 : memref<16x128xf32, #tpu.memory_space<hbm>>) target(%arg6 : memref<128x128xf32, #tpu.memory_space<vmem>>) offsets(%arg5 : memref<128xi32, #tpu.memory_space<vmem>>) semaphore(%arg7 : memref<!tpu.dma_semaphore, #tpu.memory_space<semaphore_mem>>)
    %dma_wait3A = arith.constant 0 : i32
    %dma_wait3A_5 = arith.constant 0 : i32
    %dma_wait3A_6 = tpu.memref_slice %arg2[%dma_wait3A, %dma_wait3A_5] : memref<16x128xf32, #tpu.memory_space<hbm>> -> memref<16x128xf32, #tpu.memory_space<hbm>>
    tpu.wait_indirect_dma semaphore(%arg7 : memref<!tpu.dma_semaphore, #tpu.memory_space<semaphore_mem>>) src(%dma_wait3A_6 : memref<16x128xf32, #tpu.memory_space<hbm>>) dst(%arg6 : memref<128x128xf32, #tpu.memory_space<vmem>>)
    "tpu.region"() ({
      %run_scoped3A = tpu.sem_alloc : memref<!tpu.dma_semaphore, #tpu.memory_space<semaphore_mem>>
      %dma_start3A_7 = arith.constant 0 : i32
      %dma_start3A_8 = tpu.memref_slice %arg4[%mul3A_2, %dma_start3A_7] : memref<4096x128xf32, #tpu.memory_space<hbm>> -> memref<128x128xf32, #tpu.memory_space<hbm>>
      %dma_start3A_9 = arith.constant 0 : i32
      %dma_start3A_10 = tpu.memref_slice %arg4[%mul3A_2, %dma_start3A_9] : memref<4096x128xf32, #tpu.memory_space<hbm>> -> memref<128x128xf32, #tpu.memory_space<hbm>>
      tpu.enqueue_dma source(%arg6 : memref<128x128xf32, #tpu.memory_space<vmem>>) target(%dma_start3A_10 : memref<128x128xf32, #tpu.memory_space<hbm>>) target_semaphore(%run_scoped3A : memref<!tpu.dma_semaphore, #tpu.memory_space<semaphore_mem>>)
      %dma_wait3A_11 = arith.constant 0 : i32
      %dma_wait3A_12 = tpu.memref_slice %arg4[%mul3A_2, %dma_wait3A_11] : memref<4096x128xf32, #tpu.memory_space<hbm>> -> memref<128x128xf32, #tpu.memory_space<hbm>>
      %dma_wait3A_13 = arith.constant 0 : i32
      %dma_wait3A_14 = tpu.memref_slice %arg4[%mul3A_2, %dma_wait3A_13] : memref<4096x128xf32, #tpu.memory_space<hbm>> -> memref<128x128xf32, #tpu.memory_space<hbm>>
      tpu.wait_dma2 semaphore(%run_scoped3A : memref<!tpu.dma_semaphore, #tpu.memory_space<semaphore_mem>>) src(%arg6 : memref<128x128xf32, #tpu.memory_space<vmem>>) dst(%dma_wait3A_14 : memref<128x128xf32, #tpu.memory_space<hbm>>)
      tpu.yield
    }) : () -> ()
    return
  }
}

module attributes {stable_mosaic.version = 14 : i64} {
  func.func @_sweep_kernel(%arg0: memref<8191x1xi32, #tpu.memory_space<vmem>>, %arg1: memref<2048x128xf32, #tpu.memory_space<vmem>>, %arg2: memref<16x128xf32, #tpu.memory_space<vmem>>, %arg3: memref<4096x128xf32, #tpu.memory_space<vmem>>, %arg4: memref<10x128xf32, #tpu.memory_space<vmem>>, %arg5: memref<1x10xf32, #tpu.memory_space<vmem>>, %arg6: memref<1x10xf32, #tpu.memory_space<vmem>>) attributes {dimension_semantics = [], scalar_prefetch = 0 : i64, scratch_operands = 0 : i64, tpu.core_type = #tpu.core_type<tc>} {
    %get3A = arith.constant 0 : index
    %get3A_0 = arith.constant 0 : index
    %get3A_1 = vector.load %arg2[%get3A, %get3A_0] : memref<16x128xf32, #tpu.memory_space<vmem>>, vector<16x128xf32>
    %get3A_2 = arith.constant 0 : index
    %get3A_3 = arith.constant 0 : index
    %get3A_4 = vector.load %arg1[%get3A_2, %get3A_3] : memref<2048x128xf32, #tpu.memory_space<vmem>>, vector<2048x128xf32>
    %mul3A = arith.constant 5.000000e-01 : f32
    %mul3A_5 = vector.broadcast %mul3A : f32 to vector<2048x128xf32>
    %mul3A_6 = arith.mulf %get3A_4, %mul3A_5 : vector<2048x128xf32>
    %convert_element_type3A = arith.truncf %mul3A_6 : vector<2048x128xf32> to vector<2048x128xbf16>
    %transpose3A = tpu.transpose %get3A_1, [1, 0] : vector<16x128xf32> -> vector<128x16xf32>
    %broadcast_in_dim3A = vector.shape_cast %transpose3A : vector<128x16xf32> to vector<1x128x16xf32>
    %broadcast_in_dim3A_7 = vector.broadcast %broadcast_in_dim3A : vector<1x128x16xf32> to vector<16x128x16xf32>
    %reshape3A = vector.shape_cast %broadcast_in_dim3A_7 : vector<16x128x16xf32> to vector<2048x16xf32>
    %convert_element_type3A_8 = arith.truncf %reshape3A : vector<2048x16xf32> to vector<2048x16xbf16>
    %concatenate3A = tpu.concatenate %convert_element_type3A, %convert_element_type3A_8 in 1 : vector<2048x128xbf16>, vector<2048x16xbf16> -> vector<2048x144xbf16>
    %iota3A = tpu.iota {dimensions = array<i32: 1>} : vector<1x16xi32>
    %get3A_9 = arith.constant 0 : index
    %get3A_10 = arith.constant 0 : index
    %get3A_11 = vector.load %arg3[%get3A_9, %get3A_10] : memref<4096x128xf32, #tpu.memory_space<vmem>>, vector<4096x128xf32>
    %tanh3A = math.tanh %get3A_11 : vector<4096x128xf32>
    %reshape3A_12 = vector.shape_cast %tanh3A : vector<4096x128xf32> to vector<2048x2x128xf32>
    %slice3A = vector.extract_strided_slice %reshape3A_12 {offsets = [0, 0, 0], sizes = [2048, 1, 128], strides = [1, 1, 1]} : vector<2048x2x128xf32> to vector<2048x1x128xf32>
    %squeeze3A = vector.shape_cast %slice3A : vector<2048x1x128xf32> to vector<2048x128xf32>
    %slice3A_13 = vector.extract_strided_slice %reshape3A_12 {offsets = [0, 1, 0], sizes = [2048, 1, 128], strides = [1, 1, 1]} : vector<2048x2x128xf32> to vector<2048x1x128xf32>
    %squeeze3A_14 = vector.shape_cast %slice3A_13 : vector<2048x1x128xf32> to vector<2048x128xf32>
    %add3A = arith.addf %squeeze3A, %squeeze3A_14 : vector<2048x128xf32>
    %get3A_15 = arith.constant 2047 : index
    %get3A_16 = arith.constant 0 : index
    %get3A_17 = vector.load %arg0[%get3A_15, %get3A_16] : memref<8191x1xi32, #tpu.memory_space<vmem>>, vector<2048x1xi32>
    %eq3A = vector.broadcast %get3A_17 : vector<2048x1xi32> to vector<2048x16xi32>
    %eq3A_18 = vector.broadcast %iota3A : vector<1x16xi32> to vector<2048x16xi32>
    %eq3A_19 = arith.cmpi eq, %eq3A, %eq3A_18 : vector<2048x16xi32>
    %convert_element_type3A_20 = arith.extui %eq3A_19 : vector<2048x16xi1> to vector<2048x16xi32>
    %convert_element_type3A_21 = arith.sitofp %convert_element_type3A_20 : vector<2048x16xi32> to vector<2048x16xf32>
    %convert_element_type3A_22 = arith.truncf %convert_element_type3A_21 : vector<2048x16xf32> to vector<2048x16xbf16>
    %convert_element_type3A_23 = arith.truncf %add3A : vector<2048x128xf32> to vector<2048x128xbf16>
    %concatenate3A_24 = tpu.concatenate %convert_element_type3A_23, %convert_element_type3A_22 in 1 : vector<2048x128xbf16>, vector<2048x16xbf16> -> vector<2048x144xbf16>
    %broadcast_in_dim3A_25 = vector.shape_cast %get3A_17 : vector<2048x1xi32> to vector<2048x1xi32>
    %broadcast_in_dim3A_26 = vector.broadcast %broadcast_in_dim3A_25 : vector<2048x1xi32> to vector<2048x128xi32>
    %slice3A_27 = vector.extract_strided_slice %concatenate3A_24 {offsets = [0, 0], sizes = [512, 144], strides = [1, 1]} : vector<2048x144xbf16> to vector<512x144xbf16>
    %dot_general3A = arith.constant dense<0.000000e+00> : vector<512x2048xf32>
    %dot_general3A_28 = tpu.matmul %slice3A_27, %concatenate3A, %dot_general3A {dimension_numbers = #tpu.dot_dimension_numbers<[1], [1], [0], [0], [0, 0, 1, 0], [], []>, transpose_lhs_hint = false} : vector<512x144xbf16>, vector<2048x144xbf16>, vector<512x2048xf32> -> vector<512x2048xf32>
    %slice3A_29 = vector.extract_strided_slice %broadcast_in_dim3A_26 {offsets = [0, 0], sizes = [512, 128], strides = [1, 1]} : vector<2048x128xi32> to vector<512x128xi32>
    %eq3A_30 = arith.constant 0 : i32
    %eq3A_31 = vector.broadcast %eq3A_30 : i32 to vector<512x128xi32>
    %eq3A_32 = arith.cmpi eq, %slice3A_29, %eq3A_31 : vector<512x128xi32>
    %slice3A_33 = vector.extract_strided_slice %dot_general3A_28 {offsets = [0, 0], sizes = [512, 128], strides = [1, 1]} : vector<512x2048xf32> to vector<512x128xf32>
    %jit3A = arith.constant 0.000000e+00 : f32
    %broadcast_in_dim3A_34 = vector.broadcast %jit3A : f32 to vector<512x128xf32>
    %select_n3A = arith.select %eq3A_32, %slice3A_33, %broadcast_in_dim3A_34 : vector<512x128xi1>, vector<512x128xf32>
    %eq3A_35 = arith.constant 1 : i32
    %eq3A_36 = vector.broadcast %eq3A_35 : i32 to vector<512x128xi32>
    %eq3A_37 = arith.cmpi eq, %slice3A_29, %eq3A_36 : vector<512x128xi32>
    %slice3A_38 = vector.extract_strided_slice %dot_general3A_28 {offsets = [0, 128], sizes = [512, 128], strides = [1, 1]} : vector<512x2048xf32> to vector<512x128xf32>
    %jit3A_39 = arith.constant 0.000000e+00 : f32
    %broadcast_in_dim3A_40 = vector.broadcast %jit3A_39 : f32 to vector<512x128xf32>
    %select_n3A_41 = arith.select %eq3A_37, %slice3A_38, %broadcast_in_dim3A_40 : vector<512x128xi1>, vector<512x128xf32>
    %add3A_42 = arith.addf %select_n3A, %select_n3A_41 : vector<512x128xf32>
    %eq3A_43 = arith.constant 2 : i32
    %eq3A_44 = vector.broadcast %eq3A_43 : i32 to vector<512x128xi32>
    %eq3A_45 = arith.cmpi eq, %slice3A_29, %eq3A_44 : vector<512x128xi32>
    %slice3A_46 = vector.extract_strided_slice %dot_general3A_28 {offsets = [0, 256], sizes = [512, 128], strides = [1, 1]} : vector<512x2048xf32> to vector<512x128xf32>
    %jit3A_47 = arith.constant 0.000000e+00 : f32
    %broadcast_in_dim3A_48 = vector.broadcast %jit3A_47 : f32 to vector<512x128xf32>
    %select_n3A_49 = arith.select %eq3A_45, %slice3A_46, %broadcast_in_dim3A_48 : vector<512x128xi1>, vector<512x128xf32>
    %add3A_50 = arith.addf %add3A_42, %select_n3A_49 : vector<512x128xf32>
    %eq3A_51 = arith.constant 3 : i32
    %eq3A_52 = vector.broadcast %eq3A_51 : i32 to vector<512x128xi32>
    %eq3A_53 = arith.cmpi eq, %slice3A_29, %eq3A_52 : vector<512x128xi32>
    %slice3A_54 = vector.extract_strided_slice %dot_general3A_28 {offsets = [0, 384], sizes = [512, 128], strides = [1, 1]} : vector<512x2048xf32> to vector<512x128xf32>
    %jit3A_55 = arith.constant 0.000000e+00 : f32
    %broadcast_in_dim3A_56 = vector.broadcast %jit3A_55 : f32 to vector<512x128xf32>
    %select_n3A_57 = arith.select %eq3A_53, %slice3A_54, %broadcast_in_dim3A_56 : vector<512x128xi1>, vector<512x128xf32>
    %add3A_58 = arith.addf %add3A_50, %select_n3A_57 : vector<512x128xf32>
    %eq3A_59 = arith.constant 4 : i32
    %eq3A_60 = vector.broadcast %eq3A_59 : i32 to vector<512x128xi32>
    %eq3A_61 = arith.cmpi eq, %slice3A_29, %eq3A_60 : vector<512x128xi32>
    %slice3A_62 = vector.extract_strided_slice %dot_general3A_28 {offsets = [0, 512], sizes = [512, 128], strides = [1, 1]} : vector<512x2048xf32> to vector<512x128xf32>
    %jit3A_63 = arith.constant 0.000000e+00 : f32
    %broadcast_in_dim3A_64 = vector.broadcast %jit3A_63 : f32 to vector<512x128xf32>
    %select_n3A_65 = arith.select %eq3A_61, %slice3A_62, %broadcast_in_dim3A_64 : vector<512x128xi1>, vector<512x128xf32>
    %add3A_66 = arith.addf %add3A_58, %select_n3A_65 : vector<512x128xf32>
    %eq3A_67 = arith.constant 5 : i32
    %eq3A_68 = vector.broadcast %eq3A_67 : i32 to vector<512x128xi32>
    %eq3A_69 = arith.cmpi eq, %slice3A_29, %eq3A_68 : vector<512x128xi32>
    %slice3A_70 = vector.extract_strided_slice %dot_general3A_28 {offsets = [0, 640], sizes = [512, 128], strides = [1, 1]} : vector<512x2048xf32> to vector<512x128xf32>
    %jit3A_71 = arith.constant 0.000000e+00 : f32
    %broadcast_in_dim3A_72 = vector.broadcast %jit3A_71 : f32 to vector<512x128xf32>
    %select_n3A_73 = arith.select %eq3A_69, %slice3A_70, %broadcast_in_dim3A_72 : vector<512x128xi1>, vector<512x128xf32>
    %add3A_74 = arith.addf %add3A_66, %select_n3A_73 : vector<512x128xf32>
    %eq3A_75 = arith.constant 6 : i32
    %eq3A_76 = vector.broadcast %eq3A_75 : i32 to vector<512x128xi32>
    %eq3A_77 = arith.cmpi eq, %slice3A_29, %eq3A_76 : vector<512x128xi32>
    %slice3A_78 = vector.extract_strided_slice %dot_general3A_28 {offsets = [0, 768], sizes = [512, 128], strides = [1, 1]} : vector<512x2048xf32> to vector<512x128xf32>
    %jit3A_79 = arith.constant 0.000000e+00 : f32
    %broadcast_in_dim3A_80 = vector.broadcast %jit3A_79 : f32 to vector<512x128xf32>
    %select_n3A_81 = arith.select %eq3A_77, %slice3A_78, %broadcast_in_dim3A_80 : vector<512x128xi1>, vector<512x128xf32>
    %add3A_82 = arith.addf %add3A_74, %select_n3A_81 : vector<512x128xf32>
    %eq3A_83 = arith.constant 7 : i32
    %eq3A_84 = vector.broadcast %eq3A_83 : i32 to vector<512x128xi32>
    %eq3A_85 = arith.cmpi eq, %slice3A_29, %eq3A_84 : vector<512x128xi32>
    %slice3A_86 = vector.extract_strided_slice %dot_general3A_28 {offsets = [0, 896], sizes = [512, 128], strides = [1, 1]} : vector<512x2048xf32> to vector<512x128xf32>
    %jit3A_87 = arith.constant 0.000000e+00 : f32
    %broadcast_in_dim3A_88 = vector.broadcast %jit3A_87 : f32 to vector<512x128xf32>
    %select_n3A_89 = arith.select %eq3A_85, %slice3A_86, %broadcast_in_dim3A_88 : vector<512x128xi1>, vector<512x128xf32>
    %add3A_90 = arith.addf %add3A_82, %select_n3A_89 : vector<512x128xf32>
    %eq3A_91 = arith.constant 8 : i32
    %eq3A_92 = vector.broadcast %eq3A_91 : i32 to vector<512x128xi32>
    %eq3A_93 = arith.cmpi eq, %slice3A_29, %eq3A_92 : vector<512x128xi32>
    %slice3A_94 = vector.extract_strided_slice %dot_general3A_28 {offsets = [0, 1024], sizes = [512, 128], strides = [1, 1]} : vector<512x2048xf32> to vector<512x128xf32>
    %jit3A_95 = arith.constant 0.000000e+00 : f32
    %broadcast_in_dim3A_96 = vector.broadcast %jit3A_95 : f32 to vector<512x128xf32>
    %select_n3A_97 = arith.select %eq3A_93, %slice3A_94, %broadcast_in_dim3A_96 : vector<512x128xi1>, vector<512x128xf32>
    %add3A_98 = arith.addf %add3A_90, %select_n3A_97 : vector<512x128xf32>
    %eq3A_99 = arith.constant 9 : i32
    %eq3A_100 = vector.broadcast %eq3A_99 : i32 to vector<512x128xi32>
    %eq3A_101 = arith.cmpi eq, %slice3A_29, %eq3A_100 : vector<512x128xi32>
    %slice3A_102 = vector.extract_strided_slice %dot_general3A_28 {offsets = [0, 1152], sizes = [512, 128], strides = [1, 1]} : vector<512x2048xf32> to vector<512x128xf32>
    %jit3A_103 = arith.constant 0.000000e+00 : f32
    %broadcast_in_dim3A_104 = vector.broadcast %jit3A_103 : f32 to vector<512x128xf32>
    %select_n3A_105 = arith.select %eq3A_101, %slice3A_102, %broadcast_in_dim3A_104 : vector<512x128xi1>, vector<512x128xf32>
    %add3A_106 = arith.addf %add3A_98, %select_n3A_105 : vector<512x128xf32>
    %eq3A_107 = arith.constant 10 : i32
    %eq3A_108 = vector.broadcast %eq3A_107 : i32 to vector<512x128xi32>
    %eq3A_109 = arith.cmpi eq, %slice3A_29, %eq3A_108 : vector<512x128xi32>
    %slice3A_110 = vector.extract_strided_slice %dot_general3A_28 {offsets = [0, 1280], sizes = [512, 128], strides = [1, 1]} : vector<512x2048xf32> to vector<512x128xf32>
    %jit3A_111 = arith.constant 0.000000e+00 : f32
    %broadcast_in_dim3A_112 = vector.broadcast %jit3A_111 : f32 to vector<512x128xf32>
    %select_n3A_113 = arith.select %eq3A_109, %slice3A_110, %broadcast_in_dim3A_112 : vector<512x128xi1>, vector<512x128xf32>
    %add3A_114 = arith.addf %add3A_106, %select_n3A_113 : vector<512x128xf32>
    %eq3A_115 = arith.constant 11 : i32
    %eq3A_116 = vector.broadcast %eq3A_115 : i32 to vector<512x128xi32>
    %eq3A_117 = arith.cmpi eq, %slice3A_29, %eq3A_116 : vector<512x128xi32>
    %slice3A_118 = vector.extract_strided_slice %dot_general3A_28 {offsets = [0, 1408], sizes = [512, 128], strides = [1, 1]} : vector<512x2048xf32> to vector<512x128xf32>
    %jit3A_119 = arith.constant 0.000000e+00 : f32
    %broadcast_in_dim3A_120 = vector.broadcast %jit3A_119 : f32 to vector<512x128xf32>
    %select_n3A_121 = arith.select %eq3A_117, %slice3A_118, %broadcast_in_dim3A_120 : vector<512x128xi1>, vector<512x128xf32>
    %add3A_122 = arith.addf %add3A_114, %select_n3A_121 : vector<512x128xf32>
    %eq3A_123 = arith.constant 12 : i32
    %eq3A_124 = vector.broadcast %eq3A_123 : i32 to vector<512x128xi32>
    %eq3A_125 = arith.cmpi eq, %slice3A_29, %eq3A_124 : vector<512x128xi32>
    %slice3A_126 = vector.extract_strided_slice %dot_general3A_28 {offsets = [0, 1536], sizes = [512, 128], strides = [1, 1]} : vector<512x2048xf32> to vector<512x128xf32>
    %jit3A_127 = arith.constant 0.000000e+00 : f32
    %broadcast_in_dim3A_128 = vector.broadcast %jit3A_127 : f32 to vector<512x128xf32>
    %select_n3A_129 = arith.select %eq3A_125, %slice3A_126, %broadcast_in_dim3A_128 : vector<512x128xi1>, vector<512x128xf32>
    %add3A_130 = arith.addf %add3A_122, %select_n3A_129 : vector<512x128xf32>
    %eq3A_131 = arith.constant 13 : i32
    %eq3A_132 = vector.broadcast %eq3A_131 : i32 to vector<512x128xi32>
    %eq3A_133 = arith.cmpi eq, %slice3A_29, %eq3A_132 : vector<512x128xi32>
    %slice3A_134 = vector.extract_strided_slice %dot_general3A_28 {offsets = [0, 1664], sizes = [512, 128], strides = [1, 1]} : vector<512x2048xf32> to vector<512x128xf32>
    %jit3A_135 = arith.constant 0.000000e+00 : f32
    %broadcast_in_dim3A_136 = vector.broadcast %jit3A_135 : f32 to vector<512x128xf32>
    %select_n3A_137 = arith.select %eq3A_133, %slice3A_134, %broadcast_in_dim3A_136 : vector<512x128xi1>, vector<512x128xf32>
    %add3A_138 = arith.addf %add3A_130, %select_n3A_137 : vector<512x128xf32>
    %eq3A_139 = arith.constant 14 : i32
    %eq3A_140 = vector.broadcast %eq3A_139 : i32 to vector<512x128xi32>
    %eq3A_141 = arith.cmpi eq, %slice3A_29, %eq3A_140 : vector<512x128xi32>
    %slice3A_142 = vector.extract_strided_slice %dot_general3A_28 {offsets = [0, 1792], sizes = [512, 128], strides = [1, 1]} : vector<512x2048xf32> to vector<512x128xf32>
    %jit3A_143 = arith.constant 0.000000e+00 : f32
    %broadcast_in_dim3A_144 = vector.broadcast %jit3A_143 : f32 to vector<512x128xf32>
    %select_n3A_145 = arith.select %eq3A_141, %slice3A_142, %broadcast_in_dim3A_144 : vector<512x128xi1>, vector<512x128xf32>
    %add3A_146 = arith.addf %add3A_138, %select_n3A_145 : vector<512x128xf32>
    %eq3A_147 = arith.constant 15 : i32
    %eq3A_148 = vector.broadcast %eq3A_147 : i32 to vector<512x128xi32>
    %eq3A_149 = arith.cmpi eq, %slice3A_29, %eq3A_148 : vector<512x128xi32>
    %slice3A_150 = vector.extract_strided_slice %dot_general3A_28 {offsets = [0, 1920], sizes = [512, 128], strides = [1, 1]} : vector<512x2048xf32> to vector<512x128xf32>
    %jit3A_151 = arith.constant 0.000000e+00 : f32
    %broadcast_in_dim3A_152 = vector.broadcast %jit3A_151 : f32 to vector<512x128xf32>
    %select_n3A_153 = arith.select %eq3A_149, %slice3A_150, %broadcast_in_dim3A_152 : vector<512x128xi1>, vector<512x128xf32>
    %add3A_154 = arith.addf %add3A_146, %select_n3A_153 : vector<512x128xf32>
    %slice3A_155 = vector.extract_strided_slice %concatenate3A_24 {offsets = [512, 0], sizes = [512, 144], strides = [1, 1]} : vector<2048x144xbf16> to vector<512x144xbf16>
    %dot_general3A_156 = arith.constant dense<0.000000e+00> : vector<512x2048xf32>
    %dot_general3A_157 = tpu.matmul %slice3A_155, %concatenate3A, %dot_general3A_156 {dimension_numbers = #tpu.dot_dimension_numbers<[1], [1], [0], [0], [0, 0, 1, 0], [], []>, transpose_lhs_hint = false} : vector<512x144xbf16>, vector<2048x144xbf16>, vector<512x2048xf32> -> vector<512x2048xf32>
    %slice3A_158 = vector.extract_strided_slice %broadcast_in_dim3A_26 {offsets = [512, 0], sizes = [512, 128], strides = [1, 1]} : vector<2048x128xi32> to vector<512x128xi32>
    %eq3A_159 = arith.constant 0 : i32
    %eq3A_160 = vector.broadcast %eq3A_159 : i32 to vector<512x128xi32>
    %eq3A_161 = arith.cmpi eq, %slice3A_158, %eq3A_160 : vector<512x128xi32>
    %slice3A_162 = vector.extract_strided_slice %dot_general3A_157 {offsets = [0, 0], sizes = [512, 128], strides = [1, 1]} : vector<512x2048xf32> to vector<512x128xf32>
    %jit3A_163 = arith.constant 0.000000e+00 : f32
    %broadcast_in_dim3A_164 = vector.broadcast %jit3A_163 : f32 to vector<512x128xf32>
    %select_n3A_165 = arith.select %eq3A_161, %slice3A_162, %broadcast_in_dim3A_164 : vector<512x128xi1>, vector<512x128xf32>
    %eq3A_166 = arith.constant 1 : i32
    %eq3A_167 = vector.broadcast %eq3A_166 : i32 to vector<512x128xi32>
    %eq3A_168 = arith.cmpi eq, %slice3A_158, %eq3A_167 : vector<512x128xi32>
    %slice3A_169 = vector.extract_strided_slice %dot_general3A_157 {offsets = [0, 128], sizes = [512, 128], strides = [1, 1]} : vector<512x2048xf32> to vector<512x128xf32>
    %jit3A_170 = arith.constant 0.000000e+00 : f32
    %broadcast_in_dim3A_171 = vector.broadcast %jit3A_170 : f32 to vector<512x128xf32>
    %select_n3A_172 = arith.select %eq3A_168, %slice3A_169, %broadcast_in_dim3A_171 : vector<512x128xi1>, vector<512x128xf32>
    %add3A_173 = arith.addf %select_n3A_165, %select_n3A_172 : vector<512x128xf32>
    %eq3A_174 = arith.constant 2 : i32
    %eq3A_175 = vector.broadcast %eq3A_174 : i32 to vector<512x128xi32>
    %eq3A_176 = arith.cmpi eq, %slice3A_158, %eq3A_175 : vector<512x128xi32>
    %slice3A_177 = vector.extract_strided_slice %dot_general3A_157 {offsets = [0, 256], sizes = [512, 128], strides = [1, 1]} : vector<512x2048xf32> to vector<512x128xf32>
    %jit3A_178 = arith.constant 0.000000e+00 : f32
    %broadcast_in_dim3A_179 = vector.broadcast %jit3A_178 : f32 to vector<512x128xf32>
    %select_n3A_180 = arith.select %eq3A_176, %slice3A_177, %broadcast_in_dim3A_179 : vector<512x128xi1>, vector<512x128xf32>
    %add3A_181 = arith.addf %add3A_173, %select_n3A_180 : vector<512x128xf32>
    %eq3A_182 = arith.constant 3 : i32
    %eq3A_183 = vector.broadcast %eq3A_182 : i32 to vector<512x128xi32>
    %eq3A_184 = arith.cmpi eq, %slice3A_158, %eq3A_183 : vector<512x128xi32>
    %slice3A_185 = vector.extract_strided_slice %dot_general3A_157 {offsets = [0, 384], sizes = [512, 128], strides = [1, 1]} : vector<512x2048xf32> to vector<512x128xf32>
    %jit3A_186 = arith.constant 0.000000e+00 : f32
    %broadcast_in_dim3A_187 = vector.broadcast %jit3A_186 : f32 to vector<512x128xf32>
    %select_n3A_188 = arith.select %eq3A_184, %slice3A_185, %broadcast_in_dim3A_187 : vector<512x128xi1>, vector<512x128xf32>
    %add3A_189 = arith.addf %add3A_181, %select_n3A_188 : vector<512x128xf32>
    %eq3A_190 = arith.constant 4 : i32
    %eq3A_191 = vector.broadcast %eq3A_190 : i32 to vector<512x128xi32>
    %eq3A_192 = arith.cmpi eq, %slice3A_158, %eq3A_191 : vector<512x128xi32>
    %slice3A_193 = vector.extract_strided_slice %dot_general3A_157 {offsets = [0, 512], sizes = [512, 128], strides = [1, 1]} : vector<512x2048xf32> to vector<512x128xf32>
    %jit3A_194 = arith.constant 0.000000e+00 : f32
    %broadcast_in_dim3A_195 = vector.broadcast %jit3A_194 : f32 to vector<512x128xf32>
    %select_n3A_196 = arith.select %eq3A_192, %slice3A_193, %broadcast_in_dim3A_195 : vector<512x128xi1>, vector<512x128xf32>
    %add3A_197 = arith.addf %add3A_189, %select_n3A_196 : vector<512x128xf32>
    %eq3A_198 = arith.constant 5 : i32
    %eq3A_199 = vector.broadcast %eq3A_198 : i32 to vector<512x128xi32>
    %eq3A_200 = arith.cmpi eq, %slice3A_158, %eq3A_199 : vector<512x128xi32>
    %slice3A_201 = vector.extract_strided_slice %dot_general3A_157 {offsets = [0, 640], sizes = [512, 128], strides = [1, 1]} : vector<512x2048xf32> to vector<512x128xf32>
    %jit3A_202 = arith.constant 0.000000e+00 : f32
    %broadcast_in_dim3A_203 = vector.broadcast %jit3A_202 : f32 to vector<512x128xf32>
    %select_n3A_204 = arith.select %eq3A_200, %slice3A_201, %broadcast_in_dim3A_203 : vector<512x128xi1>, vector<512x128xf32>
    %add3A_205 = arith.addf %add3A_197, %select_n3A_204 : vector<512x128xf32>
    %eq3A_206 = arith.constant 6 : i32
    %eq3A_207 = vector.broadcast %eq3A_206 : i32 to vector<512x128xi32>
    %eq3A_208 = arith.cmpi eq, %slice3A_158, %eq3A_207 : vector<512x128xi32>
    %slice3A_209 = vector.extract_strided_slice %dot_general3A_157 {offsets = [0, 768], sizes = [512, 128], strides = [1, 1]} : vector<512x2048xf32> to vector<512x128xf32>
    %jit3A_210 = arith.constant 0.000000e+00 : f32
    %broadcast_in_dim3A_211 = vector.broadcast %jit3A_210 : f32 to vector<512x128xf32>
    %select_n3A_212 = arith.select %eq3A_208, %slice3A_209, %broadcast_in_dim3A_211 : vector<512x128xi1>, vector<512x128xf32>
    %add3A_213 = arith.addf %add3A_205, %select_n3A_212 : vector<512x128xf32>
    %eq3A_214 = arith.constant 7 : i32
    %eq3A_215 = vector.broadcast %eq3A_214 : i32 to vector<512x128xi32>
    %eq3A_216 = arith.cmpi eq, %slice3A_158, %eq3A_215 : vector<512x128xi32>
    %slice3A_217 = vector.extract_strided_slice %dot_general3A_157 {offsets = [0, 896], sizes = [512, 128], strides = [1, 1]} : vector<512x2048xf32> to vector<512x128xf32>
    %jit3A_218 = arith.constant 0.000000e+00 : f32
    %broadcast_in_dim3A_219 = vector.broadcast %jit3A_218 : f32 to vector<512x128xf32>
    %select_n3A_220 = arith.select %eq3A_216, %slice3A_217, %broadcast_in_dim3A_219 : vector<512x128xi1>, vector<512x128xf32>
    %add3A_221 = arith.addf %add3A_213, %select_n3A_220 : vector<512x128xf32>
    %eq3A_222 = arith.constant 8 : i32
    %eq3A_223 = vector.broadcast %eq3A_222 : i32 to vector<512x128xi32>
    %eq3A_224 = arith.cmpi eq, %slice3A_158, %eq3A_223 : vector<512x128xi32>
    %slice3A_225 = vector.extract_strided_slice %dot_general3A_157 {offsets = [0, 1024], sizes = [512, 128], strides = [1, 1]} : vector<512x2048xf32> to vector<512x128xf32>
    %jit3A_226 = arith.constant 0.000000e+00 : f32
    %broadcast_in_dim3A_227 = vector.broadcast %jit3A_226 : f32 to vector<512x128xf32>
    %select_n3A_228 = arith.select %eq3A_224, %slice3A_225, %broadcast_in_dim3A_227 : vector<512x128xi1>, vector<512x128xf32>
    %add3A_229 = arith.addf %add3A_221, %select_n3A_228 : vector<512x128xf32>
    %eq3A_230 = arith.constant 9 : i32
    %eq3A_231 = vector.broadcast %eq3A_230 : i32 to vector<512x128xi32>
    %eq3A_232 = arith.cmpi eq, %slice3A_158, %eq3A_231 : vector<512x128xi32>
    %slice3A_233 = vector.extract_strided_slice %dot_general3A_157 {offsets = [0, 1152], sizes = [512, 128], strides = [1, 1]} : vector<512x2048xf32> to vector<512x128xf32>
    %jit3A_234 = arith.constant 0.000000e+00 : f32
    %broadcast_in_dim3A_235 = vector.broadcast %jit3A_234 : f32 to vector<512x128xf32>
    %select_n3A_236 = arith.select %eq3A_232, %slice3A_233, %broadcast_in_dim3A_235 : vector<512x128xi1>, vector<512x128xf32>
    %add3A_237 = arith.addf %add3A_229, %select_n3A_236 : vector<512x128xf32>
    %eq3A_238 = arith.constant 10 : i32
    %eq3A_239 = vector.broadcast %eq3A_238 : i32 to vector<512x128xi32>
    %eq3A_240 = arith.cmpi eq, %slice3A_158, %eq3A_239 : vector<512x128xi32>
    %slice3A_241 = vector.extract_strided_slice %dot_general3A_157 {offsets = [0, 1280], sizes = [512, 128], strides = [1, 1]} : vector<512x2048xf32> to vector<512x128xf32>
    %jit3A_242 = arith.constant 0.000000e+00 : f32
    %broadcast_in_dim3A_243 = vector.broadcast %jit3A_242 : f32 to vector<512x128xf32>
    %select_n3A_244 = arith.select %eq3A_240, %slice3A_241, %broadcast_in_dim3A_243 : vector<512x128xi1>, vector<512x128xf32>
    %add3A_245 = arith.addf %add3A_237, %select_n3A_244 : vector<512x128xf32>
    %eq3A_246 = arith.constant 11 : i32
    %eq3A_247 = vector.broadcast %eq3A_246 : i32 to vector<512x128xi32>
    %eq3A_248 = arith.cmpi eq, %slice3A_158, %eq3A_247 : vector<512x128xi32>
    %slice3A_249 = vector.extract_strided_slice %dot_general3A_157 {offsets = [0, 1408], sizes = [512, 128], strides = [1, 1]} : vector<512x2048xf32> to vector<512x128xf32>
    %jit3A_250 = arith.constant 0.000000e+00 : f32
    %broadcast_in_dim3A_251 = vector.broadcast %jit3A_250 : f32 to vector<512x128xf32>
    %select_n3A_252 = arith.select %eq3A_248, %slice3A_249, %broadcast_in_dim3A_251 : vector<512x128xi1>, vector<512x128xf32>
    %add3A_253 = arith.addf %add3A_245, %select_n3A_252 : vector<512x128xf32>
    %eq3A_254 = arith.constant 12 : i32
    %eq3A_255 = vector.broadcast %eq3A_254 : i32 to vector<512x128xi32>
    %eq3A_256 = arith.cmpi eq, %slice3A_158, %eq3A_255 : vector<512x128xi32>
    %slice3A_257 = vector.extract_strided_slice %dot_general3A_157 {offsets = [0, 1536], sizes = [512, 128], strides = [1, 1]} : vector<512x2048xf32> to vector<512x128xf32>
    %jit3A_258 = arith.constant 0.000000e+00 : f32
    %broadcast_in_dim3A_259 = vector.broadcast %jit3A_258 : f32 to vector<512x128xf32>
    %select_n3A_260 = arith.select %eq3A_256, %slice3A_257, %broadcast_in_dim3A_259 : vector<512x128xi1>, vector<512x128xf32>
    %add3A_261 = arith.addf %add3A_253, %select_n3A_260 : vector<512x128xf32>
    %eq3A_262 = arith.constant 13 : i32
    %eq3A_263 = vector.broadcast %eq3A_262 : i32 to vector<512x128xi32>
    %eq3A_264 = arith.cmpi eq, %slice3A_158, %eq3A_263 : vector<512x128xi32>
    %slice3A_265 = vector.extract_strided_slice %dot_general3A_157 {offsets = [0, 1664], sizes = [512, 128], strides = [1, 1]} : vector<512x2048xf32> to vector<512x128xf32>
    %jit3A_266 = arith.constant 0.000000e+00 : f32
    %broadcast_in_dim3A_267 = vector.broadcast %jit3A_266 : f32 to vector<512x128xf32>
    %select_n3A_268 = arith.select %eq3A_264, %slice3A_265, %broadcast_in_dim3A_267 : vector<512x128xi1>, vector<512x128xf32>
    %add3A_269 = arith.addf %add3A_261, %select_n3A_268 : vector<512x128xf32>
    %eq3A_270 = arith.constant 14 : i32
    %eq3A_271 = vector.broadcast %eq3A_270 : i32 to vector<512x128xi32>
    %eq3A_272 = arith.cmpi eq, %slice3A_158, %eq3A_271 : vector<512x128xi32>
    %slice3A_273 = vector.extract_strided_slice %dot_general3A_157 {offsets = [0, 1792], sizes = [512, 128], strides = [1, 1]} : vector<512x2048xf32> to vector<512x128xf32>
    %jit3A_274 = arith.constant 0.000000e+00 : f32
    %broadcast_in_dim3A_275 = vector.broadcast %jit3A_274 : f32 to vector<512x128xf32>
    %select_n3A_276 = arith.select %eq3A_272, %slice3A_273, %broadcast_in_dim3A_275 : vector<512x128xi1>, vector<512x128xf32>
    %add3A_277 = arith.addf %add3A_269, %select_n3A_276 : vector<512x128xf32>
    %eq3A_278 = arith.constant 15 : i32
    %eq3A_279 = vector.broadcast %eq3A_278 : i32 to vector<512x128xi32>
    %eq3A_280 = arith.cmpi eq, %slice3A_158, %eq3A_279 : vector<512x128xi32>
    %slice3A_281 = vector.extract_strided_slice %dot_general3A_157 {offsets = [0, 1920], sizes = [512, 128], strides = [1, 1]} : vector<512x2048xf32> to vector<512x128xf32>
    %jit3A_282 = arith.constant 0.000000e+00 : f32
    %broadcast_in_dim3A_283 = vector.broadcast %jit3A_282 : f32 to vector<512x128xf32>
    %select_n3A_284 = arith.select %eq3A_280, %slice3A_281, %broadcast_in_dim3A_283 : vector<512x128xi1>, vector<512x128xf32>
    %add3A_285 = arith.addf %add3A_277, %select_n3A_284 : vector<512x128xf32>
    %slice3A_286 = vector.extract_strided_slice %concatenate3A_24 {offsets = [1024, 0], sizes = [512, 144], strides = [1, 1]} : vector<2048x144xbf16> to vector<512x144xbf16>
    %dot_general3A_287 = arith.constant dense<0.000000e+00> : vector<512x2048xf32>
    %dot_general3A_288 = tpu.matmul %slice3A_286, %concatenate3A, %dot_general3A_287 {dimension_numbers = #tpu.dot_dimension_numbers<[1], [1], [0], [0], [0, 0, 1, 0], [], []>, transpose_lhs_hint = false} : vector<512x144xbf16>, vector<2048x144xbf16>, vector<512x2048xf32> -> vector<512x2048xf32>
    %slice3A_289 = vector.extract_strided_slice %broadcast_in_dim3A_26 {offsets = [1024, 0], sizes = [512, 128], strides = [1, 1]} : vector<2048x128xi32> to vector<512x128xi32>
    %eq3A_290 = arith.constant 0 : i32
    %eq3A_291 = vector.broadcast %eq3A_290 : i32 to vector<512x128xi32>
    %eq3A_292 = arith.cmpi eq, %slice3A_289, %eq3A_291 : vector<512x128xi32>
    %slice3A_293 = vector.extract_strided_slice %dot_general3A_288 {offsets = [0, 0], sizes = [512, 128], strides = [1, 1]} : vector<512x2048xf32> to vector<512x128xf32>
    %jit3A_294 = arith.constant 0.000000e+00 : f32
    %broadcast_in_dim3A_295 = vector.broadcast %jit3A_294 : f32 to vector<512x128xf32>
    %select_n3A_296 = arith.select %eq3A_292, %slice3A_293, %broadcast_in_dim3A_295 : vector<512x128xi1>, vector<512x128xf32>
    %eq3A_297 = arith.constant 1 : i32
    %eq3A_298 = vector.broadcast %eq3A_297 : i32 to vector<512x128xi32>
    %eq3A_299 = arith.cmpi eq, %slice3A_289, %eq3A_298 : vector<512x128xi32>
    %slice3A_300 = vector.extract_strided_slice %dot_general3A_288 {offsets = [0, 128], sizes = [512, 128], strides = [1, 1]} : vector<512x2048xf32> to vector<512x128xf32>
    %jit3A_301 = arith.constant 0.000000e+00 : f32
    %broadcast_in_dim3A_302 = vector.broadcast %jit3A_301 : f32 to vector<512x128xf32>
    %select_n3A_303 = arith.select %eq3A_299, %slice3A_300, %broadcast_in_dim3A_302 : vector<512x128xi1>, vector<512x128xf32>
    %add3A_304 = arith.addf %select_n3A_296, %select_n3A_303 : vector<512x128xf32>
    %eq3A_305 = arith.constant 2 : i32
    %eq3A_306 = vector.broadcast %eq3A_305 : i32 to vector<512x128xi32>
    %eq3A_307 = arith.cmpi eq, %slice3A_289, %eq3A_306 : vector<512x128xi32>
    %slice3A_308 = vector.extract_strided_slice %dot_general3A_288 {offsets = [0, 256], sizes = [512, 128], strides = [1, 1]} : vector<512x2048xf32> to vector<512x128xf32>
    %jit3A_309 = arith.constant 0.000000e+00 : f32
    %broadcast_in_dim3A_310 = vector.broadcast %jit3A_309 : f32 to vector<512x128xf32>
    %select_n3A_311 = arith.select %eq3A_307, %slice3A_308, %broadcast_in_dim3A_310 : vector<512x128xi1>, vector<512x128xf32>
    %add3A_312 = arith.addf %add3A_304, %select_n3A_311 : vector<512x128xf32>
    %eq3A_313 = arith.constant 3 : i32
    %eq3A_314 = vector.broadcast %eq3A_313 : i32 to vector<512x128xi32>
    %eq3A_315 = arith.cmpi eq, %slice3A_289, %eq3A_314 : vector<512x128xi32>
    %slice3A_316 = vector.extract_strided_slice %dot_general3A_288 {offsets = [0, 384], sizes = [512, 128], strides = [1, 1]} : vector<512x2048xf32> to vector<512x128xf32>
    %jit3A_317 = arith.constant 0.000000e+00 : f32
    %broadcast_in_dim3A_318 = vector.broadcast %jit3A_317 : f32 to vector<512x128xf32>
    %select_n3A_319 = arith.select %eq3A_315, %slice3A_316, %broadcast_in_dim3A_318 : vector<512x128xi1>, vector<512x128xf32>
    %add3A_320 = arith.addf %add3A_312, %select_n3A_319 : vector<512x128xf32>
    %eq3A_321 = arith.constant 4 : i32
    %eq3A_322 = vector.broadcast %eq3A_321 : i32 to vector<512x128xi32>
    %eq3A_323 = arith.cmpi eq, %slice3A_289, %eq3A_322 : vector<512x128xi32>
    %slice3A_324 = vector.extract_strided_slice %dot_general3A_288 {offsets = [0, 512], sizes = [512, 128], strides = [1, 1]} : vector<512x2048xf32> to vector<512x128xf32>
    %jit3A_325 = arith.constant 0.000000e+00 : f32
    %broadcast_in_dim3A_326 = vector.broadcast %jit3A_325 : f32 to vector<512x128xf32>
    %select_n3A_327 = arith.select %eq3A_323, %slice3A_324, %broadcast_in_dim3A_326 : vector<512x128xi1>, vector<512x128xf32>
    %add3A_328 = arith.addf %add3A_320, %select_n3A_327 : vector<512x128xf32>
    %eq3A_329 = arith.constant 5 : i32
    %eq3A_330 = vector.broadcast %eq3A_329 : i32 to vector<512x128xi32>
    %eq3A_331 = arith.cmpi eq, %slice3A_289, %eq3A_330 : vector<512x128xi32>
    %slice3A_332 = vector.extract_strided_slice %dot_general3A_288 {offsets = [0, 640], sizes = [512, 128], strides = [1, 1]} : vector<512x2048xf32> to vector<512x128xf32>
    %jit3A_333 = arith.constant 0.000000e+00 : f32
    %broadcast_in_dim3A_334 = vector.broadcast %jit3A_333 : f32 to vector<512x128xf32>
    %select_n3A_335 = arith.select %eq3A_331, %slice3A_332, %broadcast_in_dim3A_334 : vector<512x128xi1>, vector<512x128xf32>
    %add3A_336 = arith.addf %add3A_328, %select_n3A_335 : vector<512x128xf32>
    %eq3A_337 = arith.constant 6 : i32
    %eq3A_338 = vector.broadcast %eq3A_337 : i32 to vector<512x128xi32>
    %eq3A_339 = arith.cmpi eq, %slice3A_289, %eq3A_338 : vector<512x128xi32>
    %slice3A_340 = vector.extract_strided_slice %dot_general3A_288 {offsets = [0, 768], sizes = [512, 128], strides = [1, 1]} : vector<512x2048xf32> to vector<512x128xf32>
    %jit3A_341 = arith.constant 0.000000e+00 : f32
    %broadcast_in_dim3A_342 = vector.broadcast %jit3A_341 : f32 to vector<512x128xf32>
    %select_n3A_343 = arith.select %eq3A_339, %slice3A_340, %broadcast_in_dim3A_342 : vector<512x128xi1>, vector<512x128xf32>
    %add3A_344 = arith.addf %add3A_336, %select_n3A_343 : vector<512x128xf32>
    %eq3A_345 = arith.constant 7 : i32
    %eq3A_346 = vector.broadcast %eq3A_345 : i32 to vector<512x128xi32>
    %eq3A_347 = arith.cmpi eq, %slice3A_289, %eq3A_346 : vector<512x128xi32>
    %slice3A_348 = vector.extract_strided_slice %dot_general3A_288 {offsets = [0, 896], sizes = [512, 128], strides = [1, 1]} : vector<512x2048xf32> to vector<512x128xf32>
    %jit3A_349 = arith.constant 0.000000e+00 : f32
    %broadcast_in_dim3A_350 = vector.broadcast %jit3A_349 : f32 to vector<512x128xf32>
    %select_n3A_351 = arith.select %eq3A_347, %slice3A_348, %broadcast_in_dim3A_350 : vector<512x128xi1>, vector<512x128xf32>
    %add3A_352 = arith.addf %add3A_344, %select_n3A_351 : vector<512x128xf32>
    %eq3A_353 = arith.constant 8 : i32
    %eq3A_354 = vector.broadcast %eq3A_353 : i32 to vector<512x128xi32>
    %eq3A_355 = arith.cmpi eq, %slice3A_289, %eq3A_354 : vector<512x128xi32>
    %slice3A_356 = vector.extract_strided_slice %dot_general3A_288 {offsets = [0, 1024], sizes = [512, 128], strides = [1, 1]} : vector<512x2048xf32> to vector<512x128xf32>
    %jit3A_357 = arith.constant 0.000000e+00 : f32
    %broadcast_in_dim3A_358 = vector.broadcast %jit3A_357 : f32 to vector<512x128xf32>
    %select_n3A_359 = arith.select %eq3A_355, %slice3A_356, %broadcast_in_dim3A_358 : vector<512x128xi1>, vector<512x128xf32>
    %add3A_360 = arith.addf %add3A_352, %select_n3A_359 : vector<512x128xf32>
    %eq3A_361 = arith.constant 9 : i32
    %eq3A_362 = vector.broadcast %eq3A_361 : i32 to vector<512x128xi32>
    %eq3A_363 = arith.cmpi eq, %slice3A_289, %eq3A_362 : vector<512x128xi32>
    %slice3A_364 = vector.extract_strided_slice %dot_general3A_288 {offsets = [0, 1152], sizes = [512, 128], strides = [1, 1]} : vector<512x2048xf32> to vector<512x128xf32>
    %jit3A_365 = arith.constant 0.000000e+00 : f32
    %broadcast_in_dim3A_366 = vector.broadcast %jit3A_365 : f32 to vector<512x128xf32>
    %select_n3A_367 = arith.select %eq3A_363, %slice3A_364, %broadcast_in_dim3A_366 : vector<512x128xi1>, vector<512x128xf32>
    %add3A_368 = arith.addf %add3A_360, %select_n3A_367 : vector<512x128xf32>
    %eq3A_369 = arith.constant 10 : i32
    %eq3A_370 = vector.broadcast %eq3A_369 : i32 to vector<512x128xi32>
    %eq3A_371 = arith.cmpi eq, %slice3A_289, %eq3A_370 : vector<512x128xi32>
    %slice3A_372 = vector.extract_strided_slice %dot_general3A_288 {offsets = [0, 1280], sizes = [512, 128], strides = [1, 1]} : vector<512x2048xf32> to vector<512x128xf32>
    %jit3A_373 = arith.constant 0.000000e+00 : f32
    %broadcast_in_dim3A_374 = vector.broadcast %jit3A_373 : f32 to vector<512x128xf32>
    %select_n3A_375 = arith.select %eq3A_371, %slice3A_372, %broadcast_in_dim3A_374 : vector<512x128xi1>, vector<512x128xf32>
    %add3A_376 = arith.addf %add3A_368, %select_n3A_375 : vector<512x128xf32>
    %eq3A_377 = arith.constant 11 : i32
    %eq3A_378 = vector.broadcast %eq3A_377 : i32 to vector<512x128xi32>
    %eq3A_379 = arith.cmpi eq, %slice3A_289, %eq3A_378 : vector<512x128xi32>
    %slice3A_380 = vector.extract_strided_slice %dot_general3A_288 {offsets = [0, 1408], sizes = [512, 128], strides = [1, 1]} : vector<512x2048xf32> to vector<512x128xf32>
    %jit3A_381 = arith.constant 0.000000e+00 : f32
    %broadcast_in_dim3A_382 = vector.broadcast %jit3A_381 : f32 to vector<512x128xf32>
    %select_n3A_383 = arith.select %eq3A_379, %slice3A_380, %broadcast_in_dim3A_382 : vector<512x128xi1>, vector<512x128xf32>
    %add3A_384 = arith.addf %add3A_376, %select_n3A_383 : vector<512x128xf32>
    %eq3A_385 = arith.constant 12 : i32
    %eq3A_386 = vector.broadcast %eq3A_385 : i32 to vector<512x128xi32>
    %eq3A_387 = arith.cmpi eq, %slice3A_289, %eq3A_386 : vector<512x128xi32>
    %slice3A_388 = vector.extract_strided_slice %dot_general3A_288 {offsets = [0, 1536], sizes = [512, 128], strides = [1, 1]} : vector<512x2048xf32> to vector<512x128xf32>
    %jit3A_389 = arith.constant 0.000000e+00 : f32
    %broadcast_in_dim3A_390 = vector.broadcast %jit3A_389 : f32 to vector<512x128xf32>
    %select_n3A_391 = arith.select %eq3A_387, %slice3A_388, %broadcast_in_dim3A_390 : vector<512x128xi1>, vector<512x128xf32>
    %add3A_392 = arith.addf %add3A_384, %select_n3A_391 : vector<512x128xf32>
    %eq3A_393 = arith.constant 13 : i32
    %eq3A_394 = vector.broadcast %eq3A_393 : i32 to vector<512x128xi32>
    %eq3A_395 = arith.cmpi eq, %slice3A_289, %eq3A_394 : vector<512x128xi32>
    %slice3A_396 = vector.extract_strided_slice %dot_general3A_288 {offsets = [0, 1664], sizes = [512, 128], strides = [1, 1]} : vector<512x2048xf32> to vector<512x128xf32>
    %jit3A_397 = arith.constant 0.000000e+00 : f32
    %broadcast_in_dim3A_398 = vector.broadcast %jit3A_397 : f32 to vector<512x128xf32>
    %select_n3A_399 = arith.select %eq3A_395, %slice3A_396, %broadcast_in_dim3A_398 : vector<512x128xi1>, vector<512x128xf32>
    %add3A_400 = arith.addf %add3A_392, %select_n3A_399 : vector<512x128xf32>
    %eq3A_401 = arith.constant 14 : i32
    %eq3A_402 = vector.broadcast %eq3A_401 : i32 to vector<512x128xi32>
    %eq3A_403 = arith.cmpi eq, %slice3A_289, %eq3A_402 : vector<512x128xi32>
    %slice3A_404 = vector.extract_strided_slice %dot_general3A_288 {offsets = [0, 1792], sizes = [512, 128], strides = [1, 1]} : vector<512x2048xf32> to vector<512x128xf32>
    %jit3A_405 = arith.constant 0.000000e+00 : f32
    %broadcast_in_dim3A_406 = vector.broadcast %jit3A_405 : f32 to vector<512x128xf32>
    %select_n3A_407 = arith.select %eq3A_403, %slice3A_404, %broadcast_in_dim3A_406 : vector<512x128xi1>, vector<512x128xf32>
    %add3A_408 = arith.addf %add3A_400, %select_n3A_407 : vector<512x128xf32>
    %eq3A_409 = arith.constant 15 : i32
    %eq3A_410 = vector.broadcast %eq3A_409 : i32 to vector<512x128xi32>
    %eq3A_411 = arith.cmpi eq, %slice3A_289, %eq3A_410 : vector<512x128xi32>
    %slice3A_412 = vector.extract_strided_slice %dot_general3A_288 {offsets = [0, 1920], sizes = [512, 128], strides = [1, 1]} : vector<512x2048xf32> to vector<512x128xf32>
    %jit3A_413 = arith.constant 0.000000e+00 : f32
    %broadcast_in_dim3A_414 = vector.broadcast %jit3A_413 : f32 to vector<512x128xf32>
    %select_n3A_415 = arith.select %eq3A_411, %slice3A_412, %broadcast_in_dim3A_414 : vector<512x128xi1>, vector<512x128xf32>
    %add3A_416 = arith.addf %add3A_408, %select_n3A_415 : vector<512x128xf32>
    %slice3A_417 = vector.extract_strided_slice %concatenate3A_24 {offsets = [1536, 0], sizes = [512, 144], strides = [1, 1]} : vector<2048x144xbf16> to vector<512x144xbf16>
    %dot_general3A_418 = arith.constant dense<0.000000e+00> : vector<512x2048xf32>
    %dot_general3A_419 = tpu.matmul %slice3A_417, %concatenate3A, %dot_general3A_418 {dimension_numbers = #tpu.dot_dimension_numbers<[1], [1], [0], [0], [0, 0, 1, 0], [], []>, transpose_lhs_hint = false} : vector<512x144xbf16>, vector<2048x144xbf16>, vector<512x2048xf32> -> vector<512x2048xf32>
    %slice3A_420 = vector.extract_strided_slice %broadcast_in_dim3A_26 {offsets = [1536, 0], sizes = [512, 128], strides = [1, 1]} : vector<2048x128xi32> to vector<512x128xi32>
    %eq3A_421 = arith.constant 0 : i32
    %eq3A_422 = vector.broadcast %eq3A_421 : i32 to vector<512x128xi32>
    %eq3A_423 = arith.cmpi eq, %slice3A_420, %eq3A_422 : vector<512x128xi32>
    %slice3A_424 = vector.extract_strided_slice %dot_general3A_419 {offsets = [0, 0], sizes = [512, 128], strides = [1, 1]} : vector<512x2048xf32> to vector<512x128xf32>
    %jit3A_425 = arith.constant 0.000000e+00 : f32
    %broadcast_in_dim3A_426 = vector.broadcast %jit3A_425 : f32 to vector<512x128xf32>
    %select_n3A_427 = arith.select %eq3A_423, %slice3A_424, %broadcast_in_dim3A_426 : vector<512x128xi1>, vector<512x128xf32>
    %eq3A_428 = arith.constant 1 : i32
    %eq3A_429 = vector.broadcast %eq3A_428 : i32 to vector<512x128xi32>
    %eq3A_430 = arith.cmpi eq, %slice3A_420, %eq3A_429 : vector<512x128xi32>
    %slice3A_431 = vector.extract_strided_slice %dot_general3A_419 {offsets = [0, 128], sizes = [512, 128], strides = [1, 1]} : vector<512x2048xf32> to vector<512x128xf32>
    %jit3A_432 = arith.constant 0.000000e+00 : f32
    %broadcast_in_dim3A_433 = vector.broadcast %jit3A_432 : f32 to vector<512x128xf32>
    %select_n3A_434 = arith.select %eq3A_430, %slice3A_431, %broadcast_in_dim3A_433 : vector<512x128xi1>, vector<512x128xf32>
    %add3A_435 = arith.addf %select_n3A_427, %select_n3A_434 : vector<512x128xf32>
    %eq3A_436 = arith.constant 2 : i32
    %eq3A_437 = vector.broadcast %eq3A_436 : i32 to vector<512x128xi32>
    %eq3A_438 = arith.cmpi eq, %slice3A_420, %eq3A_437 : vector<512x128xi32>
    %slice3A_439 = vector.extract_strided_slice %dot_general3A_419 {offsets = [0, 256], sizes = [512, 128], strides = [1, 1]} : vector<512x2048xf32> to vector<512x128xf32>
    %jit3A_440 = arith.constant 0.000000e+00 : f32
    %broadcast_in_dim3A_441 = vector.broadcast %jit3A_440 : f32 to vector<512x128xf32>
    %select_n3A_442 = arith.select %eq3A_438, %slice3A_439, %broadcast_in_dim3A_441 : vector<512x128xi1>, vector<512x128xf32>
    %add3A_443 = arith.addf %add3A_435, %select_n3A_442 : vector<512x128xf32>
    %eq3A_444 = arith.constant 3 : i32
    %eq3A_445 = vector.broadcast %eq3A_444 : i32 to vector<512x128xi32>
    %eq3A_446 = arith.cmpi eq, %slice3A_420, %eq3A_445 : vector<512x128xi32>
    %slice3A_447 = vector.extract_strided_slice %dot_general3A_419 {offsets = [0, 384], sizes = [512, 128], strides = [1, 1]} : vector<512x2048xf32> to vector<512x128xf32>
    %jit3A_448 = arith.constant 0.000000e+00 : f32
    %broadcast_in_dim3A_449 = vector.broadcast %jit3A_448 : f32 to vector<512x128xf32>
    %select_n3A_450 = arith.select %eq3A_446, %slice3A_447, %broadcast_in_dim3A_449 : vector<512x128xi1>, vector<512x128xf32>
    %add3A_451 = arith.addf %add3A_443, %select_n3A_450 : vector<512x128xf32>
    %eq3A_452 = arith.constant 4 : i32
    %eq3A_453 = vector.broadcast %eq3A_452 : i32 to vector<512x128xi32>
    %eq3A_454 = arith.cmpi eq, %slice3A_420, %eq3A_453 : vector<512x128xi32>
    %slice3A_455 = vector.extract_strided_slice %dot_general3A_419 {offsets = [0, 512], sizes = [512, 128], strides = [1, 1]} : vector<512x2048xf32> to vector<512x128xf32>
    %jit3A_456 = arith.constant 0.000000e+00 : f32
    %broadcast_in_dim3A_457 = vector.broadcast %jit3A_456 : f32 to vector<512x128xf32>
    %select_n3A_458 = arith.select %eq3A_454, %slice3A_455, %broadcast_in_dim3A_457 : vector<512x128xi1>, vector<512x128xf32>
    %add3A_459 = arith.addf %add3A_451, %select_n3A_458 : vector<512x128xf32>
    %eq3A_460 = arith.constant 5 : i32
    %eq3A_461 = vector.broadcast %eq3A_460 : i32 to vector<512x128xi32>
    %eq3A_462 = arith.cmpi eq, %slice3A_420, %eq3A_461 : vector<512x128xi32>
    %slice3A_463 = vector.extract_strided_slice %dot_general3A_419 {offsets = [0, 640], sizes = [512, 128], strides = [1, 1]} : vector<512x2048xf32> to vector<512x128xf32>
    %jit3A_464 = arith.constant 0.000000e+00 : f32
    %broadcast_in_dim3A_465 = vector.broadcast %jit3A_464 : f32 to vector<512x128xf32>
    %select_n3A_466 = arith.select %eq3A_462, %slice3A_463, %broadcast_in_dim3A_465 : vector<512x128xi1>, vector<512x128xf32>
    %add3A_467 = arith.addf %add3A_459, %select_n3A_466 : vector<512x128xf32>
    %eq3A_468 = arith.constant 6 : i32
    %eq3A_469 = vector.broadcast %eq3A_468 : i32 to vector<512x128xi32>
    %eq3A_470 = arith.cmpi eq, %slice3A_420, %eq3A_469 : vector<512x128xi32>
    %slice3A_471 = vector.extract_strided_slice %dot_general3A_419 {offsets = [0, 768], sizes = [512, 128], strides = [1, 1]} : vector<512x2048xf32> to vector<512x128xf32>
    %jit3A_472 = arith.constant 0.000000e+00 : f32
    %broadcast_in_dim3A_473 = vector.broadcast %jit3A_472 : f32 to vector<512x128xf32>
    %select_n3A_474 = arith.select %eq3A_470, %slice3A_471, %broadcast_in_dim3A_473 : vector<512x128xi1>, vector<512x128xf32>
    %add3A_475 = arith.addf %add3A_467, %select_n3A_474 : vector<512x128xf32>
    %eq3A_476 = arith.constant 7 : i32
    %eq3A_477 = vector.broadcast %eq3A_476 : i32 to vector<512x128xi32>
    %eq3A_478 = arith.cmpi eq, %slice3A_420, %eq3A_477 : vector<512x128xi32>
    %slice3A_479 = vector.extract_strided_slice %dot_general3A_419 {offsets = [0, 896], sizes = [512, 128], strides = [1, 1]} : vector<512x2048xf32> to vector<512x128xf32>
    %jit3A_480 = arith.constant 0.000000e+00 : f32
    %broadcast_in_dim3A_481 = vector.broadcast %jit3A_480 : f32 to vector<512x128xf32>
    %select_n3A_482 = arith.select %eq3A_478, %slice3A_479, %broadcast_in_dim3A_481 : vector<512x128xi1>, vector<512x128xf32>
    %add3A_483 = arith.addf %add3A_475, %select_n3A_482 : vector<512x128xf32>
    %eq3A_484 = arith.constant 8 : i32
    %eq3A_485 = vector.broadcast %eq3A_484 : i32 to vector<512x128xi32>
    %eq3A_486 = arith.cmpi eq, %slice3A_420, %eq3A_485 : vector<512x128xi32>
    %slice3A_487 = vector.extract_strided_slice %dot_general3A_419 {offsets = [0, 1024], sizes = [512, 128], strides = [1, 1]} : vector<512x2048xf32> to vector<512x128xf32>
    %jit3A_488 = arith.constant 0.000000e+00 : f32
    %broadcast_in_dim3A_489 = vector.broadcast %jit3A_488 : f32 to vector<512x128xf32>
    %select_n3A_490 = arith.select %eq3A_486, %slice3A_487, %broadcast_in_dim3A_489 : vector<512x128xi1>, vector<512x128xf32>
    %add3A_491 = arith.addf %add3A_483, %select_n3A_490 : vector<512x128xf32>
    %eq3A_492 = arith.constant 9 : i32
    %eq3A_493 = vector.broadcast %eq3A_492 : i32 to vector<512x128xi32>
    %eq3A_494 = arith.cmpi eq, %slice3A_420, %eq3A_493 : vector<512x128xi32>
    %slice3A_495 = vector.extract_strided_slice %dot_general3A_419 {offsets = [0, 1152], sizes = [512, 128], strides = [1, 1]} : vector<512x2048xf32> to vector<512x128xf32>
    %jit3A_496 = arith.constant 0.000000e+00 : f32
    %broadcast_in_dim3A_497 = vector.broadcast %jit3A_496 : f32 to vector<512x128xf32>
    %select_n3A_498 = arith.select %eq3A_494, %slice3A_495, %broadcast_in_dim3A_497 : vector<512x128xi1>, vector<512x128xf32>
    %add3A_499 = arith.addf %add3A_491, %select_n3A_498 : vector<512x128xf32>
    %eq3A_500 = arith.constant 10 : i32
    %eq3A_501 = vector.broadcast %eq3A_500 : i32 to vector<512x128xi32>
    %eq3A_502 = arith.cmpi eq, %slice3A_420, %eq3A_501 : vector<512x128xi32>
    %slice3A_503 = vector.extract_strided_slice %dot_general3A_419 {offsets = [0, 1280], sizes = [512, 128], strides = [1, 1]} : vector<512x2048xf32> to vector<512x128xf32>
    %jit3A_504 = arith.constant 0.000000e+00 : f32
    %broadcast_in_dim3A_505 = vector.broadcast %jit3A_504 : f32 to vector<512x128xf32>
    %select_n3A_506 = arith.select %eq3A_502, %slice3A_503, %broadcast_in_dim3A_505 : vector<512x128xi1>, vector<512x128xf32>
    %add3A_507 = arith.addf %add3A_499, %select_n3A_506 : vector<512x128xf32>
    %eq3A_508 = arith.constant 11 : i32
    %eq3A_509 = vector.broadcast %eq3A_508 : i32 to vector<512x128xi32>
    %eq3A_510 = arith.cmpi eq, %slice3A_420, %eq3A_509 : vector<512x128xi32>
    %slice3A_511 = vector.extract_strided_slice %dot_general3A_419 {offsets = [0, 1408], sizes = [512, 128], strides = [1, 1]} : vector<512x2048xf32> to vector<512x128xf32>
    %jit3A_512 = arith.constant 0.000000e+00 : f32
    %broadcast_in_dim3A_513 = vector.broadcast %jit3A_512 : f32 to vector<512x128xf32>
    %select_n3A_514 = arith.select %eq3A_510, %slice3A_511, %broadcast_in_dim3A_513 : vector<512x128xi1>, vector<512x128xf32>
    %add3A_515 = arith.addf %add3A_507, %select_n3A_514 : vector<512x128xf32>
    %eq3A_516 = arith.constant 12 : i32
    %eq3A_517 = vector.broadcast %eq3A_516 : i32 to vector<512x128xi32>
    %eq3A_518 = arith.cmpi eq, %slice3A_420, %eq3A_517 : vector<512x128xi32>
    %slice3A_519 = vector.extract_strided_slice %dot_general3A_419 {offsets = [0, 1536], sizes = [512, 128], strides = [1, 1]} : vector<512x2048xf32> to vector<512x128xf32>
    %jit3A_520 = arith.constant 0.000000e+00 : f32
    %broadcast_in_dim3A_521 = vector.broadcast %jit3A_520 : f32 to vector<512x128xf32>
    %select_n3A_522 = arith.select %eq3A_518, %slice3A_519, %broadcast_in_dim3A_521 : vector<512x128xi1>, vector<512x128xf32>
    %add3A_523 = arith.addf %add3A_515, %select_n3A_522 : vector<512x128xf32>
    %eq3A_524 = arith.constant 13 : i32
    %eq3A_525 = vector.broadcast %eq3A_524 : i32 to vector<512x128xi32>
    %eq3A_526 = arith.cmpi eq, %slice3A_420, %eq3A_525 : vector<512x128xi32>
    %slice3A_527 = vector.extract_strided_slice %dot_general3A_419 {offsets = [0, 1664], sizes = [512, 128], strides = [1, 1]} : vector<512x2048xf32> to vector<512x128xf32>
    %jit3A_528 = arith.constant 0.000000e+00 : f32
    %broadcast_in_dim3A_529 = vector.broadcast %jit3A_528 : f32 to vector<512x128xf32>
    %select_n3A_530 = arith.select %eq3A_526, %slice3A_527, %broadcast_in_dim3A_529 : vector<512x128xi1>, vector<512x128xf32>
    %add3A_531 = arith.addf %add3A_523, %select_n3A_530 : vector<512x128xf32>
    %eq3A_532 = arith.constant 14 : i32
    %eq3A_533 = vector.broadcast %eq3A_532 : i32 to vector<512x128xi32>
    %eq3A_534 = arith.cmpi eq, %slice3A_420, %eq3A_533 : vector<512x128xi32>
    %slice3A_535 = vector.extract_strided_slice %dot_general3A_419 {offsets = [0, 1792], sizes = [512, 128], strides = [1, 1]} : vector<512x2048xf32> to vector<512x128xf32>
    %jit3A_536 = arith.constant 0.000000e+00 : f32
    %broadcast_in_dim3A_537 = vector.broadcast %jit3A_536 : f32 to vector<512x128xf32>
    %select_n3A_538 = arith.select %eq3A_534, %slice3A_535, %broadcast_in_dim3A_537 : vector<512x128xi1>, vector<512x128xf32>
    %add3A_539 = arith.addf %add3A_531, %select_n3A_538 : vector<512x128xf32>
    %eq3A_540 = arith.constant 15 : i32
    %eq3A_541 = vector.broadcast %eq3A_540 : i32 to vector<512x128xi32>
    %eq3A_542 = arith.cmpi eq, %slice3A_420, %eq3A_541 : vector<512x128xi32>
    %slice3A_543 = vector.extract_strided_slice %dot_general3A_419 {offsets = [0, 1920], sizes = [512, 128], strides = [1, 1]} : vector<512x2048xf32> to vector<512x128xf32>
    %jit3A_544 = arith.constant 0.000000e+00 : f32
    %broadcast_in_dim3A_545 = vector.broadcast %jit3A_544 : f32 to vector<512x128xf32>
    %select_n3A_546 = arith.select %eq3A_542, %slice3A_543, %broadcast_in_dim3A_545 : vector<512x128xi1>, vector<512x128xf32>
    %add3A_547 = arith.addf %add3A_539, %select_n3A_546 : vector<512x128xf32>
    %concatenate3A_548 = tpu.concatenate %add3A_154, %add3A_285, %add3A_416, %add3A_547 in 0 : vector<512x128xf32>, vector<512x128xf32>, vector<512x128xf32>, vector<512x128xf32> -> vector<2048x128xf32>
    %tanh3A_549 = math.tanh %concatenate3A_548 : vector<2048x128xf32>
    %reshape3A_550 = vector.shape_cast %tanh3A_549 : vector<2048x128xf32> to vector<1024x2x128xf32>
    %slice3A_551 = vector.extract_strided_slice %reshape3A_550 {offsets = [0, 0, 0], sizes = [1024, 1, 128], strides = [1, 1, 1]} : vector<1024x2x128xf32> to vector<1024x1x128xf32>
    %squeeze3A_552 = vector.shape_cast %slice3A_551 : vector<1024x1x128xf32> to vector<1024x128xf32>
    %slice3A_553 = vector.extract_strided_slice %reshape3A_550 {offsets = [0, 1, 0], sizes = [1024, 1, 128], strides = [1, 1, 1]} : vector<1024x2x128xf32> to vector<1024x1x128xf32>
    %squeeze3A_554 = vector.shape_cast %slice3A_553 : vector<1024x1x128xf32> to vector<1024x128xf32>
    %add3A_555 = arith.addf %squeeze3A_552, %squeeze3A_554 : vector<1024x128xf32>
    %get3A_556 = arith.constant 1023 : index
    %get3A_557 = arith.constant 0 : index
    %get3A_558 = vector.load %arg0[%get3A_556, %get3A_557] : memref<8191x1xi32, #tpu.memory_space<vmem>>, vector<1024x1xi32>
    %eq3A_559 = vector.broadcast %get3A_558 : vector<1024x1xi32> to vector<1024x16xi32>
    %eq3A_560 = vector.broadcast %iota3A : vector<1x16xi32> to vector<1024x16xi32>
    %eq3A_561 = arith.cmpi eq, %eq3A_559, %eq3A_560 : vector<1024x16xi32>
    %convert_element_type3A_562 = arith.extui %eq3A_561 : vector<1024x16xi1> to vector<1024x16xi32>
    %convert_element_type3A_563 = arith.sitofp %convert_element_type3A_562 : vector<1024x16xi32> to vector<1024x16xf32>
    %convert_element_type3A_564 = arith.truncf %convert_element_type3A_563 : vector<1024x16xf32> to vector<1024x16xbf16>
    %convert_element_type3A_565 = arith.truncf %add3A_555 : vector<1024x128xf32> to vector<1024x128xbf16>
    %concatenate3A_566 = tpu.concatenate %convert_element_type3A_565, %convert_element_type3A_564 in 1 : vector<1024x128xbf16>, vector<1024x16xbf16> -> vector<1024x144xbf16>
    %broadcast_in_dim3A_567 = vector.shape_cast %get3A_558 : vector<1024x1xi32> to vector<1024x1xi32>
    %broadcast_in_dim3A_568 = vector.broadcast %broadcast_in_dim3A_567 : vector<1024x1xi32> to vector<1024x128xi32>
    %slice3A_569 = vector.extract_strided_slice %concatenate3A_566 {offsets = [0, 0], sizes = [512, 144], strides = [1, 1]} : vector<1024x144xbf16> to vector<512x144xbf16>
    %dot_general3A_570 = arith.constant dense<0.000000e+00> : vector<512x2048xf32>
    %dot_general3A_571 = tpu.matmul %slice3A_569, %concatenate3A, %dot_general3A_570 {dimension_numbers = #tpu.dot_dimension_numbers<[1], [1], [0], [0], [0, 0, 1, 0], [], []>, transpose_lhs_hint = false} : vector<512x144xbf16>, vector<2048x144xbf16>, vector<512x2048xf32> -> vector<512x2048xf32>
    %slice3A_572 = vector.extract_strided_slice %broadcast_in_dim3A_568 {offsets = [0, 0], sizes = [512, 128], strides = [1, 1]} : vector<1024x128xi32> to vector<512x128xi32>
    %eq3A_573 = arith.constant 0 : i32
    %eq3A_574 = vector.broadcast %eq3A_573 : i32 to vector<512x128xi32>
    %eq3A_575 = arith.cmpi eq, %slice3A_572, %eq3A_574 : vector<512x128xi32>
    %slice3A_576 = vector.extract_strided_slice %dot_general3A_571 {offsets = [0, 0], sizes = [512, 128], strides = [1, 1]} : vector<512x2048xf32> to vector<512x128xf32>
    %jit3A_577 = arith.constant 0.000000e+00 : f32
    %broadcast_in_dim3A_578 = vector.broadcast %jit3A_577 : f32 to vector<512x128xf32>
    %select_n3A_579 = arith.select %eq3A_575, %slice3A_576, %broadcast_in_dim3A_578 : vector<512x128xi1>, vector<512x128xf32>
    %eq3A_580 = arith.constant 1 : i32
    %eq3A_581 = vector.broadcast %eq3A_580 : i32 to vector<512x128xi32>
    %eq3A_582 = arith.cmpi eq, %slice3A_572, %eq3A_581 : vector<512x128xi32>
    %slice3A_583 = vector.extract_strided_slice %dot_general3A_571 {offsets = [0, 128], sizes = [512, 128], strides = [1, 1]} : vector<512x2048xf32> to vector<512x128xf32>
    %jit3A_584 = arith.constant 0.000000e+00 : f32
    %broadcast_in_dim3A_585 = vector.broadcast %jit3A_584 : f32 to vector<512x128xf32>
    %select_n3A_586 = arith.select %eq3A_582, %slice3A_583, %broadcast_in_dim3A_585 : vector<512x128xi1>, vector<512x128xf32>
    %add3A_587 = arith.addf %select_n3A_579, %select_n3A_586 : vector<512x128xf32>
    %eq3A_588 = arith.constant 2 : i32
    %eq3A_589 = vector.broadcast %eq3A_588 : i32 to vector<512x128xi32>
    %eq3A_590 = arith.cmpi eq, %slice3A_572, %eq3A_589 : vector<512x128xi32>
    %slice3A_591 = vector.extract_strided_slice %dot_general3A_571 {offsets = [0, 256], sizes = [512, 128], strides = [1, 1]} : vector<512x2048xf32> to vector<512x128xf32>
    %jit3A_592 = arith.constant 0.000000e+00 : f32
    %broadcast_in_dim3A_593 = vector.broadcast %jit3A_592 : f32 to vector<512x128xf32>
    %select_n3A_594 = arith.select %eq3A_590, %slice3A_591, %broadcast_in_dim3A_593 : vector<512x128xi1>, vector<512x128xf32>
    %add3A_595 = arith.addf %add3A_587, %select_n3A_594 : vector<512x128xf32>
    %eq3A_596 = arith.constant 3 : i32
    %eq3A_597 = vector.broadcast %eq3A_596 : i32 to vector<512x128xi32>
    %eq3A_598 = arith.cmpi eq, %slice3A_572, %eq3A_597 : vector<512x128xi32>
    %slice3A_599 = vector.extract_strided_slice %dot_general3A_571 {offsets = [0, 384], sizes = [512, 128], strides = [1, 1]} : vector<512x2048xf32> to vector<512x128xf32>
    %jit3A_600 = arith.constant 0.000000e+00 : f32
    %broadcast_in_dim3A_601 = vector.broadcast %jit3A_600 : f32 to vector<512x128xf32>
    %select_n3A_602 = arith.select %eq3A_598, %slice3A_599, %broadcast_in_dim3A_601 : vector<512x128xi1>, vector<512x128xf32>
    %add3A_603 = arith.addf %add3A_595, %select_n3A_602 : vector<512x128xf32>
    %eq3A_604 = arith.constant 4 : i32
    %eq3A_605 = vector.broadcast %eq3A_604 : i32 to vector<512x128xi32>
    %eq3A_606 = arith.cmpi eq, %slice3A_572, %eq3A_605 : vector<512x128xi32>
    %slice3A_607 = vector.extract_strided_slice %dot_general3A_571 {offsets = [0, 512], sizes = [512, 128], strides = [1, 1]} : vector<512x2048xf32> to vector<512x128xf32>
    %jit3A_608 = arith.constant 0.000000e+00 : f32
    %broadcast_in_dim3A_609 = vector.broadcast %jit3A_608 : f32 to vector<512x128xf32>
    %select_n3A_610 = arith.select %eq3A_606, %slice3A_607, %broadcast_in_dim3A_609 : vector<512x128xi1>, vector<512x128xf32>
    %add3A_611 = arith.addf %add3A_603, %select_n3A_610 : vector<512x128xf32>
    %eq3A_612 = arith.constant 5 : i32
    %eq3A_613 = vector.broadcast %eq3A_612 : i32 to vector<512x128xi32>
    %eq3A_614 = arith.cmpi eq, %slice3A_572, %eq3A_613 : vector<512x128xi32>
    %slice3A_615 = vector.extract_strided_slice %dot_general3A_571 {offsets = [0, 640], sizes = [512, 128], strides = [1, 1]} : vector<512x2048xf32> to vector<512x128xf32>
    %jit3A_616 = arith.constant 0.000000e+00 : f32
    %broadcast_in_dim3A_617 = vector.broadcast %jit3A_616 : f32 to vector<512x128xf32>
    %select_n3A_618 = arith.select %eq3A_614, %slice3A_615, %broadcast_in_dim3A_617 : vector<512x128xi1>, vector<512x128xf32>
    %add3A_619 = arith.addf %add3A_611, %select_n3A_618 : vector<512x128xf32>
    %eq3A_620 = arith.constant 6 : i32
    %eq3A_621 = vector.broadcast %eq3A_620 : i32 to vector<512x128xi32>
    %eq3A_622 = arith.cmpi eq, %slice3A_572, %eq3A_621 : vector<512x128xi32>
    %slice3A_623 = vector.extract_strided_slice %dot_general3A_571 {offsets = [0, 768], sizes = [512, 128], strides = [1, 1]} : vector<512x2048xf32> to vector<512x128xf32>
    %jit3A_624 = arith.constant 0.000000e+00 : f32
    %broadcast_in_dim3A_625 = vector.broadcast %jit3A_624 : f32 to vector<512x128xf32>
    %select_n3A_626 = arith.select %eq3A_622, %slice3A_623, %broadcast_in_dim3A_625 : vector<512x128xi1>, vector<512x128xf32>
    %add3A_627 = arith.addf %add3A_619, %select_n3A_626 : vector<512x128xf32>
    %eq3A_628 = arith.constant 7 : i32
    %eq3A_629 = vector.broadcast %eq3A_628 : i32 to vector<512x128xi32>
    %eq3A_630 = arith.cmpi eq, %slice3A_572, %eq3A_629 : vector<512x128xi32>
    %slice3A_631 = vector.extract_strided_slice %dot_general3A_571 {offsets = [0, 896], sizes = [512, 128], strides = [1, 1]} : vector<512x2048xf32> to vector<512x128xf32>
    %jit3A_632 = arith.constant 0.000000e+00 : f32
    %broadcast_in_dim3A_633 = vector.broadcast %jit3A_632 : f32 to vector<512x128xf32>
    %select_n3A_634 = arith.select %eq3A_630, %slice3A_631, %broadcast_in_dim3A_633 : vector<512x128xi1>, vector<512x128xf32>
    %add3A_635 = arith.addf %add3A_627, %select_n3A_634 : vector<512x128xf32>
    %eq3A_636 = arith.constant 8 : i32
    %eq3A_637 = vector.broadcast %eq3A_636 : i32 to vector<512x128xi32>
    %eq3A_638 = arith.cmpi eq, %slice3A_572, %eq3A_637 : vector<512x128xi32>
    %slice3A_639 = vector.extract_strided_slice %dot_general3A_571 {offsets = [0, 1024], sizes = [512, 128], strides = [1, 1]} : vector<512x2048xf32> to vector<512x128xf32>
    %jit3A_640 = arith.constant 0.000000e+00 : f32
    %broadcast_in_dim3A_641 = vector.broadcast %jit3A_640 : f32 to vector<512x128xf32>
    %select_n3A_642 = arith.select %eq3A_638, %slice3A_639, %broadcast_in_dim3A_641 : vector<512x128xi1>, vector<512x128xf32>
    %add3A_643 = arith.addf %add3A_635, %select_n3A_642 : vector<512x128xf32>
    %eq3A_644 = arith.constant 9 : i32
    %eq3A_645 = vector.broadcast %eq3A_644 : i32 to vector<512x128xi32>
    %eq3A_646 = arith.cmpi eq, %slice3A_572, %eq3A_645 : vector<512x128xi32>
    %slice3A_647 = vector.extract_strided_slice %dot_general3A_571 {offsets = [0, 1152], sizes = [512, 128], strides = [1, 1]} : vector<512x2048xf32> to vector<512x128xf32>
    %jit3A_648 = arith.constant 0.000000e+00 : f32
    %broadcast_in_dim3A_649 = vector.broadcast %jit3A_648 : f32 to vector<512x128xf32>
    %select_n3A_650 = arith.select %eq3A_646, %slice3A_647, %broadcast_in_dim3A_649 : vector<512x128xi1>, vector<512x128xf32>
    %add3A_651 = arith.addf %add3A_643, %select_n3A_650 : vector<512x128xf32>
    %eq3A_652 = arith.constant 10 : i32
    %eq3A_653 = vector.broadcast %eq3A_652 : i32 to vector<512x128xi32>
    %eq3A_654 = arith.cmpi eq, %slice3A_572, %eq3A_653 : vector<512x128xi32>
    %slice3A_655 = vector.extract_strided_slice %dot_general3A_571 {offsets = [0, 1280], sizes = [512, 128], strides = [1, 1]} : vector<512x2048xf32> to vector<512x128xf32>
    %jit3A_656 = arith.constant 0.000000e+00 : f32
    %broadcast_in_dim3A_657 = vector.broadcast %jit3A_656 : f32 to vector<512x128xf32>
    %select_n3A_658 = arith.select %eq3A_654, %slice3A_655, %broadcast_in_dim3A_657 : vector<512x128xi1>, vector<512x128xf32>
    %add3A_659 = arith.addf %add3A_651, %select_n3A_658 : vector<512x128xf32>
    %eq3A_660 = arith.constant 11 : i32
    %eq3A_661 = vector.broadcast %eq3A_660 : i32 to vector<512x128xi32>
    %eq3A_662 = arith.cmpi eq, %slice3A_572, %eq3A_661 : vector<512x128xi32>
    %slice3A_663 = vector.extract_strided_slice %dot_general3A_571 {offsets = [0, 1408], sizes = [512, 128], strides = [1, 1]} : vector<512x2048xf32> to vector<512x128xf32>
    %jit3A_664 = arith.constant 0.000000e+00 : f32
    %broadcast_in_dim3A_665 = vector.broadcast %jit3A_664 : f32 to vector<512x128xf32>
    %select_n3A_666 = arith.select %eq3A_662, %slice3A_663, %broadcast_in_dim3A_665 : vector<512x128xi1>, vector<512x128xf32>
    %add3A_667 = arith.addf %add3A_659, %select_n3A_666 : vector<512x128xf32>
    %eq3A_668 = arith.constant 12 : i32
    %eq3A_669 = vector.broadcast %eq3A_668 : i32 to vector<512x128xi32>
    %eq3A_670 = arith.cmpi eq, %slice3A_572, %eq3A_669 : vector<512x128xi32>
    %slice3A_671 = vector.extract_strided_slice %dot_general3A_571 {offsets = [0, 1536], sizes = [512, 128], strides = [1, 1]} : vector<512x2048xf32> to vector<512x128xf32>
    %jit3A_672 = arith.constant 0.000000e+00 : f32
    %broadcast_in_dim3A_673 = vector.broadcast %jit3A_672 : f32 to vector<512x128xf32>
    %select_n3A_674 = arith.select %eq3A_670, %slice3A_671, %broadcast_in_dim3A_673 : vector<512x128xi1>, vector<512x128xf32>
    %add3A_675 = arith.addf %add3A_667, %select_n3A_674 : vector<512x128xf32>
    %eq3A_676 = arith.constant 13 : i32
    %eq3A_677 = vector.broadcast %eq3A_676 : i32 to vector<512x128xi32>
    %eq3A_678 = arith.cmpi eq, %slice3A_572, %eq3A_677 : vector<512x128xi32>
    %slice3A_679 = vector.extract_strided_slice %dot_general3A_571 {offsets = [0, 1664], sizes = [512, 128], strides = [1, 1]} : vector<512x2048xf32> to vector<512x128xf32>
    %jit3A_680 = arith.constant 0.000000e+00 : f32
    %broadcast_in_dim3A_681 = vector.broadcast %jit3A_680 : f32 to vector<512x128xf32>
    %select_n3A_682 = arith.select %eq3A_678, %slice3A_679, %broadcast_in_dim3A_681 : vector<512x128xi1>, vector<512x128xf32>
    %add3A_683 = arith.addf %add3A_675, %select_n3A_682 : vector<512x128xf32>
    %eq3A_684 = arith.constant 14 : i32
    %eq3A_685 = vector.broadcast %eq3A_684 : i32 to vector<512x128xi32>
    %eq3A_686 = arith.cmpi eq, %slice3A_572, %eq3A_685 : vector<512x128xi32>
    %slice3A_687 = vector.extract_strided_slice %dot_general3A_571 {offsets = [0, 1792], sizes = [512, 128], strides = [1, 1]} : vector<512x2048xf32> to vector<512x128xf32>
    %jit3A_688 = arith.constant 0.000000e+00 : f32
    %broadcast_in_dim3A_689 = vector.broadcast %jit3A_688 : f32 to vector<512x128xf32>
    %select_n3A_690 = arith.select %eq3A_686, %slice3A_687, %broadcast_in_dim3A_689 : vector<512x128xi1>, vector<512x128xf32>
    %add3A_691 = arith.addf %add3A_683, %select_n3A_690 : vector<512x128xf32>
    %eq3A_692 = arith.constant 15 : i32
    %eq3A_693 = vector.broadcast %eq3A_692 : i32 to vector<512x128xi32>
    %eq3A_694 = arith.cmpi eq, %slice3A_572, %eq3A_693 : vector<512x128xi32>
    %slice3A_695 = vector.extract_strided_slice %dot_general3A_571 {offsets = [0, 1920], sizes = [512, 128], strides = [1, 1]} : vector<512x2048xf32> to vector<512x128xf32>
    %jit3A_696 = arith.constant 0.000000e+00 : f32
    %broadcast_in_dim3A_697 = vector.broadcast %jit3A_696 : f32 to vector<512x128xf32>
    %select_n3A_698 = arith.select %eq3A_694, %slice3A_695, %broadcast_in_dim3A_697 : vector<512x128xi1>, vector<512x128xf32>
    %add3A_699 = arith.addf %add3A_691, %select_n3A_698 : vector<512x128xf32>
    %slice3A_700 = vector.extract_strided_slice %concatenate3A_566 {offsets = [512, 0], sizes = [512, 144], strides = [1, 1]} : vector<1024x144xbf16> to vector<512x144xbf16>
    %dot_general3A_701 = arith.constant dense<0.000000e+00> : vector<512x2048xf32>
    %dot_general3A_702 = tpu.matmul %slice3A_700, %concatenate3A, %dot_general3A_701 {dimension_numbers = #tpu.dot_dimension_numbers<[1], [1], [0], [0], [0, 0, 1, 0], [], []>, transpose_lhs_hint = false} : vector<512x144xbf16>, vector<2048x144xbf16>, vector<512x2048xf32> -> vector<512x2048xf32>
    %slice3A_703 = vector.extract_strided_slice %broadcast_in_dim3A_568 {offsets = [512, 0], sizes = [512, 128], strides = [1, 1]} : vector<1024x128xi32> to vector<512x128xi32>
    %eq3A_704 = arith.constant 0 : i32
    %eq3A_705 = vector.broadcast %eq3A_704 : i32 to vector<512x128xi32>
    %eq3A_706 = arith.cmpi eq, %slice3A_703, %eq3A_705 : vector<512x128xi32>
    %slice3A_707 = vector.extract_strided_slice %dot_general3A_702 {offsets = [0, 0], sizes = [512, 128], strides = [1, 1]} : vector<512x2048xf32> to vector<512x128xf32>
    %jit3A_708 = arith.constant 0.000000e+00 : f32
    %broadcast_in_dim3A_709 = vector.broadcast %jit3A_708 : f32 to vector<512x128xf32>
    %select_n3A_710 = arith.select %eq3A_706, %slice3A_707, %broadcast_in_dim3A_709 : vector<512x128xi1>, vector<512x128xf32>
    %eq3A_711 = arith.constant 1 : i32
    %eq3A_712 = vector.broadcast %eq3A_711 : i32 to vector<512x128xi32>
    %eq3A_713 = arith.cmpi eq, %slice3A_703, %eq3A_712 : vector<512x128xi32>
    %slice3A_714 = vector.extract_strided_slice %dot_general3A_702 {offsets = [0, 128], sizes = [512, 128], strides = [1, 1]} : vector<512x2048xf32> to vector<512x128xf32>
    %jit3A_715 = arith.constant 0.000000e+00 : f32
    %broadcast_in_dim3A_716 = vector.broadcast %jit3A_715 : f32 to vector<512x128xf32>
    %select_n3A_717 = arith.select %eq3A_713, %slice3A_714, %broadcast_in_dim3A_716 : vector<512x128xi1>, vector<512x128xf32>
    %add3A_718 = arith.addf %select_n3A_710, %select_n3A_717 : vector<512x128xf32>
    %eq3A_719 = arith.constant 2 : i32
    %eq3A_720 = vector.broadcast %eq3A_719 : i32 to vector<512x128xi32>
    %eq3A_721 = arith.cmpi eq, %slice3A_703, %eq3A_720 : vector<512x128xi32>
    %slice3A_722 = vector.extract_strided_slice %dot_general3A_702 {offsets = [0, 256], sizes = [512, 128], strides = [1, 1]} : vector<512x2048xf32> to vector<512x128xf32>
    %jit3A_723 = arith.constant 0.000000e+00 : f32
    %broadcast_in_dim3A_724 = vector.broadcast %jit3A_723 : f32 to vector<512x128xf32>
    %select_n3A_725 = arith.select %eq3A_721, %slice3A_722, %broadcast_in_dim3A_724 : vector<512x128xi1>, vector<512x128xf32>
    %add3A_726 = arith.addf %add3A_718, %select_n3A_725 : vector<512x128xf32>
    %eq3A_727 = arith.constant 3 : i32
    %eq3A_728 = vector.broadcast %eq3A_727 : i32 to vector<512x128xi32>
    %eq3A_729 = arith.cmpi eq, %slice3A_703, %eq3A_728 : vector<512x128xi32>
    %slice3A_730 = vector.extract_strided_slice %dot_general3A_702 {offsets = [0, 384], sizes = [512, 128], strides = [1, 1]} : vector<512x2048xf32> to vector<512x128xf32>
    %jit3A_731 = arith.constant 0.000000e+00 : f32
    %broadcast_in_dim3A_732 = vector.broadcast %jit3A_731 : f32 to vector<512x128xf32>
    %select_n3A_733 = arith.select %eq3A_729, %slice3A_730, %broadcast_in_dim3A_732 : vector<512x128xi1>, vector<512x128xf32>
    %add3A_734 = arith.addf %add3A_726, %select_n3A_733 : vector<512x128xf32>
    %eq3A_735 = arith.constant 4 : i32
    %eq3A_736 = vector.broadcast %eq3A_735 : i32 to vector<512x128xi32>
    %eq3A_737 = arith.cmpi eq, %slice3A_703, %eq3A_736 : vector<512x128xi32>
    %slice3A_738 = vector.extract_strided_slice %dot_general3A_702 {offsets = [0, 512], sizes = [512, 128], strides = [1, 1]} : vector<512x2048xf32> to vector<512x128xf32>
    %jit3A_739 = arith.constant 0.000000e+00 : f32
    %broadcast_in_dim3A_740 = vector.broadcast %jit3A_739 : f32 to vector<512x128xf32>
    %select_n3A_741 = arith.select %eq3A_737, %slice3A_738, %broadcast_in_dim3A_740 : vector<512x128xi1>, vector<512x128xf32>
    %add3A_742 = arith.addf %add3A_734, %select_n3A_741 : vector<512x128xf32>
    %eq3A_743 = arith.constant 5 : i32
    %eq3A_744 = vector.broadcast %eq3A_743 : i32 to vector<512x128xi32>
    %eq3A_745 = arith.cmpi eq, %slice3A_703, %eq3A_744 : vector<512x128xi32>
    %slice3A_746 = vector.extract_strided_slice %dot_general3A_702 {offsets = [0, 640], sizes = [512, 128], strides = [1, 1]} : vector<512x2048xf32> to vector<512x128xf32>
    %jit3A_747 = arith.constant 0.000000e+00 : f32
    %broadcast_in_dim3A_748 = vector.broadcast %jit3A_747 : f32 to vector<512x128xf32>
    %select_n3A_749 = arith.select %eq3A_745, %slice3A_746, %broadcast_in_dim3A_748 : vector<512x128xi1>, vector<512x128xf32>
    %add3A_750 = arith.addf %add3A_742, %select_n3A_749 : vector<512x128xf32>
    %eq3A_751 = arith.constant 6 : i32
    %eq3A_752 = vector.broadcast %eq3A_751 : i32 to vector<512x128xi32>
    %eq3A_753 = arith.cmpi eq, %slice3A_703, %eq3A_752 : vector<512x128xi32>
    %slice3A_754 = vector.extract_strided_slice %dot_general3A_702 {offsets = [0, 768], sizes = [512, 128], strides = [1, 1]} : vector<512x2048xf32> to vector<512x128xf32>
    %jit3A_755 = arith.constant 0.000000e+00 : f32
    %broadcast_in_dim3A_756 = vector.broadcast %jit3A_755 : f32 to vector<512x128xf32>
    %select_n3A_757 = arith.select %eq3A_753, %slice3A_754, %broadcast_in_dim3A_756 : vector<512x128xi1>, vector<512x128xf32>
    %add3A_758 = arith.addf %add3A_750, %select_n3A_757 : vector<512x128xf32>
    %eq3A_759 = arith.constant 7 : i32
    %eq3A_760 = vector.broadcast %eq3A_759 : i32 to vector<512x128xi32>
    %eq3A_761 = arith.cmpi eq, %slice3A_703, %eq3A_760 : vector<512x128xi32>
    %slice3A_762 = vector.extract_strided_slice %dot_general3A_702 {offsets = [0, 896], sizes = [512, 128], strides = [1, 1]} : vector<512x2048xf32> to vector<512x128xf32>
    %jit3A_763 = arith.constant 0.000000e+00 : f32
    %broadcast_in_dim3A_764 = vector.broadcast %jit3A_763 : f32 to vector<512x128xf32>
    %select_n3A_765 = arith.select %eq3A_761, %slice3A_762, %broadcast_in_dim3A_764 : vector<512x128xi1>, vector<512x128xf32>
    %add3A_766 = arith.addf %add3A_758, %select_n3A_765 : vector<512x128xf32>
    %eq3A_767 = arith.constant 8 : i32
    %eq3A_768 = vector.broadcast %eq3A_767 : i32 to vector<512x128xi32>
    %eq3A_769 = arith.cmpi eq, %slice3A_703, %eq3A_768 : vector<512x128xi32>
    %slice3A_770 = vector.extract_strided_slice %dot_general3A_702 {offsets = [0, 1024], sizes = [512, 128], strides = [1, 1]} : vector<512x2048xf32> to vector<512x128xf32>
    %jit3A_771 = arith.constant 0.000000e+00 : f32
    %broadcast_in_dim3A_772 = vector.broadcast %jit3A_771 : f32 to vector<512x128xf32>
    %select_n3A_773 = arith.select %eq3A_769, %slice3A_770, %broadcast_in_dim3A_772 : vector<512x128xi1>, vector<512x128xf32>
    %add3A_774 = arith.addf %add3A_766, %select_n3A_773 : vector<512x128xf32>
    %eq3A_775 = arith.constant 9 : i32
    %eq3A_776 = vector.broadcast %eq3A_775 : i32 to vector<512x128xi32>
    %eq3A_777 = arith.cmpi eq, %slice3A_703, %eq3A_776 : vector<512x128xi32>
    %slice3A_778 = vector.extract_strided_slice %dot_general3A_702 {offsets = [0, 1152], sizes = [512, 128], strides = [1, 1]} : vector<512x2048xf32> to vector<512x128xf32>
    %jit3A_779 = arith.constant 0.000000e+00 : f32
    %broadcast_in_dim3A_780 = vector.broadcast %jit3A_779 : f32 to vector<512x128xf32>
    %select_n3A_781 = arith.select %eq3A_777, %slice3A_778, %broadcast_in_dim3A_780 : vector<512x128xi1>, vector<512x128xf32>
    %add3A_782 = arith.addf %add3A_774, %select_n3A_781 : vector<512x128xf32>
    %eq3A_783 = arith.constant 10 : i32
    %eq3A_784 = vector.broadcast %eq3A_783 : i32 to vector<512x128xi32>
    %eq3A_785 = arith.cmpi eq, %slice3A_703, %eq3A_784 : vector<512x128xi32>
    %slice3A_786 = vector.extract_strided_slice %dot_general3A_702 {offsets = [0, 1280], sizes = [512, 128], strides = [1, 1]} : vector<512x2048xf32> to vector<512x128xf32>
    %jit3A_787 = arith.constant 0.000000e+00 : f32
    %broadcast_in_dim3A_788 = vector.broadcast %jit3A_787 : f32 to vector<512x128xf32>
    %select_n3A_789 = arith.select %eq3A_785, %slice3A_786, %broadcast_in_dim3A_788 : vector<512x128xi1>, vector<512x128xf32>
    %add3A_790 = arith.addf %add3A_782, %select_n3A_789 : vector<512x128xf32>
    %eq3A_791 = arith.constant 11 : i32
    %eq3A_792 = vector.broadcast %eq3A_791 : i32 to vector<512x128xi32>
    %eq3A_793 = arith.cmpi eq, %slice3A_703, %eq3A_792 : vector<512x128xi32>
    %slice3A_794 = vector.extract_strided_slice %dot_general3A_702 {offsets = [0, 1408], sizes = [512, 128], strides = [1, 1]} : vector<512x2048xf32> to vector<512x128xf32>
    %jit3A_795 = arith.constant 0.000000e+00 : f32
    %broadcast_in_dim3A_796 = vector.broadcast %jit3A_795 : f32 to vector<512x128xf32>
    %select_n3A_797 = arith.select %eq3A_793, %slice3A_794, %broadcast_in_dim3A_796 : vector<512x128xi1>, vector<512x128xf32>
    %add3A_798 = arith.addf %add3A_790, %select_n3A_797 : vector<512x128xf32>
    %eq3A_799 = arith.constant 12 : i32
    %eq3A_800 = vector.broadcast %eq3A_799 : i32 to vector<512x128xi32>
    %eq3A_801 = arith.cmpi eq, %slice3A_703, %eq3A_800 : vector<512x128xi32>
    %slice3A_802 = vector.extract_strided_slice %dot_general3A_702 {offsets = [0, 1536], sizes = [512, 128], strides = [1, 1]} : vector<512x2048xf32> to vector<512x128xf32>
    %jit3A_803 = arith.constant 0.000000e+00 : f32
    %broadcast_in_dim3A_804 = vector.broadcast %jit3A_803 : f32 to vector<512x128xf32>
    %select_n3A_805 = arith.select %eq3A_801, %slice3A_802, %broadcast_in_dim3A_804 : vector<512x128xi1>, vector<512x128xf32>
    %add3A_806 = arith.addf %add3A_798, %select_n3A_805 : vector<512x128xf32>
    %eq3A_807 = arith.constant 13 : i32
    %eq3A_808 = vector.broadcast %eq3A_807 : i32 to vector<512x128xi32>
    %eq3A_809 = arith.cmpi eq, %slice3A_703, %eq3A_808 : vector<512x128xi32>
    %slice3A_810 = vector.extract_strided_slice %dot_general3A_702 {offsets = [0, 1664], sizes = [512, 128], strides = [1, 1]} : vector<512x2048xf32> to vector<512x128xf32>
    %jit3A_811 = arith.constant 0.000000e+00 : f32
    %broadcast_in_dim3A_812 = vector.broadcast %jit3A_811 : f32 to vector<512x128xf32>
    %select_n3A_813 = arith.select %eq3A_809, %slice3A_810, %broadcast_in_dim3A_812 : vector<512x128xi1>, vector<512x128xf32>
    %add3A_814 = arith.addf %add3A_806, %select_n3A_813 : vector<512x128xf32>
    %eq3A_815 = arith.constant 14 : i32
    %eq3A_816 = vector.broadcast %eq3A_815 : i32 to vector<512x128xi32>
    %eq3A_817 = arith.cmpi eq, %slice3A_703, %eq3A_816 : vector<512x128xi32>
    %slice3A_818 = vector.extract_strided_slice %dot_general3A_702 {offsets = [0, 1792], sizes = [512, 128], strides = [1, 1]} : vector<512x2048xf32> to vector<512x128xf32>
    %jit3A_819 = arith.constant 0.000000e+00 : f32
    %broadcast_in_dim3A_820 = vector.broadcast %jit3A_819 : f32 to vector<512x128xf32>
    %select_n3A_821 = arith.select %eq3A_817, %slice3A_818, %broadcast_in_dim3A_820 : vector<512x128xi1>, vector<512x128xf32>
    %add3A_822 = arith.addf %add3A_814, %select_n3A_821 : vector<512x128xf32>
    %eq3A_823 = arith.constant 15 : i32
    %eq3A_824 = vector.broadcast %eq3A_823 : i32 to vector<512x128xi32>
    %eq3A_825 = arith.cmpi eq, %slice3A_703, %eq3A_824 : vector<512x128xi32>
    %slice3A_826 = vector.extract_strided_slice %dot_general3A_702 {offsets = [0, 1920], sizes = [512, 128], strides = [1, 1]} : vector<512x2048xf32> to vector<512x128xf32>
    %jit3A_827 = arith.constant 0.000000e+00 : f32
    %broadcast_in_dim3A_828 = vector.broadcast %jit3A_827 : f32 to vector<512x128xf32>
    %select_n3A_829 = arith.select %eq3A_825, %slice3A_826, %broadcast_in_dim3A_828 : vector<512x128xi1>, vector<512x128xf32>
    %add3A_830 = arith.addf %add3A_822, %select_n3A_829 : vector<512x128xf32>
    %concatenate3A_831 = tpu.concatenate %add3A_699, %add3A_830 in 0 : vector<512x128xf32>, vector<512x128xf32> -> vector<1024x128xf32>
    %tanh3A_832 = math.tanh %concatenate3A_831 : vector<1024x128xf32>
    %reshape3A_833 = vector.shape_cast %tanh3A_832 : vector<1024x128xf32> to vector<512x2x128xf32>
    %slice3A_834 = vector.extract_strided_slice %reshape3A_833 {offsets = [0, 0, 0], sizes = [512, 1, 128], strides = [1, 1, 1]} : vector<512x2x128xf32> to vector<512x1x128xf32>
    %squeeze3A_835 = vector.shape_cast %slice3A_834 : vector<512x1x128xf32> to vector<512x128xf32>
    %slice3A_836 = vector.extract_strided_slice %reshape3A_833 {offsets = [0, 1, 0], sizes = [512, 1, 128], strides = [1, 1, 1]} : vector<512x2x128xf32> to vector<512x1x128xf32>
    %squeeze3A_837 = vector.shape_cast %slice3A_836 : vector<512x1x128xf32> to vector<512x128xf32>
    %add3A_838 = arith.addf %squeeze3A_835, %squeeze3A_837 : vector<512x128xf32>
    %get3A_839 = arith.constant 511 : index
    %get3A_840 = arith.constant 0 : index
    %get3A_841 = vector.load %arg0[%get3A_839, %get3A_840] : memref<8191x1xi32, #tpu.memory_space<vmem>>, vector<512x1xi32>
    %eq3A_842 = vector.broadcast %get3A_841 : vector<512x1xi32> to vector<512x16xi32>
    %eq3A_843 = vector.broadcast %iota3A : vector<1x16xi32> to vector<512x16xi32>
    %eq3A_844 = arith.cmpi eq, %eq3A_842, %eq3A_843 : vector<512x16xi32>
    %convert_element_type3A_845 = arith.extui %eq3A_844 : vector<512x16xi1> to vector<512x16xi32>
    %convert_element_type3A_846 = arith.sitofp %convert_element_type3A_845 : vector<512x16xi32> to vector<512x16xf32>
    %convert_element_type3A_847 = arith.truncf %convert_element_type3A_846 : vector<512x16xf32> to vector<512x16xbf16>
    %convert_element_type3A_848 = arith.truncf %add3A_838 : vector<512x128xf32> to vector<512x128xbf16>
    %concatenate3A_849 = tpu.concatenate %convert_element_type3A_848, %convert_element_type3A_847 in 1 : vector<512x128xbf16>, vector<512x16xbf16> -> vector<512x144xbf16>
    %broadcast_in_dim3A_850 = vector.shape_cast %get3A_841 : vector<512x1xi32> to vector<512x1xi32>
    %broadcast_in_dim3A_851 = vector.broadcast %broadcast_in_dim3A_850 : vector<512x1xi32> to vector<512x128xi32>
    %dot_general3A_852 = arith.constant dense<0.000000e+00> : vector<512x2048xf32>
    %dot_general3A_853 = tpu.matmul %concatenate3A_849, %concatenate3A, %dot_general3A_852 {dimension_numbers = #tpu.dot_dimension_numbers<[1], [1], [0], [0], [0, 0, 1, 0], [], []>, transpose_lhs_hint = false} : vector<512x144xbf16>, vector<2048x144xbf16>, vector<512x2048xf32> -> vector<512x2048xf32>
    %eq3A_854 = arith.constant 0 : i32
    %eq3A_855 = vector.broadcast %eq3A_854 : i32 to vector<512x128xi32>
    %eq3A_856 = arith.cmpi eq, %broadcast_in_dim3A_851, %eq3A_855 : vector<512x128xi32>
    %slice3A_857 = vector.extract_strided_slice %dot_general3A_853 {offsets = [0, 0], sizes = [512, 128], strides = [1, 1]} : vector<512x2048xf32> to vector<512x128xf32>
    %jit3A_858 = arith.constant 0.000000e+00 : f32
    %broadcast_in_dim3A_859 = vector.broadcast %jit3A_858 : f32 to vector<512x128xf32>
    %select_n3A_860 = arith.select %eq3A_856, %slice3A_857, %broadcast_in_dim3A_859 : vector<512x128xi1>, vector<512x128xf32>
    %eq3A_861 = arith.constant 1 : i32
    %eq3A_862 = vector.broadcast %eq3A_861 : i32 to vector<512x128xi32>
    %eq3A_863 = arith.cmpi eq, %broadcast_in_dim3A_851, %eq3A_862 : vector<512x128xi32>
    %slice3A_864 = vector.extract_strided_slice %dot_general3A_853 {offsets = [0, 128], sizes = [512, 128], strides = [1, 1]} : vector<512x2048xf32> to vector<512x128xf32>
    %jit3A_865 = arith.constant 0.000000e+00 : f32
    %broadcast_in_dim3A_866 = vector.broadcast %jit3A_865 : f32 to vector<512x128xf32>
    %select_n3A_867 = arith.select %eq3A_863, %slice3A_864, %broadcast_in_dim3A_866 : vector<512x128xi1>, vector<512x128xf32>
    %add3A_868 = arith.addf %select_n3A_860, %select_n3A_867 : vector<512x128xf32>
    %eq3A_869 = arith.constant 2 : i32
    %eq3A_870 = vector.broadcast %eq3A_869 : i32 to vector<512x128xi32>
    %eq3A_871 = arith.cmpi eq, %broadcast_in_dim3A_851, %eq3A_870 : vector<512x128xi32>
    %slice3A_872 = vector.extract_strided_slice %dot_general3A_853 {offsets = [0, 256], sizes = [512, 128], strides = [1, 1]} : vector<512x2048xf32> to vector<512x128xf32>
    %jit3A_873 = arith.constant 0.000000e+00 : f32
    %broadcast_in_dim3A_874 = vector.broadcast %jit3A_873 : f32 to vector<512x128xf32>
    %select_n3A_875 = arith.select %eq3A_871, %slice3A_872, %broadcast_in_dim3A_874 : vector<512x128xi1>, vector<512x128xf32>
    %add3A_876 = arith.addf %add3A_868, %select_n3A_875 : vector<512x128xf32>
    %eq3A_877 = arith.constant 3 : i32
    %eq3A_878 = vector.broadcast %eq3A_877 : i32 to vector<512x128xi32>
    %eq3A_879 = arith.cmpi eq, %broadcast_in_dim3A_851, %eq3A_878 : vector<512x128xi32>
    %slice3A_880 = vector.extract_strided_slice %dot_general3A_853 {offsets = [0, 384], sizes = [512, 128], strides = [1, 1]} : vector<512x2048xf32> to vector<512x128xf32>
    %jit3A_881 = arith.constant 0.000000e+00 : f32
    %broadcast_in_dim3A_882 = vector.broadcast %jit3A_881 : f32 to vector<512x128xf32>
    %select_n3A_883 = arith.select %eq3A_879, %slice3A_880, %broadcast_in_dim3A_882 : vector<512x128xi1>, vector<512x128xf32>
    %add3A_884 = arith.addf %add3A_876, %select_n3A_883 : vector<512x128xf32>
    %eq3A_885 = arith.constant 4 : i32
    %eq3A_886 = vector.broadcast %eq3A_885 : i32 to vector<512x128xi32>
    %eq3A_887 = arith.cmpi eq, %broadcast_in_dim3A_851, %eq3A_886 : vector<512x128xi32>
    %slice3A_888 = vector.extract_strided_slice %dot_general3A_853 {offsets = [0, 512], sizes = [512, 128], strides = [1, 1]} : vector<512x2048xf32> to vector<512x128xf32>
    %jit3A_889 = arith.constant 0.000000e+00 : f32
    %broadcast_in_dim3A_890 = vector.broadcast %jit3A_889 : f32 to vector<512x128xf32>
    %select_n3A_891 = arith.select %eq3A_887, %slice3A_888, %broadcast_in_dim3A_890 : vector<512x128xi1>, vector<512x128xf32>
    %add3A_892 = arith.addf %add3A_884, %select_n3A_891 : vector<512x128xf32>
    %eq3A_893 = arith.constant 5 : i32
    %eq3A_894 = vector.broadcast %eq3A_893 : i32 to vector<512x128xi32>
    %eq3A_895 = arith.cmpi eq, %broadcast_in_dim3A_851, %eq3A_894 : vector<512x128xi32>
    %slice3A_896 = vector.extract_strided_slice %dot_general3A_853 {offsets = [0, 640], sizes = [512, 128], strides = [1, 1]} : vector<512x2048xf32> to vector<512x128xf32>
    %jit3A_897 = arith.constant 0.000000e+00 : f32
    %broadcast_in_dim3A_898 = vector.broadcast %jit3A_897 : f32 to vector<512x128xf32>
    %select_n3A_899 = arith.select %eq3A_895, %slice3A_896, %broadcast_in_dim3A_898 : vector<512x128xi1>, vector<512x128xf32>
    %add3A_900 = arith.addf %add3A_892, %select_n3A_899 : vector<512x128xf32>
    %eq3A_901 = arith.constant 6 : i32
    %eq3A_902 = vector.broadcast %eq3A_901 : i32 to vector<512x128xi32>
    %eq3A_903 = arith.cmpi eq, %broadcast_in_dim3A_851, %eq3A_902 : vector<512x128xi32>
    %slice3A_904 = vector.extract_strided_slice %dot_general3A_853 {offsets = [0, 768], sizes = [512, 128], strides = [1, 1]} : vector<512x2048xf32> to vector<512x128xf32>
    %jit3A_905 = arith.constant 0.000000e+00 : f32
    %broadcast_in_dim3A_906 = vector.broadcast %jit3A_905 : f32 to vector<512x128xf32>
    %select_n3A_907 = arith.select %eq3A_903, %slice3A_904, %broadcast_in_dim3A_906 : vector<512x128xi1>, vector<512x128xf32>
    %add3A_908 = arith.addf %add3A_900, %select_n3A_907 : vector<512x128xf32>
    %eq3A_909 = arith.constant 7 : i32
    %eq3A_910 = vector.broadcast %eq3A_909 : i32 to vector<512x128xi32>
    %eq3A_911 = arith.cmpi eq, %broadcast_in_dim3A_851, %eq3A_910 : vector<512x128xi32>
    %slice3A_912 = vector.extract_strided_slice %dot_general3A_853 {offsets = [0, 896], sizes = [512, 128], strides = [1, 1]} : vector<512x2048xf32> to vector<512x128xf32>
    %jit3A_913 = arith.constant 0.000000e+00 : f32
    %broadcast_in_dim3A_914 = vector.broadcast %jit3A_913 : f32 to vector<512x128xf32>
    %select_n3A_915 = arith.select %eq3A_911, %slice3A_912, %broadcast_in_dim3A_914 : vector<512x128xi1>, vector<512x128xf32>
    %add3A_916 = arith.addf %add3A_908, %select_n3A_915 : vector<512x128xf32>
    %eq3A_917 = arith.constant 8 : i32
    %eq3A_918 = vector.broadcast %eq3A_917 : i32 to vector<512x128xi32>
    %eq3A_919 = arith.cmpi eq, %broadcast_in_dim3A_851, %eq3A_918 : vector<512x128xi32>
    %slice3A_920 = vector.extract_strided_slice %dot_general3A_853 {offsets = [0, 1024], sizes = [512, 128], strides = [1, 1]} : vector<512x2048xf32> to vector<512x128xf32>
    %jit3A_921 = arith.constant 0.000000e+00 : f32
    %broadcast_in_dim3A_922 = vector.broadcast %jit3A_921 : f32 to vector<512x128xf32>
    %select_n3A_923 = arith.select %eq3A_919, %slice3A_920, %broadcast_in_dim3A_922 : vector<512x128xi1>, vector<512x128xf32>
    %add3A_924 = arith.addf %add3A_916, %select_n3A_923 : vector<512x128xf32>
    %eq3A_925 = arith.constant 9 : i32
    %eq3A_926 = vector.broadcast %eq3A_925 : i32 to vector<512x128xi32>
    %eq3A_927 = arith.cmpi eq, %broadcast_in_dim3A_851, %eq3A_926 : vector<512x128xi32>
    %slice3A_928 = vector.extract_strided_slice %dot_general3A_853 {offsets = [0, 1152], sizes = [512, 128], strides = [1, 1]} : vector<512x2048xf32> to vector<512x128xf32>
    %jit3A_929 = arith.constant 0.000000e+00 : f32
    %broadcast_in_dim3A_930 = vector.broadcast %jit3A_929 : f32 to vector<512x128xf32>
    %select_n3A_931 = arith.select %eq3A_927, %slice3A_928, %broadcast_in_dim3A_930 : vector<512x128xi1>, vector<512x128xf32>
    %add3A_932 = arith.addf %add3A_924, %select_n3A_931 : vector<512x128xf32>
    %eq3A_933 = arith.constant 10 : i32
    %eq3A_934 = vector.broadcast %eq3A_933 : i32 to vector<512x128xi32>
    %eq3A_935 = arith.cmpi eq, %broadcast_in_dim3A_851, %eq3A_934 : vector<512x128xi32>
    %slice3A_936 = vector.extract_strided_slice %dot_general3A_853 {offsets = [0, 1280], sizes = [512, 128], strides = [1, 1]} : vector<512x2048xf32> to vector<512x128xf32>
    %jit3A_937 = arith.constant 0.000000e+00 : f32
    %broadcast_in_dim3A_938 = vector.broadcast %jit3A_937 : f32 to vector<512x128xf32>
    %select_n3A_939 = arith.select %eq3A_935, %slice3A_936, %broadcast_in_dim3A_938 : vector<512x128xi1>, vector<512x128xf32>
    %add3A_940 = arith.addf %add3A_932, %select_n3A_939 : vector<512x128xf32>
    %eq3A_941 = arith.constant 11 : i32
    %eq3A_942 = vector.broadcast %eq3A_941 : i32 to vector<512x128xi32>
    %eq3A_943 = arith.cmpi eq, %broadcast_in_dim3A_851, %eq3A_942 : vector<512x128xi32>
    %slice3A_944 = vector.extract_strided_slice %dot_general3A_853 {offsets = [0, 1408], sizes = [512, 128], strides = [1, 1]} : vector<512x2048xf32> to vector<512x128xf32>
    %jit3A_945 = arith.constant 0.000000e+00 : f32
    %broadcast_in_dim3A_946 = vector.broadcast %jit3A_945 : f32 to vector<512x128xf32>
    %select_n3A_947 = arith.select %eq3A_943, %slice3A_944, %broadcast_in_dim3A_946 : vector<512x128xi1>, vector<512x128xf32>
    %add3A_948 = arith.addf %add3A_940, %select_n3A_947 : vector<512x128xf32>
    %eq3A_949 = arith.constant 12 : i32
    %eq3A_950 = vector.broadcast %eq3A_949 : i32 to vector<512x128xi32>
    %eq3A_951 = arith.cmpi eq, %broadcast_in_dim3A_851, %eq3A_950 : vector<512x128xi32>
    %slice3A_952 = vector.extract_strided_slice %dot_general3A_853 {offsets = [0, 1536], sizes = [512, 128], strides = [1, 1]} : vector<512x2048xf32> to vector<512x128xf32>
    %jit3A_953 = arith.constant 0.000000e+00 : f32
    %broadcast_in_dim3A_954 = vector.broadcast %jit3A_953 : f32 to vector<512x128xf32>
    %select_n3A_955 = arith.select %eq3A_951, %slice3A_952, %broadcast_in_dim3A_954 : vector<512x128xi1>, vector<512x128xf32>
    %add3A_956 = arith.addf %add3A_948, %select_n3A_955 : vector<512x128xf32>
    %eq3A_957 = arith.constant 13 : i32
    %eq3A_958 = vector.broadcast %eq3A_957 : i32 to vector<512x128xi32>
    %eq3A_959 = arith.cmpi eq, %broadcast_in_dim3A_851, %eq3A_958 : vector<512x128xi32>
    %slice3A_960 = vector.extract_strided_slice %dot_general3A_853 {offsets = [0, 1664], sizes = [512, 128], strides = [1, 1]} : vector<512x2048xf32> to vector<512x128xf32>
    %jit3A_961 = arith.constant 0.000000e+00 : f32
    %broadcast_in_dim3A_962 = vector.broadcast %jit3A_961 : f32 to vector<512x128xf32>
    %select_n3A_963 = arith.select %eq3A_959, %slice3A_960, %broadcast_in_dim3A_962 : vector<512x128xi1>, vector<512x128xf32>
    %add3A_964 = arith.addf %add3A_956, %select_n3A_963 : vector<512x128xf32>
    %eq3A_965 = arith.constant 14 : i32
    %eq3A_966 = vector.broadcast %eq3A_965 : i32 to vector<512x128xi32>
    %eq3A_967 = arith.cmpi eq, %broadcast_in_dim3A_851, %eq3A_966 : vector<512x128xi32>
    %slice3A_968 = vector.extract_strided_slice %dot_general3A_853 {offsets = [0, 1792], sizes = [512, 128], strides = [1, 1]} : vector<512x2048xf32> to vector<512x128xf32>
    %jit3A_969 = arith.constant 0.000000e+00 : f32
    %broadcast_in_dim3A_970 = vector.broadcast %jit3A_969 : f32 to vector<512x128xf32>
    %select_n3A_971 = arith.select %eq3A_967, %slice3A_968, %broadcast_in_dim3A_970 : vector<512x128xi1>, vector<512x128xf32>
    %add3A_972 = arith.addf %add3A_964, %select_n3A_971 : vector<512x128xf32>
    %eq3A_973 = arith.constant 15 : i32
    %eq3A_974 = vector.broadcast %eq3A_973 : i32 to vector<512x128xi32>
    %eq3A_975 = arith.cmpi eq, %broadcast_in_dim3A_851, %eq3A_974 : vector<512x128xi32>
    %slice3A_976 = vector.extract_strided_slice %dot_general3A_853 {offsets = [0, 1920], sizes = [512, 128], strides = [1, 1]} : vector<512x2048xf32> to vector<512x128xf32>
    %jit3A_977 = arith.constant 0.000000e+00 : f32
    %broadcast_in_dim3A_978 = vector.broadcast %jit3A_977 : f32 to vector<512x128xf32>
    %select_n3A_979 = arith.select %eq3A_975, %slice3A_976, %broadcast_in_dim3A_978 : vector<512x128xi1>, vector<512x128xf32>
    %add3A_980 = arith.addf %add3A_972, %select_n3A_979 : vector<512x128xf32>
    %tanh3A_981 = math.tanh %add3A_980 : vector<512x128xf32>
    %reshape3A_982 = vector.shape_cast %tanh3A_981 : vector<512x128xf32> to vector<256x2x128xf32>
    %slice3A_983 = vector.extract_strided_slice %reshape3A_982 {offsets = [0, 0, 0], sizes = [256, 1, 128], strides = [1, 1, 1]} : vector<256x2x128xf32> to vector<256x1x128xf32>
    %squeeze3A_984 = vector.shape_cast %slice3A_983 : vector<256x1x128xf32> to vector<256x128xf32>
    %slice3A_985 = vector.extract_strided_slice %reshape3A_982 {offsets = [0, 1, 0], sizes = [256, 1, 128], strides = [1, 1, 1]} : vector<256x2x128xf32> to vector<256x1x128xf32>
    %squeeze3A_986 = vector.shape_cast %slice3A_985 : vector<256x1x128xf32> to vector<256x128xf32>
    %add3A_987 = arith.addf %squeeze3A_984, %squeeze3A_986 : vector<256x128xf32>
    %get3A_988 = arith.constant 255 : index
    %get3A_989 = arith.constant 0 : index
    %get3A_990 = vector.load %arg0[%get3A_988, %get3A_989] : memref<8191x1xi32, #tpu.memory_space<vmem>>, vector<256x1xi32>
    %eq3A_991 = vector.broadcast %get3A_990 : vector<256x1xi32> to vector<256x16xi32>
    %eq3A_992 = vector.broadcast %iota3A : vector<1x16xi32> to vector<256x16xi32>
    %eq3A_993 = arith.cmpi eq, %eq3A_991, %eq3A_992 : vector<256x16xi32>
    %convert_element_type3A_994 = arith.extui %eq3A_993 : vector<256x16xi1> to vector<256x16xi32>
    %convert_element_type3A_995 = arith.sitofp %convert_element_type3A_994 : vector<256x16xi32> to vector<256x16xf32>
    %convert_element_type3A_996 = arith.truncf %convert_element_type3A_995 : vector<256x16xf32> to vector<256x16xbf16>
    %convert_element_type3A_997 = arith.truncf %add3A_987 : vector<256x128xf32> to vector<256x128xbf16>
    %concatenate3A_998 = tpu.concatenate %convert_element_type3A_997, %convert_element_type3A_996 in 1 : vector<256x128xbf16>, vector<256x16xbf16> -> vector<256x144xbf16>
    %broadcast_in_dim3A_999 = vector.shape_cast %get3A_990 : vector<256x1xi32> to vector<256x1xi32>
    %broadcast_in_dim3A_1000 = vector.broadcast %broadcast_in_dim3A_999 : vector<256x1xi32> to vector<256x128xi32>
    %dot_general3A_1001 = arith.constant dense<0.000000e+00> : vector<256x2048xf32>
    %dot_general3A_1002 = tpu.matmul %concatenate3A_998, %concatenate3A, %dot_general3A_1001 {dimension_numbers = #tpu.dot_dimension_numbers<[1], [1], [0], [0], [0, 0, 1, 0], [], []>, transpose_lhs_hint = false} : vector<256x144xbf16>, vector<2048x144xbf16>, vector<256x2048xf32> -> vector<256x2048xf32>
    %eq3A_1003 = arith.constant 0 : i32
    %eq3A_1004 = vector.broadcast %eq3A_1003 : i32 to vector<256x128xi32>
    %eq3A_1005 = arith.cmpi eq, %broadcast_in_dim3A_1000, %eq3A_1004 : vector<256x128xi32>
    %slice3A_1006 = vector.extract_strided_slice %dot_general3A_1002 {offsets = [0, 0], sizes = [256, 128], strides = [1, 1]} : vector<256x2048xf32> to vector<256x128xf32>
    %jit3A_1007 = arith.constant 0.000000e+00 : f32
    %broadcast_in_dim3A_1008 = vector.broadcast %jit3A_1007 : f32 to vector<256x128xf32>
    %select_n3A_1009 = arith.select %eq3A_1005, %slice3A_1006, %broadcast_in_dim3A_1008 : vector<256x128xi1>, vector<256x128xf32>
    %eq3A_1010 = arith.constant 1 : i32
    %eq3A_1011 = vector.broadcast %eq3A_1010 : i32 to vector<256x128xi32>
    %eq3A_1012 = arith.cmpi eq, %broadcast_in_dim3A_1000, %eq3A_1011 : vector<256x128xi32>
    %slice3A_1013 = vector.extract_strided_slice %dot_general3A_1002 {offsets = [0, 128], sizes = [256, 128], strides = [1, 1]} : vector<256x2048xf32> to vector<256x128xf32>
    %jit3A_1014 = arith.constant 0.000000e+00 : f32
    %broadcast_in_dim3A_1015 = vector.broadcast %jit3A_1014 : f32 to vector<256x128xf32>
    %select_n3A_1016 = arith.select %eq3A_1012, %slice3A_1013, %broadcast_in_dim3A_1015 : vector<256x128xi1>, vector<256x128xf32>
    %add3A_1017 = arith.addf %select_n3A_1009, %select_n3A_1016 : vector<256x128xf32>
    %eq3A_1018 = arith.constant 2 : i32
    %eq3A_1019 = vector.broadcast %eq3A_1018 : i32 to vector<256x128xi32>
    %eq3A_1020 = arith.cmpi eq, %broadcast_in_dim3A_1000, %eq3A_1019 : vector<256x128xi32>
    %slice3A_1021 = vector.extract_strided_slice %dot_general3A_1002 {offsets = [0, 256], sizes = [256, 128], strides = [1, 1]} : vector<256x2048xf32> to vector<256x128xf32>
    %jit3A_1022 = arith.constant 0.000000e+00 : f32
    %broadcast_in_dim3A_1023 = vector.broadcast %jit3A_1022 : f32 to vector<256x128xf32>
    %select_n3A_1024 = arith.select %eq3A_1020, %slice3A_1021, %broadcast_in_dim3A_1023 : vector<256x128xi1>, vector<256x128xf32>
    %add3A_1025 = arith.addf %add3A_1017, %select_n3A_1024 : vector<256x128xf32>
    %eq3A_1026 = arith.constant 3 : i32
    %eq3A_1027 = vector.broadcast %eq3A_1026 : i32 to vector<256x128xi32>
    %eq3A_1028 = arith.cmpi eq, %broadcast_in_dim3A_1000, %eq3A_1027 : vector<256x128xi32>
    %slice3A_1029 = vector.extract_strided_slice %dot_general3A_1002 {offsets = [0, 384], sizes = [256, 128], strides = [1, 1]} : vector<256x2048xf32> to vector<256x128xf32>
    %jit3A_1030 = arith.constant 0.000000e+00 : f32
    %broadcast_in_dim3A_1031 = vector.broadcast %jit3A_1030 : f32 to vector<256x128xf32>
    %select_n3A_1032 = arith.select %eq3A_1028, %slice3A_1029, %broadcast_in_dim3A_1031 : vector<256x128xi1>, vector<256x128xf32>
    %add3A_1033 = arith.addf %add3A_1025, %select_n3A_1032 : vector<256x128xf32>
    %eq3A_1034 = arith.constant 4 : i32
    %eq3A_1035 = vector.broadcast %eq3A_1034 : i32 to vector<256x128xi32>
    %eq3A_1036 = arith.cmpi eq, %broadcast_in_dim3A_1000, %eq3A_1035 : vector<256x128xi32>
    %slice3A_1037 = vector.extract_strided_slice %dot_general3A_1002 {offsets = [0, 512], sizes = [256, 128], strides = [1, 1]} : vector<256x2048xf32> to vector<256x128xf32>
    %jit3A_1038 = arith.constant 0.000000e+00 : f32
    %broadcast_in_dim3A_1039 = vector.broadcast %jit3A_1038 : f32 to vector<256x128xf32>
    %select_n3A_1040 = arith.select %eq3A_1036, %slice3A_1037, %broadcast_in_dim3A_1039 : vector<256x128xi1>, vector<256x128xf32>
    %add3A_1041 = arith.addf %add3A_1033, %select_n3A_1040 : vector<256x128xf32>
    %eq3A_1042 = arith.constant 5 : i32
    %eq3A_1043 = vector.broadcast %eq3A_1042 : i32 to vector<256x128xi32>
    %eq3A_1044 = arith.cmpi eq, %broadcast_in_dim3A_1000, %eq3A_1043 : vector<256x128xi32>
    %slice3A_1045 = vector.extract_strided_slice %dot_general3A_1002 {offsets = [0, 640], sizes = [256, 128], strides = [1, 1]} : vector<256x2048xf32> to vector<256x128xf32>
    %jit3A_1046 = arith.constant 0.000000e+00 : f32
    %broadcast_in_dim3A_1047 = vector.broadcast %jit3A_1046 : f32 to vector<256x128xf32>
    %select_n3A_1048 = arith.select %eq3A_1044, %slice3A_1045, %broadcast_in_dim3A_1047 : vector<256x128xi1>, vector<256x128xf32>
    %add3A_1049 = arith.addf %add3A_1041, %select_n3A_1048 : vector<256x128xf32>
    %eq3A_1050 = arith.constant 6 : i32
    %eq3A_1051 = vector.broadcast %eq3A_1050 : i32 to vector<256x128xi32>
    %eq3A_1052 = arith.cmpi eq, %broadcast_in_dim3A_1000, %eq3A_1051 : vector<256x128xi32>
    %slice3A_1053 = vector.extract_strided_slice %dot_general3A_1002 {offsets = [0, 768], sizes = [256, 128], strides = [1, 1]} : vector<256x2048xf32> to vector<256x128xf32>
    %jit3A_1054 = arith.constant 0.000000e+00 : f32
    %broadcast_in_dim3A_1055 = vector.broadcast %jit3A_1054 : f32 to vector<256x128xf32>
    %select_n3A_1056 = arith.select %eq3A_1052, %slice3A_1053, %broadcast_in_dim3A_1055 : vector<256x128xi1>, vector<256x128xf32>
    %add3A_1057 = arith.addf %add3A_1049, %select_n3A_1056 : vector<256x128xf32>
    %eq3A_1058 = arith.constant 7 : i32
    %eq3A_1059 = vector.broadcast %eq3A_1058 : i32 to vector<256x128xi32>
    %eq3A_1060 = arith.cmpi eq, %broadcast_in_dim3A_1000, %eq3A_1059 : vector<256x128xi32>
    %slice3A_1061 = vector.extract_strided_slice %dot_general3A_1002 {offsets = [0, 896], sizes = [256, 128], strides = [1, 1]} : vector<256x2048xf32> to vector<256x128xf32>
    %jit3A_1062 = arith.constant 0.000000e+00 : f32
    %broadcast_in_dim3A_1063 = vector.broadcast %jit3A_1062 : f32 to vector<256x128xf32>
    %select_n3A_1064 = arith.select %eq3A_1060, %slice3A_1061, %broadcast_in_dim3A_1063 : vector<256x128xi1>, vector<256x128xf32>
    %add3A_1065 = arith.addf %add3A_1057, %select_n3A_1064 : vector<256x128xf32>
    %eq3A_1066 = arith.constant 8 : i32
    %eq3A_1067 = vector.broadcast %eq3A_1066 : i32 to vector<256x128xi32>
    %eq3A_1068 = arith.cmpi eq, %broadcast_in_dim3A_1000, %eq3A_1067 : vector<256x128xi32>
    %slice3A_1069 = vector.extract_strided_slice %dot_general3A_1002 {offsets = [0, 1024], sizes = [256, 128], strides = [1, 1]} : vector<256x2048xf32> to vector<256x128xf32>
    %jit3A_1070 = arith.constant 0.000000e+00 : f32
    %broadcast_in_dim3A_1071 = vector.broadcast %jit3A_1070 : f32 to vector<256x128xf32>
    %select_n3A_1072 = arith.select %eq3A_1068, %slice3A_1069, %broadcast_in_dim3A_1071 : vector<256x128xi1>, vector<256x128xf32>
    %add3A_1073 = arith.addf %add3A_1065, %select_n3A_1072 : vector<256x128xf32>
    %eq3A_1074 = arith.constant 9 : i32
    %eq3A_1075 = vector.broadcast %eq3A_1074 : i32 to vector<256x128xi32>
    %eq3A_1076 = arith.cmpi eq, %broadcast_in_dim3A_1000, %eq3A_1075 : vector<256x128xi32>
    %slice3A_1077 = vector.extract_strided_slice %dot_general3A_1002 {offsets = [0, 1152], sizes = [256, 128], strides = [1, 1]} : vector<256x2048xf32> to vector<256x128xf32>
    %jit3A_1078 = arith.constant 0.000000e+00 : f32
    %broadcast_in_dim3A_1079 = vector.broadcast %jit3A_1078 : f32 to vector<256x128xf32>
    %select_n3A_1080 = arith.select %eq3A_1076, %slice3A_1077, %broadcast_in_dim3A_1079 : vector<256x128xi1>, vector<256x128xf32>
    %add3A_1081 = arith.addf %add3A_1073, %select_n3A_1080 : vector<256x128xf32>
    %eq3A_1082 = arith.constant 10 : i32
    %eq3A_1083 = vector.broadcast %eq3A_1082 : i32 to vector<256x128xi32>
    %eq3A_1084 = arith.cmpi eq, %broadcast_in_dim3A_1000, %eq3A_1083 : vector<256x128xi32>
    %slice3A_1085 = vector.extract_strided_slice %dot_general3A_1002 {offsets = [0, 1280], sizes = [256, 128], strides = [1, 1]} : vector<256x2048xf32> to vector<256x128xf32>
    %jit3A_1086 = arith.constant 0.000000e+00 : f32
    %broadcast_in_dim3A_1087 = vector.broadcast %jit3A_1086 : f32 to vector<256x128xf32>
    %select_n3A_1088 = arith.select %eq3A_1084, %slice3A_1085, %broadcast_in_dim3A_1087 : vector<256x128xi1>, vector<256x128xf32>
    %add3A_1089 = arith.addf %add3A_1081, %select_n3A_1088 : vector<256x128xf32>
    %eq3A_1090 = arith.constant 11 : i32
    %eq3A_1091 = vector.broadcast %eq3A_1090 : i32 to vector<256x128xi32>
    %eq3A_1092 = arith.cmpi eq, %broadcast_in_dim3A_1000, %eq3A_1091 : vector<256x128xi32>
    %slice3A_1093 = vector.extract_strided_slice %dot_general3A_1002 {offsets = [0, 1408], sizes = [256, 128], strides = [1, 1]} : vector<256x2048xf32> to vector<256x128xf32>
    %jit3A_1094 = arith.constant 0.000000e+00 : f32
    %broadcast_in_dim3A_1095 = vector.broadcast %jit3A_1094 : f32 to vector<256x128xf32>
    %select_n3A_1096 = arith.select %eq3A_1092, %slice3A_1093, %broadcast_in_dim3A_1095 : vector<256x128xi1>, vector<256x128xf32>
    %add3A_1097 = arith.addf %add3A_1089, %select_n3A_1096 : vector<256x128xf32>
    %eq3A_1098 = arith.constant 12 : i32
    %eq3A_1099 = vector.broadcast %eq3A_1098 : i32 to vector<256x128xi32>
    %eq3A_1100 = arith.cmpi eq, %broadcast_in_dim3A_1000, %eq3A_1099 : vector<256x128xi32>
    %slice3A_1101 = vector.extract_strided_slice %dot_general3A_1002 {offsets = [0, 1536], sizes = [256, 128], strides = [1, 1]} : vector<256x2048xf32> to vector<256x128xf32>
    %jit3A_1102 = arith.constant 0.000000e+00 : f32
    %broadcast_in_dim3A_1103 = vector.broadcast %jit3A_1102 : f32 to vector<256x128xf32>
    %select_n3A_1104 = arith.select %eq3A_1100, %slice3A_1101, %broadcast_in_dim3A_1103 : vector<256x128xi1>, vector<256x128xf32>
    %add3A_1105 = arith.addf %add3A_1097, %select_n3A_1104 : vector<256x128xf32>
    %eq3A_1106 = arith.constant 13 : i32
    %eq3A_1107 = vector.broadcast %eq3A_1106 : i32 to vector<256x128xi32>
    %eq3A_1108 = arith.cmpi eq, %broadcast_in_dim3A_1000, %eq3A_1107 : vector<256x128xi32>
    %slice3A_1109 = vector.extract_strided_slice %dot_general3A_1002 {offsets = [0, 1664], sizes = [256, 128], strides = [1, 1]} : vector<256x2048xf32> to vector<256x128xf32>
    %jit3A_1110 = arith.constant 0.000000e+00 : f32
    %broadcast_in_dim3A_1111 = vector.broadcast %jit3A_1110 : f32 to vector<256x128xf32>
    %select_n3A_1112 = arith.select %eq3A_1108, %slice3A_1109, %broadcast_in_dim3A_1111 : vector<256x128xi1>, vector<256x128xf32>
    %add3A_1113 = arith.addf %add3A_1105, %select_n3A_1112 : vector<256x128xf32>
    %eq3A_1114 = arith.constant 14 : i32
    %eq3A_1115 = vector.broadcast %eq3A_1114 : i32 to vector<256x128xi32>
    %eq3A_1116 = arith.cmpi eq, %broadcast_in_dim3A_1000, %eq3A_1115 : vector<256x128xi32>
    %slice3A_1117 = vector.extract_strided_slice %dot_general3A_1002 {offsets = [0, 1792], sizes = [256, 128], strides = [1, 1]} : vector<256x2048xf32> to vector<256x128xf32>
    %jit3A_1118 = arith.constant 0.000000e+00 : f32
    %broadcast_in_dim3A_1119 = vector.broadcast %jit3A_1118 : f32 to vector<256x128xf32>
    %select_n3A_1120 = arith.select %eq3A_1116, %slice3A_1117, %broadcast_in_dim3A_1119 : vector<256x128xi1>, vector<256x128xf32>
    %add3A_1121 = arith.addf %add3A_1113, %select_n3A_1120 : vector<256x128xf32>
    %eq3A_1122 = arith.constant 15 : i32
    %eq3A_1123 = vector.broadcast %eq3A_1122 : i32 to vector<256x128xi32>
    %eq3A_1124 = arith.cmpi eq, %broadcast_in_dim3A_1000, %eq3A_1123 : vector<256x128xi32>
    %slice3A_1125 = vector.extract_strided_slice %dot_general3A_1002 {offsets = [0, 1920], sizes = [256, 128], strides = [1, 1]} : vector<256x2048xf32> to vector<256x128xf32>
    %jit3A_1126 = arith.constant 0.000000e+00 : f32
    %broadcast_in_dim3A_1127 = vector.broadcast %jit3A_1126 : f32 to vector<256x128xf32>
    %select_n3A_1128 = arith.select %eq3A_1124, %slice3A_1125, %broadcast_in_dim3A_1127 : vector<256x128xi1>, vector<256x128xf32>
    %add3A_1129 = arith.addf %add3A_1121, %select_n3A_1128 : vector<256x128xf32>
    %tanh3A_1130 = math.tanh %add3A_1129 : vector<256x128xf32>
    %reshape3A_1131 = vector.shape_cast %tanh3A_1130 : vector<256x128xf32> to vector<128x2x128xf32>
    %slice3A_1132 = vector.extract_strided_slice %reshape3A_1131 {offsets = [0, 0, 0], sizes = [128, 1, 128], strides = [1, 1, 1]} : vector<128x2x128xf32> to vector<128x1x128xf32>
    %squeeze3A_1133 = vector.shape_cast %slice3A_1132 : vector<128x1x128xf32> to vector<128x128xf32>
    %slice3A_1134 = vector.extract_strided_slice %reshape3A_1131 {offsets = [0, 1, 0], sizes = [128, 1, 128], strides = [1, 1, 1]} : vector<128x2x128xf32> to vector<128x1x128xf32>
    %squeeze3A_1135 = vector.shape_cast %slice3A_1134 : vector<128x1x128xf32> to vector<128x128xf32>
    %add3A_1136 = arith.addf %squeeze3A_1133, %squeeze3A_1135 : vector<128x128xf32>
    %get3A_1137 = arith.constant 127 : index
    %get3A_1138 = arith.constant 0 : index
    %get3A_1139 = vector.load %arg0[%get3A_1137, %get3A_1138] : memref<8191x1xi32, #tpu.memory_space<vmem>>, vector<128x1xi32>
    %eq3A_1140 = vector.broadcast %get3A_1139 : vector<128x1xi32> to vector<128x16xi32>
    %eq3A_1141 = vector.broadcast %iota3A : vector<1x16xi32> to vector<128x16xi32>
    %eq3A_1142 = arith.cmpi eq, %eq3A_1140, %eq3A_1141 : vector<128x16xi32>
    %convert_element_type3A_1143 = arith.extui %eq3A_1142 : vector<128x16xi1> to vector<128x16xi32>
    %convert_element_type3A_1144 = arith.sitofp %convert_element_type3A_1143 : vector<128x16xi32> to vector<128x16xf32>
    %convert_element_type3A_1145 = arith.truncf %convert_element_type3A_1144 : vector<128x16xf32> to vector<128x16xbf16>
    %convert_element_type3A_1146 = arith.truncf %add3A_1136 : vector<128x128xf32> to vector<128x128xbf16>
    %concatenate3A_1147 = tpu.concatenate %convert_element_type3A_1146, %convert_element_type3A_1145 in 1 : vector<128x128xbf16>, vector<128x16xbf16> -> vector<128x144xbf16>
    %broadcast_in_dim3A_1148 = vector.shape_cast %get3A_1139 : vector<128x1xi32> to vector<128x1xi32>
    %broadcast_in_dim3A_1149 = vector.broadcast %broadcast_in_dim3A_1148 : vector<128x1xi32> to vector<128x128xi32>
    %dot_general3A_1150 = arith.constant dense<0.000000e+00> : vector<128x2048xf32>
    %dot_general3A_1151 = tpu.matmul %concatenate3A_1147, %concatenate3A, %dot_general3A_1150 {dimension_numbers = #tpu.dot_dimension_numbers<[1], [1], [0], [0], [0, 0, 1, 0], [], []>, transpose_lhs_hint = false} : vector<128x144xbf16>, vector<2048x144xbf16>, vector<128x2048xf32> -> vector<128x2048xf32>
    %eq3A_1152 = arith.constant 0 : i32
    %eq3A_1153 = vector.broadcast %eq3A_1152 : i32 to vector<128x128xi32>
    %eq3A_1154 = arith.cmpi eq, %broadcast_in_dim3A_1149, %eq3A_1153 : vector<128x128xi32>
    %slice3A_1155 = vector.extract_strided_slice %dot_general3A_1151 {offsets = [0, 0], sizes = [128, 128], strides = [1, 1]} : vector<128x2048xf32> to vector<128x128xf32>
    %jit3A_1156 = arith.constant 0.000000e+00 : f32
    %broadcast_in_dim3A_1157 = vector.broadcast %jit3A_1156 : f32 to vector<128x128xf32>
    %select_n3A_1158 = arith.select %eq3A_1154, %slice3A_1155, %broadcast_in_dim3A_1157 : vector<128x128xi1>, vector<128x128xf32>
    %eq3A_1159 = arith.constant 1 : i32
    %eq3A_1160 = vector.broadcast %eq3A_1159 : i32 to vector<128x128xi32>
    %eq3A_1161 = arith.cmpi eq, %broadcast_in_dim3A_1149, %eq3A_1160 : vector<128x128xi32>
    %slice3A_1162 = vector.extract_strided_slice %dot_general3A_1151 {offsets = [0, 128], sizes = [128, 128], strides = [1, 1]} : vector<128x2048xf32> to vector<128x128xf32>
    %jit3A_1163 = arith.constant 0.000000e+00 : f32
    %broadcast_in_dim3A_1164 = vector.broadcast %jit3A_1163 : f32 to vector<128x128xf32>
    %select_n3A_1165 = arith.select %eq3A_1161, %slice3A_1162, %broadcast_in_dim3A_1164 : vector<128x128xi1>, vector<128x128xf32>
    %add3A_1166 = arith.addf %select_n3A_1158, %select_n3A_1165 : vector<128x128xf32>
    %eq3A_1167 = arith.constant 2 : i32
    %eq3A_1168 = vector.broadcast %eq3A_1167 : i32 to vector<128x128xi32>
    %eq3A_1169 = arith.cmpi eq, %broadcast_in_dim3A_1149, %eq3A_1168 : vector<128x128xi32>
    %slice3A_1170 = vector.extract_strided_slice %dot_general3A_1151 {offsets = [0, 256], sizes = [128, 128], strides = [1, 1]} : vector<128x2048xf32> to vector<128x128xf32>
    %jit3A_1171 = arith.constant 0.000000e+00 : f32
    %broadcast_in_dim3A_1172 = vector.broadcast %jit3A_1171 : f32 to vector<128x128xf32>
    %select_n3A_1173 = arith.select %eq3A_1169, %slice3A_1170, %broadcast_in_dim3A_1172 : vector<128x128xi1>, vector<128x128xf32>
    %add3A_1174 = arith.addf %add3A_1166, %select_n3A_1173 : vector<128x128xf32>
    %eq3A_1175 = arith.constant 3 : i32
    %eq3A_1176 = vector.broadcast %eq3A_1175 : i32 to vector<128x128xi32>
    %eq3A_1177 = arith.cmpi eq, %broadcast_in_dim3A_1149, %eq3A_1176 : vector<128x128xi32>
    %slice3A_1178 = vector.extract_strided_slice %dot_general3A_1151 {offsets = [0, 384], sizes = [128, 128], strides = [1, 1]} : vector<128x2048xf32> to vector<128x128xf32>
    %jit3A_1179 = arith.constant 0.000000e+00 : f32
    %broadcast_in_dim3A_1180 = vector.broadcast %jit3A_1179 : f32 to vector<128x128xf32>
    %select_n3A_1181 = arith.select %eq3A_1177, %slice3A_1178, %broadcast_in_dim3A_1180 : vector<128x128xi1>, vector<128x128xf32>
    %add3A_1182 = arith.addf %add3A_1174, %select_n3A_1181 : vector<128x128xf32>
    %eq3A_1183 = arith.constant 4 : i32
    %eq3A_1184 = vector.broadcast %eq3A_1183 : i32 to vector<128x128xi32>
    %eq3A_1185 = arith.cmpi eq, %broadcast_in_dim3A_1149, %eq3A_1184 : vector<128x128xi32>
    %slice3A_1186 = vector.extract_strided_slice %dot_general3A_1151 {offsets = [0, 512], sizes = [128, 128], strides = [1, 1]} : vector<128x2048xf32> to vector<128x128xf32>
    %jit3A_1187 = arith.constant 0.000000e+00 : f32
    %broadcast_in_dim3A_1188 = vector.broadcast %jit3A_1187 : f32 to vector<128x128xf32>
    %select_n3A_1189 = arith.select %eq3A_1185, %slice3A_1186, %broadcast_in_dim3A_1188 : vector<128x128xi1>, vector<128x128xf32>
    %add3A_1190 = arith.addf %add3A_1182, %select_n3A_1189 : vector<128x128xf32>
    %eq3A_1191 = arith.constant 5 : i32
    %eq3A_1192 = vector.broadcast %eq3A_1191 : i32 to vector<128x128xi32>
    %eq3A_1193 = arith.cmpi eq, %broadcast_in_dim3A_1149, %eq3A_1192 : vector<128x128xi32>
    %slice3A_1194 = vector.extract_strided_slice %dot_general3A_1151 {offsets = [0, 640], sizes = [128, 128], strides = [1, 1]} : vector<128x2048xf32> to vector<128x128xf32>
    %jit3A_1195 = arith.constant 0.000000e+00 : f32
    %broadcast_in_dim3A_1196 = vector.broadcast %jit3A_1195 : f32 to vector<128x128xf32>
    %select_n3A_1197 = arith.select %eq3A_1193, %slice3A_1194, %broadcast_in_dim3A_1196 : vector<128x128xi1>, vector<128x128xf32>
    %add3A_1198 = arith.addf %add3A_1190, %select_n3A_1197 : vector<128x128xf32>
    %eq3A_1199 = arith.constant 6 : i32
    %eq3A_1200 = vector.broadcast %eq3A_1199 : i32 to vector<128x128xi32>
    %eq3A_1201 = arith.cmpi eq, %broadcast_in_dim3A_1149, %eq3A_1200 : vector<128x128xi32>
    %slice3A_1202 = vector.extract_strided_slice %dot_general3A_1151 {offsets = [0, 768], sizes = [128, 128], strides = [1, 1]} : vector<128x2048xf32> to vector<128x128xf32>
    %jit3A_1203 = arith.constant 0.000000e+00 : f32
    %broadcast_in_dim3A_1204 = vector.broadcast %jit3A_1203 : f32 to vector<128x128xf32>
    %select_n3A_1205 = arith.select %eq3A_1201, %slice3A_1202, %broadcast_in_dim3A_1204 : vector<128x128xi1>, vector<128x128xf32>
    %add3A_1206 = arith.addf %add3A_1198, %select_n3A_1205 : vector<128x128xf32>
    %eq3A_1207 = arith.constant 7 : i32
    %eq3A_1208 = vector.broadcast %eq3A_1207 : i32 to vector<128x128xi32>
    %eq3A_1209 = arith.cmpi eq, %broadcast_in_dim3A_1149, %eq3A_1208 : vector<128x128xi32>
    %slice3A_1210 = vector.extract_strided_slice %dot_general3A_1151 {offsets = [0, 896], sizes = [128, 128], strides = [1, 1]} : vector<128x2048xf32> to vector<128x128xf32>
    %jit3A_1211 = arith.constant 0.000000e+00 : f32
    %broadcast_in_dim3A_1212 = vector.broadcast %jit3A_1211 : f32 to vector<128x128xf32>
    %select_n3A_1213 = arith.select %eq3A_1209, %slice3A_1210, %broadcast_in_dim3A_1212 : vector<128x128xi1>, vector<128x128xf32>
    %add3A_1214 = arith.addf %add3A_1206, %select_n3A_1213 : vector<128x128xf32>
    %eq3A_1215 = arith.constant 8 : i32
    %eq3A_1216 = vector.broadcast %eq3A_1215 : i32 to vector<128x128xi32>
    %eq3A_1217 = arith.cmpi eq, %broadcast_in_dim3A_1149, %eq3A_1216 : vector<128x128xi32>
    %slice3A_1218 = vector.extract_strided_slice %dot_general3A_1151 {offsets = [0, 1024], sizes = [128, 128], strides = [1, 1]} : vector<128x2048xf32> to vector<128x128xf32>
    %jit3A_1219 = arith.constant 0.000000e+00 : f32
    %broadcast_in_dim3A_1220 = vector.broadcast %jit3A_1219 : f32 to vector<128x128xf32>
    %select_n3A_1221 = arith.select %eq3A_1217, %slice3A_1218, %broadcast_in_dim3A_1220 : vector<128x128xi1>, vector<128x128xf32>
    %add3A_1222 = arith.addf %add3A_1214, %select_n3A_1221 : vector<128x128xf32>
    %eq3A_1223 = arith.constant 9 : i32
    %eq3A_1224 = vector.broadcast %eq3A_1223 : i32 to vector<128x128xi32>
    %eq3A_1225 = arith.cmpi eq, %broadcast_in_dim3A_1149, %eq3A_1224 : vector<128x128xi32>
    %slice3A_1226 = vector.extract_strided_slice %dot_general3A_1151 {offsets = [0, 1152], sizes = [128, 128], strides = [1, 1]} : vector<128x2048xf32> to vector<128x128xf32>
    %jit3A_1227 = arith.constant 0.000000e+00 : f32
    %broadcast_in_dim3A_1228 = vector.broadcast %jit3A_1227 : f32 to vector<128x128xf32>
    %select_n3A_1229 = arith.select %eq3A_1225, %slice3A_1226, %broadcast_in_dim3A_1228 : vector<128x128xi1>, vector<128x128xf32>
    %add3A_1230 = arith.addf %add3A_1222, %select_n3A_1229 : vector<128x128xf32>
    %eq3A_1231 = arith.constant 10 : i32
    %eq3A_1232 = vector.broadcast %eq3A_1231 : i32 to vector<128x128xi32>
    %eq3A_1233 = arith.cmpi eq, %broadcast_in_dim3A_1149, %eq3A_1232 : vector<128x128xi32>
    %slice3A_1234 = vector.extract_strided_slice %dot_general3A_1151 {offsets = [0, 1280], sizes = [128, 128], strides = [1, 1]} : vector<128x2048xf32> to vector<128x128xf32>
    %jit3A_1235 = arith.constant 0.000000e+00 : f32
    %broadcast_in_dim3A_1236 = vector.broadcast %jit3A_1235 : f32 to vector<128x128xf32>
    %select_n3A_1237 = arith.select %eq3A_1233, %slice3A_1234, %broadcast_in_dim3A_1236 : vector<128x128xi1>, vector<128x128xf32>
    %add3A_1238 = arith.addf %add3A_1230, %select_n3A_1237 : vector<128x128xf32>
    %eq3A_1239 = arith.constant 11 : i32
    %eq3A_1240 = vector.broadcast %eq3A_1239 : i32 to vector<128x128xi32>
    %eq3A_1241 = arith.cmpi eq, %broadcast_in_dim3A_1149, %eq3A_1240 : vector<128x128xi32>
    %slice3A_1242 = vector.extract_strided_slice %dot_general3A_1151 {offsets = [0, 1408], sizes = [128, 128], strides = [1, 1]} : vector<128x2048xf32> to vector<128x128xf32>
    %jit3A_1243 = arith.constant 0.000000e+00 : f32
    %broadcast_in_dim3A_1244 = vector.broadcast %jit3A_1243 : f32 to vector<128x128xf32>
    %select_n3A_1245 = arith.select %eq3A_1241, %slice3A_1242, %broadcast_in_dim3A_1244 : vector<128x128xi1>, vector<128x128xf32>
    %add3A_1246 = arith.addf %add3A_1238, %select_n3A_1245 : vector<128x128xf32>
    %eq3A_1247 = arith.constant 12 : i32
    %eq3A_1248 = vector.broadcast %eq3A_1247 : i32 to vector<128x128xi32>
    %eq3A_1249 = arith.cmpi eq, %broadcast_in_dim3A_1149, %eq3A_1248 : vector<128x128xi32>
    %slice3A_1250 = vector.extract_strided_slice %dot_general3A_1151 {offsets = [0, 1536], sizes = [128, 128], strides = [1, 1]} : vector<128x2048xf32> to vector<128x128xf32>
    %jit3A_1251 = arith.constant 0.000000e+00 : f32
    %broadcast_in_dim3A_1252 = vector.broadcast %jit3A_1251 : f32 to vector<128x128xf32>
    %select_n3A_1253 = arith.select %eq3A_1249, %slice3A_1250, %broadcast_in_dim3A_1252 : vector<128x128xi1>, vector<128x128xf32>
    %add3A_1254 = arith.addf %add3A_1246, %select_n3A_1253 : vector<128x128xf32>
    %eq3A_1255 = arith.constant 13 : i32
    %eq3A_1256 = vector.broadcast %eq3A_1255 : i32 to vector<128x128xi32>
    %eq3A_1257 = arith.cmpi eq, %broadcast_in_dim3A_1149, %eq3A_1256 : vector<128x128xi32>
    %slice3A_1258 = vector.extract_strided_slice %dot_general3A_1151 {offsets = [0, 1664], sizes = [128, 128], strides = [1, 1]} : vector<128x2048xf32> to vector<128x128xf32>
    %jit3A_1259 = arith.constant 0.000000e+00 : f32
    %broadcast_in_dim3A_1260 = vector.broadcast %jit3A_1259 : f32 to vector<128x128xf32>
    %select_n3A_1261 = arith.select %eq3A_1257, %slice3A_1258, %broadcast_in_dim3A_1260 : vector<128x128xi1>, vector<128x128xf32>
    %add3A_1262 = arith.addf %add3A_1254, %select_n3A_1261 : vector<128x128xf32>
    %eq3A_1263 = arith.constant 14 : i32
    %eq3A_1264 = vector.broadcast %eq3A_1263 : i32 to vector<128x128xi32>
    %eq3A_1265 = arith.cmpi eq, %broadcast_in_dim3A_1149, %eq3A_1264 : vector<128x128xi32>
    %slice3A_1266 = vector.extract_strided_slice %dot_general3A_1151 {offsets = [0, 1792], sizes = [128, 128], strides = [1, 1]} : vector<128x2048xf32> to vector<128x128xf32>
    %jit3A_1267 = arith.constant 0.000000e+00 : f32
    %broadcast_in_dim3A_1268 = vector.broadcast %jit3A_1267 : f32 to vector<128x128xf32>
    %select_n3A_1269 = arith.select %eq3A_1265, %slice3A_1266, %broadcast_in_dim3A_1268 : vector<128x128xi1>, vector<128x128xf32>
    %add3A_1270 = arith.addf %add3A_1262, %select_n3A_1269 : vector<128x128xf32>
    %eq3A_1271 = arith.constant 15 : i32
    %eq3A_1272 = vector.broadcast %eq3A_1271 : i32 to vector<128x128xi32>
    %eq3A_1273 = arith.cmpi eq, %broadcast_in_dim3A_1149, %eq3A_1272 : vector<128x128xi32>
    %slice3A_1274 = vector.extract_strided_slice %dot_general3A_1151 {offsets = [0, 1920], sizes = [128, 128], strides = [1, 1]} : vector<128x2048xf32> to vector<128x128xf32>
    %jit3A_1275 = arith.constant 0.000000e+00 : f32
    %broadcast_in_dim3A_1276 = vector.broadcast %jit3A_1275 : f32 to vector<128x128xf32>
    %select_n3A_1277 = arith.select %eq3A_1273, %slice3A_1274, %broadcast_in_dim3A_1276 : vector<128x128xi1>, vector<128x128xf32>
    %add3A_1278 = arith.addf %add3A_1270, %select_n3A_1277 : vector<128x128xf32>
    %tanh3A_1279 = math.tanh %add3A_1278 : vector<128x128xf32>
    %reshape3A_1280 = vector.shape_cast %tanh3A_1279 : vector<128x128xf32> to vector<64x2x128xf32>
    %slice3A_1281 = vector.extract_strided_slice %reshape3A_1280 {offsets = [0, 0, 0], sizes = [64, 1, 128], strides = [1, 1, 1]} : vector<64x2x128xf32> to vector<64x1x128xf32>
    %squeeze3A_1282 = vector.shape_cast %slice3A_1281 : vector<64x1x128xf32> to vector<64x128xf32>
    %slice3A_1283 = vector.extract_strided_slice %reshape3A_1280 {offsets = [0, 1, 0], sizes = [64, 1, 128], strides = [1, 1, 1]} : vector<64x2x128xf32> to vector<64x1x128xf32>
    %squeeze3A_1284 = vector.shape_cast %slice3A_1283 : vector<64x1x128xf32> to vector<64x128xf32>
    %add3A_1285 = arith.addf %squeeze3A_1282, %squeeze3A_1284 : vector<64x128xf32>
    %get3A_1286 = arith.constant 63 : index
    %get3A_1287 = arith.constant 0 : index
    %get3A_1288 = vector.load %arg0[%get3A_1286, %get3A_1287] : memref<8191x1xi32, #tpu.memory_space<vmem>>, vector<64x1xi32>
    %eq3A_1289 = vector.broadcast %get3A_1288 : vector<64x1xi32> to vector<64x16xi32>
    %eq3A_1290 = vector.broadcast %iota3A : vector<1x16xi32> to vector<64x16xi32>
    %eq3A_1291 = arith.cmpi eq, %eq3A_1289, %eq3A_1290 : vector<64x16xi32>
    %convert_element_type3A_1292 = arith.extui %eq3A_1291 : vector<64x16xi1> to vector<64x16xi32>
    %convert_element_type3A_1293 = arith.sitofp %convert_element_type3A_1292 : vector<64x16xi32> to vector<64x16xf32>
    %convert_element_type3A_1294 = arith.truncf %convert_element_type3A_1293 : vector<64x16xf32> to vector<64x16xbf16>
    %convert_element_type3A_1295 = arith.truncf %add3A_1285 : vector<64x128xf32> to vector<64x128xbf16>
    %concatenate3A_1296 = tpu.concatenate %convert_element_type3A_1295, %convert_element_type3A_1294 in 1 : vector<64x128xbf16>, vector<64x16xbf16> -> vector<64x144xbf16>
    %broadcast_in_dim3A_1297 = vector.shape_cast %get3A_1288 : vector<64x1xi32> to vector<64x1xi32>
    %broadcast_in_dim3A_1298 = vector.broadcast %broadcast_in_dim3A_1297 : vector<64x1xi32> to vector<64x128xi32>
    %dot_general3A_1299 = arith.constant dense<0.000000e+00> : vector<64x2048xf32>
    %dot_general3A_1300 = tpu.matmul %concatenate3A_1296, %concatenate3A, %dot_general3A_1299 {dimension_numbers = #tpu.dot_dimension_numbers<[1], [1], [0], [0], [0, 0, 1, 0], [], []>, transpose_lhs_hint = false} : vector<64x144xbf16>, vector<2048x144xbf16>, vector<64x2048xf32> -> vector<64x2048xf32>
    %eq3A_1301 = arith.constant 0 : i32
    %eq3A_1302 = vector.broadcast %eq3A_1301 : i32 to vector<64x128xi32>
    %eq3A_1303 = arith.cmpi eq, %broadcast_in_dim3A_1298, %eq3A_1302 : vector<64x128xi32>
    %slice3A_1304 = vector.extract_strided_slice %dot_general3A_1300 {offsets = [0, 0], sizes = [64, 128], strides = [1, 1]} : vector<64x2048xf32> to vector<64x128xf32>
    %jit3A_1305 = arith.constant 0.000000e+00 : f32
    %broadcast_in_dim3A_1306 = vector.broadcast %jit3A_1305 : f32 to vector<64x128xf32>
    %select_n3A_1307 = arith.select %eq3A_1303, %slice3A_1304, %broadcast_in_dim3A_1306 : vector<64x128xi1>, vector<64x128xf32>
    %eq3A_1308 = arith.constant 1 : i32
    %eq3A_1309 = vector.broadcast %eq3A_1308 : i32 to vector<64x128xi32>
    %eq3A_1310 = arith.cmpi eq, %broadcast_in_dim3A_1298, %eq3A_1309 : vector<64x128xi32>
    %slice3A_1311 = vector.extract_strided_slice %dot_general3A_1300 {offsets = [0, 128], sizes = [64, 128], strides = [1, 1]} : vector<64x2048xf32> to vector<64x128xf32>
    %jit3A_1312 = arith.constant 0.000000e+00 : f32
    %broadcast_in_dim3A_1313 = vector.broadcast %jit3A_1312 : f32 to vector<64x128xf32>
    %select_n3A_1314 = arith.select %eq3A_1310, %slice3A_1311, %broadcast_in_dim3A_1313 : vector<64x128xi1>, vector<64x128xf32>
    %add3A_1315 = arith.addf %select_n3A_1307, %select_n3A_1314 : vector<64x128xf32>
    %eq3A_1316 = arith.constant 2 : i32
    %eq3A_1317 = vector.broadcast %eq3A_1316 : i32 to vector<64x128xi32>
    %eq3A_1318 = arith.cmpi eq, %broadcast_in_dim3A_1298, %eq3A_1317 : vector<64x128xi32>
    %slice3A_1319 = vector.extract_strided_slice %dot_general3A_1300 {offsets = [0, 256], sizes = [64, 128], strides = [1, 1]} : vector<64x2048xf32> to vector<64x128xf32>
    %jit3A_1320 = arith.constant 0.000000e+00 : f32
    %broadcast_in_dim3A_1321 = vector.broadcast %jit3A_1320 : f32 to vector<64x128xf32>
    %select_n3A_1322 = arith.select %eq3A_1318, %slice3A_1319, %broadcast_in_dim3A_1321 : vector<64x128xi1>, vector<64x128xf32>
    %add3A_1323 = arith.addf %add3A_1315, %select_n3A_1322 : vector<64x128xf32>
    %eq3A_1324 = arith.constant 3 : i32
    %eq3A_1325 = vector.broadcast %eq3A_1324 : i32 to vector<64x128xi32>
    %eq3A_1326 = arith.cmpi eq, %broadcast_in_dim3A_1298, %eq3A_1325 : vector<64x128xi32>
    %slice3A_1327 = vector.extract_strided_slice %dot_general3A_1300 {offsets = [0, 384], sizes = [64, 128], strides = [1, 1]} : vector<64x2048xf32> to vector<64x128xf32>
    %jit3A_1328 = arith.constant 0.000000e+00 : f32
    %broadcast_in_dim3A_1329 = vector.broadcast %jit3A_1328 : f32 to vector<64x128xf32>
    %select_n3A_1330 = arith.select %eq3A_1326, %slice3A_1327, %broadcast_in_dim3A_1329 : vector<64x128xi1>, vector<64x128xf32>
    %add3A_1331 = arith.addf %add3A_1323, %select_n3A_1330 : vector<64x128xf32>
    %eq3A_1332 = arith.constant 4 : i32
    %eq3A_1333 = vector.broadcast %eq3A_1332 : i32 to vector<64x128xi32>
    %eq3A_1334 = arith.cmpi eq, %broadcast_in_dim3A_1298, %eq3A_1333 : vector<64x128xi32>
    %slice3A_1335 = vector.extract_strided_slice %dot_general3A_1300 {offsets = [0, 512], sizes = [64, 128], strides = [1, 1]} : vector<64x2048xf32> to vector<64x128xf32>
    %jit3A_1336 = arith.constant 0.000000e+00 : f32
    %broadcast_in_dim3A_1337 = vector.broadcast %jit3A_1336 : f32 to vector<64x128xf32>
    %select_n3A_1338 = arith.select %eq3A_1334, %slice3A_1335, %broadcast_in_dim3A_1337 : vector<64x128xi1>, vector<64x128xf32>
    %add3A_1339 = arith.addf %add3A_1331, %select_n3A_1338 : vector<64x128xf32>
    %eq3A_1340 = arith.constant 5 : i32
    %eq3A_1341 = vector.broadcast %eq3A_1340 : i32 to vector<64x128xi32>
    %eq3A_1342 = arith.cmpi eq, %broadcast_in_dim3A_1298, %eq3A_1341 : vector<64x128xi32>
    %slice3A_1343 = vector.extract_strided_slice %dot_general3A_1300 {offsets = [0, 640], sizes = [64, 128], strides = [1, 1]} : vector<64x2048xf32> to vector<64x128xf32>
    %jit3A_1344 = arith.constant 0.000000e+00 : f32
    %broadcast_in_dim3A_1345 = vector.broadcast %jit3A_1344 : f32 to vector<64x128xf32>
    %select_n3A_1346 = arith.select %eq3A_1342, %slice3A_1343, %broadcast_in_dim3A_1345 : vector<64x128xi1>, vector<64x128xf32>
    %add3A_1347 = arith.addf %add3A_1339, %select_n3A_1346 : vector<64x128xf32>
    %eq3A_1348 = arith.constant 6 : i32
    %eq3A_1349 = vector.broadcast %eq3A_1348 : i32 to vector<64x128xi32>
    %eq3A_1350 = arith.cmpi eq, %broadcast_in_dim3A_1298, %eq3A_1349 : vector<64x128xi32>
    %slice3A_1351 = vector.extract_strided_slice %dot_general3A_1300 {offsets = [0, 768], sizes = [64, 128], strides = [1, 1]} : vector<64x2048xf32> to vector<64x128xf32>
    %jit3A_1352 = arith.constant 0.000000e+00 : f32
    %broadcast_in_dim3A_1353 = vector.broadcast %jit3A_1352 : f32 to vector<64x128xf32>
    %select_n3A_1354 = arith.select %eq3A_1350, %slice3A_1351, %broadcast_in_dim3A_1353 : vector<64x128xi1>, vector<64x128xf32>
    %add3A_1355 = arith.addf %add3A_1347, %select_n3A_1354 : vector<64x128xf32>
    %eq3A_1356 = arith.constant 7 : i32
    %eq3A_1357 = vector.broadcast %eq3A_1356 : i32 to vector<64x128xi32>
    %eq3A_1358 = arith.cmpi eq, %broadcast_in_dim3A_1298, %eq3A_1357 : vector<64x128xi32>
    %slice3A_1359 = vector.extract_strided_slice %dot_general3A_1300 {offsets = [0, 896], sizes = [64, 128], strides = [1, 1]} : vector<64x2048xf32> to vector<64x128xf32>
    %jit3A_1360 = arith.constant 0.000000e+00 : f32
    %broadcast_in_dim3A_1361 = vector.broadcast %jit3A_1360 : f32 to vector<64x128xf32>
    %select_n3A_1362 = arith.select %eq3A_1358, %slice3A_1359, %broadcast_in_dim3A_1361 : vector<64x128xi1>, vector<64x128xf32>
    %add3A_1363 = arith.addf %add3A_1355, %select_n3A_1362 : vector<64x128xf32>
    %eq3A_1364 = arith.constant 8 : i32
    %eq3A_1365 = vector.broadcast %eq3A_1364 : i32 to vector<64x128xi32>
    %eq3A_1366 = arith.cmpi eq, %broadcast_in_dim3A_1298, %eq3A_1365 : vector<64x128xi32>
    %slice3A_1367 = vector.extract_strided_slice %dot_general3A_1300 {offsets = [0, 1024], sizes = [64, 128], strides = [1, 1]} : vector<64x2048xf32> to vector<64x128xf32>
    %jit3A_1368 = arith.constant 0.000000e+00 : f32
    %broadcast_in_dim3A_1369 = vector.broadcast %jit3A_1368 : f32 to vector<64x128xf32>
    %select_n3A_1370 = arith.select %eq3A_1366, %slice3A_1367, %broadcast_in_dim3A_1369 : vector<64x128xi1>, vector<64x128xf32>
    %add3A_1371 = arith.addf %add3A_1363, %select_n3A_1370 : vector<64x128xf32>
    %eq3A_1372 = arith.constant 9 : i32
    %eq3A_1373 = vector.broadcast %eq3A_1372 : i32 to vector<64x128xi32>
    %eq3A_1374 = arith.cmpi eq, %broadcast_in_dim3A_1298, %eq3A_1373 : vector<64x128xi32>
    %slice3A_1375 = vector.extract_strided_slice %dot_general3A_1300 {offsets = [0, 1152], sizes = [64, 128], strides = [1, 1]} : vector<64x2048xf32> to vector<64x128xf32>
    %jit3A_1376 = arith.constant 0.000000e+00 : f32
    %broadcast_in_dim3A_1377 = vector.broadcast %jit3A_1376 : f32 to vector<64x128xf32>
    %select_n3A_1378 = arith.select %eq3A_1374, %slice3A_1375, %broadcast_in_dim3A_1377 : vector<64x128xi1>, vector<64x128xf32>
    %add3A_1379 = arith.addf %add3A_1371, %select_n3A_1378 : vector<64x128xf32>
    %eq3A_1380 = arith.constant 10 : i32
    %eq3A_1381 = vector.broadcast %eq3A_1380 : i32 to vector<64x128xi32>
    %eq3A_1382 = arith.cmpi eq, %broadcast_in_dim3A_1298, %eq3A_1381 : vector<64x128xi32>
    %slice3A_1383 = vector.extract_strided_slice %dot_general3A_1300 {offsets = [0, 1280], sizes = [64, 128], strides = [1, 1]} : vector<64x2048xf32> to vector<64x128xf32>
    %jit3A_1384 = arith.constant 0.000000e+00 : f32
    %broadcast_in_dim3A_1385 = vector.broadcast %jit3A_1384 : f32 to vector<64x128xf32>
    %select_n3A_1386 = arith.select %eq3A_1382, %slice3A_1383, %broadcast_in_dim3A_1385 : vector<64x128xi1>, vector<64x128xf32>
    %add3A_1387 = arith.addf %add3A_1379, %select_n3A_1386 : vector<64x128xf32>
    %eq3A_1388 = arith.constant 11 : i32
    %eq3A_1389 = vector.broadcast %eq3A_1388 : i32 to vector<64x128xi32>
    %eq3A_1390 = arith.cmpi eq, %broadcast_in_dim3A_1298, %eq3A_1389 : vector<64x128xi32>
    %slice3A_1391 = vector.extract_strided_slice %dot_general3A_1300 {offsets = [0, 1408], sizes = [64, 128], strides = [1, 1]} : vector<64x2048xf32> to vector<64x128xf32>
    %jit3A_1392 = arith.constant 0.000000e+00 : f32
    %broadcast_in_dim3A_1393 = vector.broadcast %jit3A_1392 : f32 to vector<64x128xf32>
    %select_n3A_1394 = arith.select %eq3A_1390, %slice3A_1391, %broadcast_in_dim3A_1393 : vector<64x128xi1>, vector<64x128xf32>
    %add3A_1395 = arith.addf %add3A_1387, %select_n3A_1394 : vector<64x128xf32>
    %eq3A_1396 = arith.constant 12 : i32
    %eq3A_1397 = vector.broadcast %eq3A_1396 : i32 to vector<64x128xi32>
    %eq3A_1398 = arith.cmpi eq, %broadcast_in_dim3A_1298, %eq3A_1397 : vector<64x128xi32>
    %slice3A_1399 = vector.extract_strided_slice %dot_general3A_1300 {offsets = [0, 1536], sizes = [64, 128], strides = [1, 1]} : vector<64x2048xf32> to vector<64x128xf32>
    %jit3A_1400 = arith.constant 0.000000e+00 : f32
    %broadcast_in_dim3A_1401 = vector.broadcast %jit3A_1400 : f32 to vector<64x128xf32>
    %select_n3A_1402 = arith.select %eq3A_1398, %slice3A_1399, %broadcast_in_dim3A_1401 : vector<64x128xi1>, vector<64x128xf32>
    %add3A_1403 = arith.addf %add3A_1395, %select_n3A_1402 : vector<64x128xf32>
    %eq3A_1404 = arith.constant 13 : i32
    %eq3A_1405 = vector.broadcast %eq3A_1404 : i32 to vector<64x128xi32>
    %eq3A_1406 = arith.cmpi eq, %broadcast_in_dim3A_1298, %eq3A_1405 : vector<64x128xi32>
    %slice3A_1407 = vector.extract_strided_slice %dot_general3A_1300 {offsets = [0, 1664], sizes = [64, 128], strides = [1, 1]} : vector<64x2048xf32> to vector<64x128xf32>
    %jit3A_1408 = arith.constant 0.000000e+00 : f32
    %broadcast_in_dim3A_1409 = vector.broadcast %jit3A_1408 : f32 to vector<64x128xf32>
    %select_n3A_1410 = arith.select %eq3A_1406, %slice3A_1407, %broadcast_in_dim3A_1409 : vector<64x128xi1>, vector<64x128xf32>
    %add3A_1411 = arith.addf %add3A_1403, %select_n3A_1410 : vector<64x128xf32>
    %eq3A_1412 = arith.constant 14 : i32
    %eq3A_1413 = vector.broadcast %eq3A_1412 : i32 to vector<64x128xi32>
    %eq3A_1414 = arith.cmpi eq, %broadcast_in_dim3A_1298, %eq3A_1413 : vector<64x128xi32>
    %slice3A_1415 = vector.extract_strided_slice %dot_general3A_1300 {offsets = [0, 1792], sizes = [64, 128], strides = [1, 1]} : vector<64x2048xf32> to vector<64x128xf32>
    %jit3A_1416 = arith.constant 0.000000e+00 : f32
    %broadcast_in_dim3A_1417 = vector.broadcast %jit3A_1416 : f32 to vector<64x128xf32>
    %select_n3A_1418 = arith.select %eq3A_1414, %slice3A_1415, %broadcast_in_dim3A_1417 : vector<64x128xi1>, vector<64x128xf32>
    %add3A_1419 = arith.addf %add3A_1411, %select_n3A_1418 : vector<64x128xf32>
    %eq3A_1420 = arith.constant 15 : i32
    %eq3A_1421 = vector.broadcast %eq3A_1420 : i32 to vector<64x128xi32>
    %eq3A_1422 = arith.cmpi eq, %broadcast_in_dim3A_1298, %eq3A_1421 : vector<64x128xi32>
    %slice3A_1423 = vector.extract_strided_slice %dot_general3A_1300 {offsets = [0, 1920], sizes = [64, 128], strides = [1, 1]} : vector<64x2048xf32> to vector<64x128xf32>
    %jit3A_1424 = arith.constant 0.000000e+00 : f32
    %broadcast_in_dim3A_1425 = vector.broadcast %jit3A_1424 : f32 to vector<64x128xf32>
    %select_n3A_1426 = arith.select %eq3A_1422, %slice3A_1423, %broadcast_in_dim3A_1425 : vector<64x128xi1>, vector<64x128xf32>
    %add3A_1427 = arith.addf %add3A_1419, %select_n3A_1426 : vector<64x128xf32>
    %tanh3A_1428 = math.tanh %add3A_1427 : vector<64x128xf32>
    %reshape3A_1429 = vector.shape_cast %tanh3A_1428 : vector<64x128xf32> to vector<32x2x128xf32>
    %slice3A_1430 = vector.extract_strided_slice %reshape3A_1429 {offsets = [0, 0, 0], sizes = [32, 1, 128], strides = [1, 1, 1]} : vector<32x2x128xf32> to vector<32x1x128xf32>
    %squeeze3A_1431 = vector.shape_cast %slice3A_1430 : vector<32x1x128xf32> to vector<32x128xf32>
    %slice3A_1432 = vector.extract_strided_slice %reshape3A_1429 {offsets = [0, 1, 0], sizes = [32, 1, 128], strides = [1, 1, 1]} : vector<32x2x128xf32> to vector<32x1x128xf32>
    %squeeze3A_1433 = vector.shape_cast %slice3A_1432 : vector<32x1x128xf32> to vector<32x128xf32>
    %add3A_1434 = arith.addf %squeeze3A_1431, %squeeze3A_1433 : vector<32x128xf32>
    %get3A_1435 = arith.constant 31 : index
    %get3A_1436 = arith.constant 0 : index
    %get3A_1437 = vector.load %arg0[%get3A_1435, %get3A_1436] : memref<8191x1xi32, #tpu.memory_space<vmem>>, vector<32x1xi32>
    %eq3A_1438 = vector.broadcast %get3A_1437 : vector<32x1xi32> to vector<32x16xi32>
    %eq3A_1439 = vector.broadcast %iota3A : vector<1x16xi32> to vector<32x16xi32>
    %eq3A_1440 = arith.cmpi eq, %eq3A_1438, %eq3A_1439 : vector<32x16xi32>
    %convert_element_type3A_1441 = arith.extui %eq3A_1440 : vector<32x16xi1> to vector<32x16xi32>
    %convert_element_type3A_1442 = arith.sitofp %convert_element_type3A_1441 : vector<32x16xi32> to vector<32x16xf32>
    %convert_element_type3A_1443 = arith.truncf %convert_element_type3A_1442 : vector<32x16xf32> to vector<32x16xbf16>
    %convert_element_type3A_1444 = arith.truncf %add3A_1434 : vector<32x128xf32> to vector<32x128xbf16>
    %concatenate3A_1445 = tpu.concatenate %convert_element_type3A_1444, %convert_element_type3A_1443 in 1 : vector<32x128xbf16>, vector<32x16xbf16> -> vector<32x144xbf16>
    %broadcast_in_dim3A_1446 = vector.shape_cast %get3A_1437 : vector<32x1xi32> to vector<32x1xi32>
    %broadcast_in_dim3A_1447 = vector.broadcast %broadcast_in_dim3A_1446 : vector<32x1xi32> to vector<32x128xi32>
    %dot_general3A_1448 = arith.constant dense<0.000000e+00> : vector<32x2048xf32>
    %dot_general3A_1449 = tpu.matmul %concatenate3A_1445, %concatenate3A, %dot_general3A_1448 {dimension_numbers = #tpu.dot_dimension_numbers<[1], [1], [0], [0], [0, 0, 1, 0], [], []>, transpose_lhs_hint = false} : vector<32x144xbf16>, vector<2048x144xbf16>, vector<32x2048xf32> -> vector<32x2048xf32>
    %eq3A_1450 = arith.constant 0 : i32
    %eq3A_1451 = vector.broadcast %eq3A_1450 : i32 to vector<32x128xi32>
    %eq3A_1452 = arith.cmpi eq, %broadcast_in_dim3A_1447, %eq3A_1451 : vector<32x128xi32>
    %slice3A_1453 = vector.extract_strided_slice %dot_general3A_1449 {offsets = [0, 0], sizes = [32, 128], strides = [1, 1]} : vector<32x2048xf32> to vector<32x128xf32>
    %jit3A_1454 = arith.constant 0.000000e+00 : f32
    %broadcast_in_dim3A_1455 = vector.broadcast %jit3A_1454 : f32 to vector<32x128xf32>
    %select_n3A_1456 = arith.select %eq3A_1452, %slice3A_1453, %broadcast_in_dim3A_1455 : vector<32x128xi1>, vector<32x128xf32>
    %eq3A_1457 = arith.constant 1 : i32
    %eq3A_1458 = vector.broadcast %eq3A_1457 : i32 to vector<32x128xi32>
    %eq3A_1459 = arith.cmpi eq, %broadcast_in_dim3A_1447, %eq3A_1458 : vector<32x128xi32>
    %slice3A_1460 = vector.extract_strided_slice %dot_general3A_1449 {offsets = [0, 128], sizes = [32, 128], strides = [1, 1]} : vector<32x2048xf32> to vector<32x128xf32>
    %jit3A_1461 = arith.constant 0.000000e+00 : f32
    %broadcast_in_dim3A_1462 = vector.broadcast %jit3A_1461 : f32 to vector<32x128xf32>
    %select_n3A_1463 = arith.select %eq3A_1459, %slice3A_1460, %broadcast_in_dim3A_1462 : vector<32x128xi1>, vector<32x128xf32>
    %add3A_1464 = arith.addf %select_n3A_1456, %select_n3A_1463 : vector<32x128xf32>
    %eq3A_1465 = arith.constant 2 : i32
    %eq3A_1466 = vector.broadcast %eq3A_1465 : i32 to vector<32x128xi32>
    %eq3A_1467 = arith.cmpi eq, %broadcast_in_dim3A_1447, %eq3A_1466 : vector<32x128xi32>
    %slice3A_1468 = vector.extract_strided_slice %dot_general3A_1449 {offsets = [0, 256], sizes = [32, 128], strides = [1, 1]} : vector<32x2048xf32> to vector<32x128xf32>
    %jit3A_1469 = arith.constant 0.000000e+00 : f32
    %broadcast_in_dim3A_1470 = vector.broadcast %jit3A_1469 : f32 to vector<32x128xf32>
    %select_n3A_1471 = arith.select %eq3A_1467, %slice3A_1468, %broadcast_in_dim3A_1470 : vector<32x128xi1>, vector<32x128xf32>
    %add3A_1472 = arith.addf %add3A_1464, %select_n3A_1471 : vector<32x128xf32>
    %eq3A_1473 = arith.constant 3 : i32
    %eq3A_1474 = vector.broadcast %eq3A_1473 : i32 to vector<32x128xi32>
    %eq3A_1475 = arith.cmpi eq, %broadcast_in_dim3A_1447, %eq3A_1474 : vector<32x128xi32>
    %slice3A_1476 = vector.extract_strided_slice %dot_general3A_1449 {offsets = [0, 384], sizes = [32, 128], strides = [1, 1]} : vector<32x2048xf32> to vector<32x128xf32>
    %jit3A_1477 = arith.constant 0.000000e+00 : f32
    %broadcast_in_dim3A_1478 = vector.broadcast %jit3A_1477 : f32 to vector<32x128xf32>
    %select_n3A_1479 = arith.select %eq3A_1475, %slice3A_1476, %broadcast_in_dim3A_1478 : vector<32x128xi1>, vector<32x128xf32>
    %add3A_1480 = arith.addf %add3A_1472, %select_n3A_1479 : vector<32x128xf32>
    %eq3A_1481 = arith.constant 4 : i32
    %eq3A_1482 = vector.broadcast %eq3A_1481 : i32 to vector<32x128xi32>
    %eq3A_1483 = arith.cmpi eq, %broadcast_in_dim3A_1447, %eq3A_1482 : vector<32x128xi32>
    %slice3A_1484 = vector.extract_strided_slice %dot_general3A_1449 {offsets = [0, 512], sizes = [32, 128], strides = [1, 1]} : vector<32x2048xf32> to vector<32x128xf32>
    %jit3A_1485 = arith.constant 0.000000e+00 : f32
    %broadcast_in_dim3A_1486 = vector.broadcast %jit3A_1485 : f32 to vector<32x128xf32>
    %select_n3A_1487 = arith.select %eq3A_1483, %slice3A_1484, %broadcast_in_dim3A_1486 : vector<32x128xi1>, vector<32x128xf32>
    %add3A_1488 = arith.addf %add3A_1480, %select_n3A_1487 : vector<32x128xf32>
    %eq3A_1489 = arith.constant 5 : i32
    %eq3A_1490 = vector.broadcast %eq3A_1489 : i32 to vector<32x128xi32>
    %eq3A_1491 = arith.cmpi eq, %broadcast_in_dim3A_1447, %eq3A_1490 : vector<32x128xi32>
    %slice3A_1492 = vector.extract_strided_slice %dot_general3A_1449 {offsets = [0, 640], sizes = [32, 128], strides = [1, 1]} : vector<32x2048xf32> to vector<32x128xf32>
    %jit3A_1493 = arith.constant 0.000000e+00 : f32
    %broadcast_in_dim3A_1494 = vector.broadcast %jit3A_1493 : f32 to vector<32x128xf32>
    %select_n3A_1495 = arith.select %eq3A_1491, %slice3A_1492, %broadcast_in_dim3A_1494 : vector<32x128xi1>, vector<32x128xf32>
    %add3A_1496 = arith.addf %add3A_1488, %select_n3A_1495 : vector<32x128xf32>
    %eq3A_1497 = arith.constant 6 : i32
    %eq3A_1498 = vector.broadcast %eq3A_1497 : i32 to vector<32x128xi32>
    %eq3A_1499 = arith.cmpi eq, %broadcast_in_dim3A_1447, %eq3A_1498 : vector<32x128xi32>
    %slice3A_1500 = vector.extract_strided_slice %dot_general3A_1449 {offsets = [0, 768], sizes = [32, 128], strides = [1, 1]} : vector<32x2048xf32> to vector<32x128xf32>
    %jit3A_1501 = arith.constant 0.000000e+00 : f32
    %broadcast_in_dim3A_1502 = vector.broadcast %jit3A_1501 : f32 to vector<32x128xf32>
    %select_n3A_1503 = arith.select %eq3A_1499, %slice3A_1500, %broadcast_in_dim3A_1502 : vector<32x128xi1>, vector<32x128xf32>
    %add3A_1504 = arith.addf %add3A_1496, %select_n3A_1503 : vector<32x128xf32>
    %eq3A_1505 = arith.constant 7 : i32
    %eq3A_1506 = vector.broadcast %eq3A_1505 : i32 to vector<32x128xi32>
    %eq3A_1507 = arith.cmpi eq, %broadcast_in_dim3A_1447, %eq3A_1506 : vector<32x128xi32>
    %slice3A_1508 = vector.extract_strided_slice %dot_general3A_1449 {offsets = [0, 896], sizes = [32, 128], strides = [1, 1]} : vector<32x2048xf32> to vector<32x128xf32>
    %jit3A_1509 = arith.constant 0.000000e+00 : f32
    %broadcast_in_dim3A_1510 = vector.broadcast %jit3A_1509 : f32 to vector<32x128xf32>
    %select_n3A_1511 = arith.select %eq3A_1507, %slice3A_1508, %broadcast_in_dim3A_1510 : vector<32x128xi1>, vector<32x128xf32>
    %add3A_1512 = arith.addf %add3A_1504, %select_n3A_1511 : vector<32x128xf32>
    %eq3A_1513 = arith.constant 8 : i32
    %eq3A_1514 = vector.broadcast %eq3A_1513 : i32 to vector<32x128xi32>
    %eq3A_1515 = arith.cmpi eq, %broadcast_in_dim3A_1447, %eq3A_1514 : vector<32x128xi32>
    %slice3A_1516 = vector.extract_strided_slice %dot_general3A_1449 {offsets = [0, 1024], sizes = [32, 128], strides = [1, 1]} : vector<32x2048xf32> to vector<32x128xf32>
    %jit3A_1517 = arith.constant 0.000000e+00 : f32
    %broadcast_in_dim3A_1518 = vector.broadcast %jit3A_1517 : f32 to vector<32x128xf32>
    %select_n3A_1519 = arith.select %eq3A_1515, %slice3A_1516, %broadcast_in_dim3A_1518 : vector<32x128xi1>, vector<32x128xf32>
    %add3A_1520 = arith.addf %add3A_1512, %select_n3A_1519 : vector<32x128xf32>
    %eq3A_1521 = arith.constant 9 : i32
    %eq3A_1522 = vector.broadcast %eq3A_1521 : i32 to vector<32x128xi32>
    %eq3A_1523 = arith.cmpi eq, %broadcast_in_dim3A_1447, %eq3A_1522 : vector<32x128xi32>
    %slice3A_1524 = vector.extract_strided_slice %dot_general3A_1449 {offsets = [0, 1152], sizes = [32, 128], strides = [1, 1]} : vector<32x2048xf32> to vector<32x128xf32>
    %jit3A_1525 = arith.constant 0.000000e+00 : f32
    %broadcast_in_dim3A_1526 = vector.broadcast %jit3A_1525 : f32 to vector<32x128xf32>
    %select_n3A_1527 = arith.select %eq3A_1523, %slice3A_1524, %broadcast_in_dim3A_1526 : vector<32x128xi1>, vector<32x128xf32>
    %add3A_1528 = arith.addf %add3A_1520, %select_n3A_1527 : vector<32x128xf32>
    %eq3A_1529 = arith.constant 10 : i32
    %eq3A_1530 = vector.broadcast %eq3A_1529 : i32 to vector<32x128xi32>
    %eq3A_1531 = arith.cmpi eq, %broadcast_in_dim3A_1447, %eq3A_1530 : vector<32x128xi32>
    %slice3A_1532 = vector.extract_strided_slice %dot_general3A_1449 {offsets = [0, 1280], sizes = [32, 128], strides = [1, 1]} : vector<32x2048xf32> to vector<32x128xf32>
    %jit3A_1533 = arith.constant 0.000000e+00 : f32
    %broadcast_in_dim3A_1534 = vector.broadcast %jit3A_1533 : f32 to vector<32x128xf32>
    %select_n3A_1535 = arith.select %eq3A_1531, %slice3A_1532, %broadcast_in_dim3A_1534 : vector<32x128xi1>, vector<32x128xf32>
    %add3A_1536 = arith.addf %add3A_1528, %select_n3A_1535 : vector<32x128xf32>
    %eq3A_1537 = arith.constant 11 : i32
    %eq3A_1538 = vector.broadcast %eq3A_1537 : i32 to vector<32x128xi32>
    %eq3A_1539 = arith.cmpi eq, %broadcast_in_dim3A_1447, %eq3A_1538 : vector<32x128xi32>
    %slice3A_1540 = vector.extract_strided_slice %dot_general3A_1449 {offsets = [0, 1408], sizes = [32, 128], strides = [1, 1]} : vector<32x2048xf32> to vector<32x128xf32>
    %jit3A_1541 = arith.constant 0.000000e+00 : f32
    %broadcast_in_dim3A_1542 = vector.broadcast %jit3A_1541 : f32 to vector<32x128xf32>
    %select_n3A_1543 = arith.select %eq3A_1539, %slice3A_1540, %broadcast_in_dim3A_1542 : vector<32x128xi1>, vector<32x128xf32>
    %add3A_1544 = arith.addf %add3A_1536, %select_n3A_1543 : vector<32x128xf32>
    %eq3A_1545 = arith.constant 12 : i32
    %eq3A_1546 = vector.broadcast %eq3A_1545 : i32 to vector<32x128xi32>
    %eq3A_1547 = arith.cmpi eq, %broadcast_in_dim3A_1447, %eq3A_1546 : vector<32x128xi32>
    %slice3A_1548 = vector.extract_strided_slice %dot_general3A_1449 {offsets = [0, 1536], sizes = [32, 128], strides = [1, 1]} : vector<32x2048xf32> to vector<32x128xf32>
    %jit3A_1549 = arith.constant 0.000000e+00 : f32
    %broadcast_in_dim3A_1550 = vector.broadcast %jit3A_1549 : f32 to vector<32x128xf32>
    %select_n3A_1551 = arith.select %eq3A_1547, %slice3A_1548, %broadcast_in_dim3A_1550 : vector<32x128xi1>, vector<32x128xf32>
    %add3A_1552 = arith.addf %add3A_1544, %select_n3A_1551 : vector<32x128xf32>
    %eq3A_1553 = arith.constant 13 : i32
    %eq3A_1554 = vector.broadcast %eq3A_1553 : i32 to vector<32x128xi32>
    %eq3A_1555 = arith.cmpi eq, %broadcast_in_dim3A_1447, %eq3A_1554 : vector<32x128xi32>
    %slice3A_1556 = vector.extract_strided_slice %dot_general3A_1449 {offsets = [0, 1664], sizes = [32, 128], strides = [1, 1]} : vector<32x2048xf32> to vector<32x128xf32>
    %jit3A_1557 = arith.constant 0.000000e+00 : f32
    %broadcast_in_dim3A_1558 = vector.broadcast %jit3A_1557 : f32 to vector<32x128xf32>
    %select_n3A_1559 = arith.select %eq3A_1555, %slice3A_1556, %broadcast_in_dim3A_1558 : vector<32x128xi1>, vector<32x128xf32>
    %add3A_1560 = arith.addf %add3A_1552, %select_n3A_1559 : vector<32x128xf32>
    %eq3A_1561 = arith.constant 14 : i32
    %eq3A_1562 = vector.broadcast %eq3A_1561 : i32 to vector<32x128xi32>
    %eq3A_1563 = arith.cmpi eq, %broadcast_in_dim3A_1447, %eq3A_1562 : vector<32x128xi32>
    %slice3A_1564 = vector.extract_strided_slice %dot_general3A_1449 {offsets = [0, 1792], sizes = [32, 128], strides = [1, 1]} : vector<32x2048xf32> to vector<32x128xf32>
    %jit3A_1565 = arith.constant 0.000000e+00 : f32
    %broadcast_in_dim3A_1566 = vector.broadcast %jit3A_1565 : f32 to vector<32x128xf32>
    %select_n3A_1567 = arith.select %eq3A_1563, %slice3A_1564, %broadcast_in_dim3A_1566 : vector<32x128xi1>, vector<32x128xf32>
    %add3A_1568 = arith.addf %add3A_1560, %select_n3A_1567 : vector<32x128xf32>
    %eq3A_1569 = arith.constant 15 : i32
    %eq3A_1570 = vector.broadcast %eq3A_1569 : i32 to vector<32x128xi32>
    %eq3A_1571 = arith.cmpi eq, %broadcast_in_dim3A_1447, %eq3A_1570 : vector<32x128xi32>
    %slice3A_1572 = vector.extract_strided_slice %dot_general3A_1449 {offsets = [0, 1920], sizes = [32, 128], strides = [1, 1]} : vector<32x2048xf32> to vector<32x128xf32>
    %jit3A_1573 = arith.constant 0.000000e+00 : f32
    %broadcast_in_dim3A_1574 = vector.broadcast %jit3A_1573 : f32 to vector<32x128xf32>
    %select_n3A_1575 = arith.select %eq3A_1571, %slice3A_1572, %broadcast_in_dim3A_1574 : vector<32x128xi1>, vector<32x128xf32>
    %add3A_1576 = arith.addf %add3A_1568, %select_n3A_1575 : vector<32x128xf32>
    %tanh3A_1577 = math.tanh %add3A_1576 : vector<32x128xf32>
    %reshape3A_1578 = vector.shape_cast %tanh3A_1577 : vector<32x128xf32> to vector<16x2x128xf32>
    %slice3A_1579 = vector.extract_strided_slice %reshape3A_1578 {offsets = [0, 0, 0], sizes = [16, 1, 128], strides = [1, 1, 1]} : vector<16x2x128xf32> to vector<16x1x128xf32>
    %squeeze3A_1580 = vector.shape_cast %slice3A_1579 : vector<16x1x128xf32> to vector<16x128xf32>
    %slice3A_1581 = vector.extract_strided_slice %reshape3A_1578 {offsets = [0, 1, 0], sizes = [16, 1, 128], strides = [1, 1, 1]} : vector<16x2x128xf32> to vector<16x1x128xf32>
    %squeeze3A_1582 = vector.shape_cast %slice3A_1581 : vector<16x1x128xf32> to vector<16x128xf32>
    %add3A_1583 = arith.addf %squeeze3A_1580, %squeeze3A_1582 : vector<16x128xf32>
    %get3A_1584 = arith.constant 15 : index
    %get3A_1585 = arith.constant 0 : index
    %get3A_1586 = vector.load %arg0[%get3A_1584, %get3A_1585] : memref<8191x1xi32, #tpu.memory_space<vmem>>, vector<16x1xi32>
    %eq3A_1587 = vector.broadcast %get3A_1586 : vector<16x1xi32> to vector<16x16xi32>
    %eq3A_1588 = vector.broadcast %iota3A : vector<1x16xi32> to vector<16x16xi32>
    %eq3A_1589 = arith.cmpi eq, %eq3A_1587, %eq3A_1588 : vector<16x16xi32>
    %convert_element_type3A_1590 = arith.extui %eq3A_1589 : vector<16x16xi1> to vector<16x16xi32>
    %convert_element_type3A_1591 = arith.sitofp %convert_element_type3A_1590 : vector<16x16xi32> to vector<16x16xf32>
    %convert_element_type3A_1592 = arith.truncf %convert_element_type3A_1591 : vector<16x16xf32> to vector<16x16xbf16>
    %convert_element_type3A_1593 = arith.truncf %add3A_1583 : vector<16x128xf32> to vector<16x128xbf16>
    %concatenate3A_1594 = tpu.concatenate %convert_element_type3A_1593, %convert_element_type3A_1592 in 1 : vector<16x128xbf16>, vector<16x16xbf16> -> vector<16x144xbf16>
    %broadcast_in_dim3A_1595 = vector.shape_cast %get3A_1586 : vector<16x1xi32> to vector<16x1xi32>
    %broadcast_in_dim3A_1596 = vector.broadcast %broadcast_in_dim3A_1595 : vector<16x1xi32> to vector<16x128xi32>
    %dot_general3A_1597 = arith.constant dense<0.000000e+00> : vector<16x2048xf32>
    %dot_general3A_1598 = tpu.matmul %concatenate3A_1594, %concatenate3A, %dot_general3A_1597 {dimension_numbers = #tpu.dot_dimension_numbers<[1], [1], [0], [0], [0, 0, 1, 0], [], []>, transpose_lhs_hint = false} : vector<16x144xbf16>, vector<2048x144xbf16>, vector<16x2048xf32> -> vector<16x2048xf32>
    %eq3A_1599 = arith.constant 0 : i32
    %eq3A_1600 = vector.broadcast %eq3A_1599 : i32 to vector<16x128xi32>
    %eq3A_1601 = arith.cmpi eq, %broadcast_in_dim3A_1596, %eq3A_1600 : vector<16x128xi32>
    %slice3A_1602 = vector.extract_strided_slice %dot_general3A_1598 {offsets = [0, 0], sizes = [16, 128], strides = [1, 1]} : vector<16x2048xf32> to vector<16x128xf32>
    %jit3A_1603 = arith.constant 0.000000e+00 : f32
    %broadcast_in_dim3A_1604 = vector.broadcast %jit3A_1603 : f32 to vector<16x128xf32>
    %select_n3A_1605 = arith.select %eq3A_1601, %slice3A_1602, %broadcast_in_dim3A_1604 : vector<16x128xi1>, vector<16x128xf32>
    %eq3A_1606 = arith.constant 1 : i32
    %eq3A_1607 = vector.broadcast %eq3A_1606 : i32 to vector<16x128xi32>
    %eq3A_1608 = arith.cmpi eq, %broadcast_in_dim3A_1596, %eq3A_1607 : vector<16x128xi32>
    %slice3A_1609 = vector.extract_strided_slice %dot_general3A_1598 {offsets = [0, 128], sizes = [16, 128], strides = [1, 1]} : vector<16x2048xf32> to vector<16x128xf32>
    %jit3A_1610 = arith.constant 0.000000e+00 : f32
    %broadcast_in_dim3A_1611 = vector.broadcast %jit3A_1610 : f32 to vector<16x128xf32>
    %select_n3A_1612 = arith.select %eq3A_1608, %slice3A_1609, %broadcast_in_dim3A_1611 : vector<16x128xi1>, vector<16x128xf32>
    %add3A_1613 = arith.addf %select_n3A_1605, %select_n3A_1612 : vector<16x128xf32>
    %eq3A_1614 = arith.constant 2 : i32
    %eq3A_1615 = vector.broadcast %eq3A_1614 : i32 to vector<16x128xi32>
    %eq3A_1616 = arith.cmpi eq, %broadcast_in_dim3A_1596, %eq3A_1615 : vector<16x128xi32>
    %slice3A_1617 = vector.extract_strided_slice %dot_general3A_1598 {offsets = [0, 256], sizes = [16, 128], strides = [1, 1]} : vector<16x2048xf32> to vector<16x128xf32>
    %jit3A_1618 = arith.constant 0.000000e+00 : f32
    %broadcast_in_dim3A_1619 = vector.broadcast %jit3A_1618 : f32 to vector<16x128xf32>
    %select_n3A_1620 = arith.select %eq3A_1616, %slice3A_1617, %broadcast_in_dim3A_1619 : vector<16x128xi1>, vector<16x128xf32>
    %add3A_1621 = arith.addf %add3A_1613, %select_n3A_1620 : vector<16x128xf32>
    %eq3A_1622 = arith.constant 3 : i32
    %eq3A_1623 = vector.broadcast %eq3A_1622 : i32 to vector<16x128xi32>
    %eq3A_1624 = arith.cmpi eq, %broadcast_in_dim3A_1596, %eq3A_1623 : vector<16x128xi32>
    %slice3A_1625 = vector.extract_strided_slice %dot_general3A_1598 {offsets = [0, 384], sizes = [16, 128], strides = [1, 1]} : vector<16x2048xf32> to vector<16x128xf32>
    %jit3A_1626 = arith.constant 0.000000e+00 : f32
    %broadcast_in_dim3A_1627 = vector.broadcast %jit3A_1626 : f32 to vector<16x128xf32>
    %select_n3A_1628 = arith.select %eq3A_1624, %slice3A_1625, %broadcast_in_dim3A_1627 : vector<16x128xi1>, vector<16x128xf32>
    %add3A_1629 = arith.addf %add3A_1621, %select_n3A_1628 : vector<16x128xf32>
    %eq3A_1630 = arith.constant 4 : i32
    %eq3A_1631 = vector.broadcast %eq3A_1630 : i32 to vector<16x128xi32>
    %eq3A_1632 = arith.cmpi eq, %broadcast_in_dim3A_1596, %eq3A_1631 : vector<16x128xi32>
    %slice3A_1633 = vector.extract_strided_slice %dot_general3A_1598 {offsets = [0, 512], sizes = [16, 128], strides = [1, 1]} : vector<16x2048xf32> to vector<16x128xf32>
    %jit3A_1634 = arith.constant 0.000000e+00 : f32
    %broadcast_in_dim3A_1635 = vector.broadcast %jit3A_1634 : f32 to vector<16x128xf32>
    %select_n3A_1636 = arith.select %eq3A_1632, %slice3A_1633, %broadcast_in_dim3A_1635 : vector<16x128xi1>, vector<16x128xf32>
    %add3A_1637 = arith.addf %add3A_1629, %select_n3A_1636 : vector<16x128xf32>
    %eq3A_1638 = arith.constant 5 : i32
    %eq3A_1639 = vector.broadcast %eq3A_1638 : i32 to vector<16x128xi32>
    %eq3A_1640 = arith.cmpi eq, %broadcast_in_dim3A_1596, %eq3A_1639 : vector<16x128xi32>
    %slice3A_1641 = vector.extract_strided_slice %dot_general3A_1598 {offsets = [0, 640], sizes = [16, 128], strides = [1, 1]} : vector<16x2048xf32> to vector<16x128xf32>
    %jit3A_1642 = arith.constant 0.000000e+00 : f32
    %broadcast_in_dim3A_1643 = vector.broadcast %jit3A_1642 : f32 to vector<16x128xf32>
    %select_n3A_1644 = arith.select %eq3A_1640, %slice3A_1641, %broadcast_in_dim3A_1643 : vector<16x128xi1>, vector<16x128xf32>
    %add3A_1645 = arith.addf %add3A_1637, %select_n3A_1644 : vector<16x128xf32>
    %eq3A_1646 = arith.constant 6 : i32
    %eq3A_1647 = vector.broadcast %eq3A_1646 : i32 to vector<16x128xi32>
    %eq3A_1648 = arith.cmpi eq, %broadcast_in_dim3A_1596, %eq3A_1647 : vector<16x128xi32>
    %slice3A_1649 = vector.extract_strided_slice %dot_general3A_1598 {offsets = [0, 768], sizes = [16, 128], strides = [1, 1]} : vector<16x2048xf32> to vector<16x128xf32>
    %jit3A_1650 = arith.constant 0.000000e+00 : f32
    %broadcast_in_dim3A_1651 = vector.broadcast %jit3A_1650 : f32 to vector<16x128xf32>
    %select_n3A_1652 = arith.select %eq3A_1648, %slice3A_1649, %broadcast_in_dim3A_1651 : vector<16x128xi1>, vector<16x128xf32>
    %add3A_1653 = arith.addf %add3A_1645, %select_n3A_1652 : vector<16x128xf32>
    %eq3A_1654 = arith.constant 7 : i32
    %eq3A_1655 = vector.broadcast %eq3A_1654 : i32 to vector<16x128xi32>
    %eq3A_1656 = arith.cmpi eq, %broadcast_in_dim3A_1596, %eq3A_1655 : vector<16x128xi32>
    %slice3A_1657 = vector.extract_strided_slice %dot_general3A_1598 {offsets = [0, 896], sizes = [16, 128], strides = [1, 1]} : vector<16x2048xf32> to vector<16x128xf32>
    %jit3A_1658 = arith.constant 0.000000e+00 : f32
    %broadcast_in_dim3A_1659 = vector.broadcast %jit3A_1658 : f32 to vector<16x128xf32>
    %select_n3A_1660 = arith.select %eq3A_1656, %slice3A_1657, %broadcast_in_dim3A_1659 : vector<16x128xi1>, vector<16x128xf32>
    %add3A_1661 = arith.addf %add3A_1653, %select_n3A_1660 : vector<16x128xf32>
    %eq3A_1662 = arith.constant 8 : i32
    %eq3A_1663 = vector.broadcast %eq3A_1662 : i32 to vector<16x128xi32>
    %eq3A_1664 = arith.cmpi eq, %broadcast_in_dim3A_1596, %eq3A_1663 : vector<16x128xi32>
    %slice3A_1665 = vector.extract_strided_slice %dot_general3A_1598 {offsets = [0, 1024], sizes = [16, 128], strides = [1, 1]} : vector<16x2048xf32> to vector<16x128xf32>
    %jit3A_1666 = arith.constant 0.000000e+00 : f32
    %broadcast_in_dim3A_1667 = vector.broadcast %jit3A_1666 : f32 to vector<16x128xf32>
    %select_n3A_1668 = arith.select %eq3A_1664, %slice3A_1665, %broadcast_in_dim3A_1667 : vector<16x128xi1>, vector<16x128xf32>
    %add3A_1669 = arith.addf %add3A_1661, %select_n3A_1668 : vector<16x128xf32>
    %eq3A_1670 = arith.constant 9 : i32
    %eq3A_1671 = vector.broadcast %eq3A_1670 : i32 to vector<16x128xi32>
    %eq3A_1672 = arith.cmpi eq, %broadcast_in_dim3A_1596, %eq3A_1671 : vector<16x128xi32>
    %slice3A_1673 = vector.extract_strided_slice %dot_general3A_1598 {offsets = [0, 1152], sizes = [16, 128], strides = [1, 1]} : vector<16x2048xf32> to vector<16x128xf32>
    %jit3A_1674 = arith.constant 0.000000e+00 : f32
    %broadcast_in_dim3A_1675 = vector.broadcast %jit3A_1674 : f32 to vector<16x128xf32>
    %select_n3A_1676 = arith.select %eq3A_1672, %slice3A_1673, %broadcast_in_dim3A_1675 : vector<16x128xi1>, vector<16x128xf32>
    %add3A_1677 = arith.addf %add3A_1669, %select_n3A_1676 : vector<16x128xf32>
    %eq3A_1678 = arith.constant 10 : i32
    %eq3A_1679 = vector.broadcast %eq3A_1678 : i32 to vector<16x128xi32>
    %eq3A_1680 = arith.cmpi eq, %broadcast_in_dim3A_1596, %eq3A_1679 : vector<16x128xi32>
    %slice3A_1681 = vector.extract_strided_slice %dot_general3A_1598 {offsets = [0, 1280], sizes = [16, 128], strides = [1, 1]} : vector<16x2048xf32> to vector<16x128xf32>
    %jit3A_1682 = arith.constant 0.000000e+00 : f32
    %broadcast_in_dim3A_1683 = vector.broadcast %jit3A_1682 : f32 to vector<16x128xf32>
    %select_n3A_1684 = arith.select %eq3A_1680, %slice3A_1681, %broadcast_in_dim3A_1683 : vector<16x128xi1>, vector<16x128xf32>
    %add3A_1685 = arith.addf %add3A_1677, %select_n3A_1684 : vector<16x128xf32>
    %eq3A_1686 = arith.constant 11 : i32
    %eq3A_1687 = vector.broadcast %eq3A_1686 : i32 to vector<16x128xi32>
    %eq3A_1688 = arith.cmpi eq, %broadcast_in_dim3A_1596, %eq3A_1687 : vector<16x128xi32>
    %slice3A_1689 = vector.extract_strided_slice %dot_general3A_1598 {offsets = [0, 1408], sizes = [16, 128], strides = [1, 1]} : vector<16x2048xf32> to vector<16x128xf32>
    %jit3A_1690 = arith.constant 0.000000e+00 : f32
    %broadcast_in_dim3A_1691 = vector.broadcast %jit3A_1690 : f32 to vector<16x128xf32>
    %select_n3A_1692 = arith.select %eq3A_1688, %slice3A_1689, %broadcast_in_dim3A_1691 : vector<16x128xi1>, vector<16x128xf32>
    %add3A_1693 = arith.addf %add3A_1685, %select_n3A_1692 : vector<16x128xf32>
    %eq3A_1694 = arith.constant 12 : i32
    %eq3A_1695 = vector.broadcast %eq3A_1694 : i32 to vector<16x128xi32>
    %eq3A_1696 = arith.cmpi eq, %broadcast_in_dim3A_1596, %eq3A_1695 : vector<16x128xi32>
    %slice3A_1697 = vector.extract_strided_slice %dot_general3A_1598 {offsets = [0, 1536], sizes = [16, 128], strides = [1, 1]} : vector<16x2048xf32> to vector<16x128xf32>
    %jit3A_1698 = arith.constant 0.000000e+00 : f32
    %broadcast_in_dim3A_1699 = vector.broadcast %jit3A_1698 : f32 to vector<16x128xf32>
    %select_n3A_1700 = arith.select %eq3A_1696, %slice3A_1697, %broadcast_in_dim3A_1699 : vector<16x128xi1>, vector<16x128xf32>
    %add3A_1701 = arith.addf %add3A_1693, %select_n3A_1700 : vector<16x128xf32>
    %eq3A_1702 = arith.constant 13 : i32
    %eq3A_1703 = vector.broadcast %eq3A_1702 : i32 to vector<16x128xi32>
    %eq3A_1704 = arith.cmpi eq, %broadcast_in_dim3A_1596, %eq3A_1703 : vector<16x128xi32>
    %slice3A_1705 = vector.extract_strided_slice %dot_general3A_1598 {offsets = [0, 1664], sizes = [16, 128], strides = [1, 1]} : vector<16x2048xf32> to vector<16x128xf32>
    %jit3A_1706 = arith.constant 0.000000e+00 : f32
    %broadcast_in_dim3A_1707 = vector.broadcast %jit3A_1706 : f32 to vector<16x128xf32>
    %select_n3A_1708 = arith.select %eq3A_1704, %slice3A_1705, %broadcast_in_dim3A_1707 : vector<16x128xi1>, vector<16x128xf32>
    %add3A_1709 = arith.addf %add3A_1701, %select_n3A_1708 : vector<16x128xf32>
    %eq3A_1710 = arith.constant 14 : i32
    %eq3A_1711 = vector.broadcast %eq3A_1710 : i32 to vector<16x128xi32>
    %eq3A_1712 = arith.cmpi eq, %broadcast_in_dim3A_1596, %eq3A_1711 : vector<16x128xi32>
    %slice3A_1713 = vector.extract_strided_slice %dot_general3A_1598 {offsets = [0, 1792], sizes = [16, 128], strides = [1, 1]} : vector<16x2048xf32> to vector<16x128xf32>
    %jit3A_1714 = arith.constant 0.000000e+00 : f32
    %broadcast_in_dim3A_1715 = vector.broadcast %jit3A_1714 : f32 to vector<16x128xf32>
    %select_n3A_1716 = arith.select %eq3A_1712, %slice3A_1713, %broadcast_in_dim3A_1715 : vector<16x128xi1>, vector<16x128xf32>
    %add3A_1717 = arith.addf %add3A_1709, %select_n3A_1716 : vector<16x128xf32>
    %eq3A_1718 = arith.constant 15 : i32
    %eq3A_1719 = vector.broadcast %eq3A_1718 : i32 to vector<16x128xi32>
    %eq3A_1720 = arith.cmpi eq, %broadcast_in_dim3A_1596, %eq3A_1719 : vector<16x128xi32>
    %slice3A_1721 = vector.extract_strided_slice %dot_general3A_1598 {offsets = [0, 1920], sizes = [16, 128], strides = [1, 1]} : vector<16x2048xf32> to vector<16x128xf32>
    %jit3A_1722 = arith.constant 0.000000e+00 : f32
    %broadcast_in_dim3A_1723 = vector.broadcast %jit3A_1722 : f32 to vector<16x128xf32>
    %select_n3A_1724 = arith.select %eq3A_1720, %slice3A_1721, %broadcast_in_dim3A_1723 : vector<16x128xi1>, vector<16x128xf32>
    %add3A_1725 = arith.addf %add3A_1717, %select_n3A_1724 : vector<16x128xf32>
    %tanh3A_1726 = math.tanh %add3A_1725 : vector<16x128xf32>
    %reshape3A_1727 = vector.shape_cast %tanh3A_1726 : vector<16x128xf32> to vector<8x2x128xf32>
    %slice3A_1728 = vector.extract_strided_slice %reshape3A_1727 {offsets = [0, 0, 0], sizes = [8, 1, 128], strides = [1, 1, 1]} : vector<8x2x128xf32> to vector<8x1x128xf32>
    %squeeze3A_1729 = vector.shape_cast %slice3A_1728 : vector<8x1x128xf32> to vector<8x128xf32>
    %slice3A_1730 = vector.extract_strided_slice %reshape3A_1727 {offsets = [0, 1, 0], sizes = [8, 1, 128], strides = [1, 1, 1]} : vector<8x2x128xf32> to vector<8x1x128xf32>
    %squeeze3A_1731 = vector.shape_cast %slice3A_1730 : vector<8x1x128xf32> to vector<8x128xf32>
    %add3A_1732 = arith.addf %squeeze3A_1729, %squeeze3A_1731 : vector<8x128xf32>
    %get3A_1733 = arith.constant 7 : index
    %get3A_1734 = arith.constant 0 : index
    %get3A_1735 = vector.load %arg0[%get3A_1733, %get3A_1734] : memref<8191x1xi32, #tpu.memory_space<vmem>>, vector<8x1xi32>
    %eq3A_1736 = vector.broadcast %get3A_1735 : vector<8x1xi32> to vector<8x16xi32>
    %eq3A_1737 = vector.broadcast %iota3A : vector<1x16xi32> to vector<8x16xi32>
    %eq3A_1738 = arith.cmpi eq, %eq3A_1736, %eq3A_1737 : vector<8x16xi32>
    %convert_element_type3A_1739 = arith.extui %eq3A_1738 : vector<8x16xi1> to vector<8x16xi32>
    %convert_element_type3A_1740 = arith.sitofp %convert_element_type3A_1739 : vector<8x16xi32> to vector<8x16xf32>
    %convert_element_type3A_1741 = arith.truncf %convert_element_type3A_1740 : vector<8x16xf32> to vector<8x16xbf16>
    %convert_element_type3A_1742 = arith.truncf %add3A_1732 : vector<8x128xf32> to vector<8x128xbf16>
    %concatenate3A_1743 = tpu.concatenate %convert_element_type3A_1742, %convert_element_type3A_1741 in 1 : vector<8x128xbf16>, vector<8x16xbf16> -> vector<8x144xbf16>
    %broadcast_in_dim3A_1744 = vector.shape_cast %get3A_1735 : vector<8x1xi32> to vector<8x1xi32>
    %broadcast_in_dim3A_1745 = vector.broadcast %broadcast_in_dim3A_1744 : vector<8x1xi32> to vector<8x128xi32>
    %dot_general3A_1746 = arith.constant dense<0.000000e+00> : vector<8x2048xf32>
    %dot_general3A_1747 = tpu.matmul %concatenate3A_1743, %concatenate3A, %dot_general3A_1746 {dimension_numbers = #tpu.dot_dimension_numbers<[1], [1], [0], [0], [0, 0, 1, 0], [], []>, transpose_lhs_hint = false} : vector<8x144xbf16>, vector<2048x144xbf16>, vector<8x2048xf32> -> vector<8x2048xf32>
    %eq3A_1748 = arith.constant 0 : i32
    %eq3A_1749 = vector.broadcast %eq3A_1748 : i32 to vector<8x128xi32>
    %eq3A_1750 = arith.cmpi eq, %broadcast_in_dim3A_1745, %eq3A_1749 : vector<8x128xi32>
    %slice3A_1751 = vector.extract_strided_slice %dot_general3A_1747 {offsets = [0, 0], sizes = [8, 128], strides = [1, 1]} : vector<8x2048xf32> to vector<8x128xf32>
    %jit3A_1752 = arith.constant 0.000000e+00 : f32
    %broadcast_in_dim3A_1753 = vector.broadcast %jit3A_1752 : f32 to vector<8x128xf32>
    %select_n3A_1754 = arith.select %eq3A_1750, %slice3A_1751, %broadcast_in_dim3A_1753 : vector<8x128xi1>, vector<8x128xf32>
    %eq3A_1755 = arith.constant 1 : i32
    %eq3A_1756 = vector.broadcast %eq3A_1755 : i32 to vector<8x128xi32>
    %eq3A_1757 = arith.cmpi eq, %broadcast_in_dim3A_1745, %eq3A_1756 : vector<8x128xi32>
    %slice3A_1758 = vector.extract_strided_slice %dot_general3A_1747 {offsets = [0, 128], sizes = [8, 128], strides = [1, 1]} : vector<8x2048xf32> to vector<8x128xf32>
    %jit3A_1759 = arith.constant 0.000000e+00 : f32
    %broadcast_in_dim3A_1760 = vector.broadcast %jit3A_1759 : f32 to vector<8x128xf32>
    %select_n3A_1761 = arith.select %eq3A_1757, %slice3A_1758, %broadcast_in_dim3A_1760 : vector<8x128xi1>, vector<8x128xf32>
    %add3A_1762 = arith.addf %select_n3A_1754, %select_n3A_1761 : vector<8x128xf32>
    %eq3A_1763 = arith.constant 2 : i32
    %eq3A_1764 = vector.broadcast %eq3A_1763 : i32 to vector<8x128xi32>
    %eq3A_1765 = arith.cmpi eq, %broadcast_in_dim3A_1745, %eq3A_1764 : vector<8x128xi32>
    %slice3A_1766 = vector.extract_strided_slice %dot_general3A_1747 {offsets = [0, 256], sizes = [8, 128], strides = [1, 1]} : vector<8x2048xf32> to vector<8x128xf32>
    %jit3A_1767 = arith.constant 0.000000e+00 : f32
    %broadcast_in_dim3A_1768 = vector.broadcast %jit3A_1767 : f32 to vector<8x128xf32>
    %select_n3A_1769 = arith.select %eq3A_1765, %slice3A_1766, %broadcast_in_dim3A_1768 : vector<8x128xi1>, vector<8x128xf32>
    %add3A_1770 = arith.addf %add3A_1762, %select_n3A_1769 : vector<8x128xf32>
    %eq3A_1771 = arith.constant 3 : i32
    %eq3A_1772 = vector.broadcast %eq3A_1771 : i32 to vector<8x128xi32>
    %eq3A_1773 = arith.cmpi eq, %broadcast_in_dim3A_1745, %eq3A_1772 : vector<8x128xi32>
    %slice3A_1774 = vector.extract_strided_slice %dot_general3A_1747 {offsets = [0, 384], sizes = [8, 128], strides = [1, 1]} : vector<8x2048xf32> to vector<8x128xf32>
    %jit3A_1775 = arith.constant 0.000000e+00 : f32
    %broadcast_in_dim3A_1776 = vector.broadcast %jit3A_1775 : f32 to vector<8x128xf32>
    %select_n3A_1777 = arith.select %eq3A_1773, %slice3A_1774, %broadcast_in_dim3A_1776 : vector<8x128xi1>, vector<8x128xf32>
    %add3A_1778 = arith.addf %add3A_1770, %select_n3A_1777 : vector<8x128xf32>
    %eq3A_1779 = arith.constant 4 : i32
    %eq3A_1780 = vector.broadcast %eq3A_1779 : i32 to vector<8x128xi32>
    %eq3A_1781 = arith.cmpi eq, %broadcast_in_dim3A_1745, %eq3A_1780 : vector<8x128xi32>
    %slice3A_1782 = vector.extract_strided_slice %dot_general3A_1747 {offsets = [0, 512], sizes = [8, 128], strides = [1, 1]} : vector<8x2048xf32> to vector<8x128xf32>
    %jit3A_1783 = arith.constant 0.000000e+00 : f32
    %broadcast_in_dim3A_1784 = vector.broadcast %jit3A_1783 : f32 to vector<8x128xf32>
    %select_n3A_1785 = arith.select %eq3A_1781, %slice3A_1782, %broadcast_in_dim3A_1784 : vector<8x128xi1>, vector<8x128xf32>
    %add3A_1786 = arith.addf %add3A_1778, %select_n3A_1785 : vector<8x128xf32>
    %eq3A_1787 = arith.constant 5 : i32
    %eq3A_1788 = vector.broadcast %eq3A_1787 : i32 to vector<8x128xi32>
    %eq3A_1789 = arith.cmpi eq, %broadcast_in_dim3A_1745, %eq3A_1788 : vector<8x128xi32>
    %slice3A_1790 = vector.extract_strided_slice %dot_general3A_1747 {offsets = [0, 640], sizes = [8, 128], strides = [1, 1]} : vector<8x2048xf32> to vector<8x128xf32>
    %jit3A_1791 = arith.constant 0.000000e+00 : f32
    %broadcast_in_dim3A_1792 = vector.broadcast %jit3A_1791 : f32 to vector<8x128xf32>
    %select_n3A_1793 = arith.select %eq3A_1789, %slice3A_1790, %broadcast_in_dim3A_1792 : vector<8x128xi1>, vector<8x128xf32>
    %add3A_1794 = arith.addf %add3A_1786, %select_n3A_1793 : vector<8x128xf32>
    %eq3A_1795 = arith.constant 6 : i32
    %eq3A_1796 = vector.broadcast %eq3A_1795 : i32 to vector<8x128xi32>
    %eq3A_1797 = arith.cmpi eq, %broadcast_in_dim3A_1745, %eq3A_1796 : vector<8x128xi32>
    %slice3A_1798 = vector.extract_strided_slice %dot_general3A_1747 {offsets = [0, 768], sizes = [8, 128], strides = [1, 1]} : vector<8x2048xf32> to vector<8x128xf32>
    %jit3A_1799 = arith.constant 0.000000e+00 : f32
    %broadcast_in_dim3A_1800 = vector.broadcast %jit3A_1799 : f32 to vector<8x128xf32>
    %select_n3A_1801 = arith.select %eq3A_1797, %slice3A_1798, %broadcast_in_dim3A_1800 : vector<8x128xi1>, vector<8x128xf32>
    %add3A_1802 = arith.addf %add3A_1794, %select_n3A_1801 : vector<8x128xf32>
    %eq3A_1803 = arith.constant 7 : i32
    %eq3A_1804 = vector.broadcast %eq3A_1803 : i32 to vector<8x128xi32>
    %eq3A_1805 = arith.cmpi eq, %broadcast_in_dim3A_1745, %eq3A_1804 : vector<8x128xi32>
    %slice3A_1806 = vector.extract_strided_slice %dot_general3A_1747 {offsets = [0, 896], sizes = [8, 128], strides = [1, 1]} : vector<8x2048xf32> to vector<8x128xf32>
    %jit3A_1807 = arith.constant 0.000000e+00 : f32
    %broadcast_in_dim3A_1808 = vector.broadcast %jit3A_1807 : f32 to vector<8x128xf32>
    %select_n3A_1809 = arith.select %eq3A_1805, %slice3A_1806, %broadcast_in_dim3A_1808 : vector<8x128xi1>, vector<8x128xf32>
    %add3A_1810 = arith.addf %add3A_1802, %select_n3A_1809 : vector<8x128xf32>
    %eq3A_1811 = arith.constant 8 : i32
    %eq3A_1812 = vector.broadcast %eq3A_1811 : i32 to vector<8x128xi32>
    %eq3A_1813 = arith.cmpi eq, %broadcast_in_dim3A_1745, %eq3A_1812 : vector<8x128xi32>
    %slice3A_1814 = vector.extract_strided_slice %dot_general3A_1747 {offsets = [0, 1024], sizes = [8, 128], strides = [1, 1]} : vector<8x2048xf32> to vector<8x128xf32>
    %jit3A_1815 = arith.constant 0.000000e+00 : f32
    %broadcast_in_dim3A_1816 = vector.broadcast %jit3A_1815 : f32 to vector<8x128xf32>
    %select_n3A_1817 = arith.select %eq3A_1813, %slice3A_1814, %broadcast_in_dim3A_1816 : vector<8x128xi1>, vector<8x128xf32>
    %add3A_1818 = arith.addf %add3A_1810, %select_n3A_1817 : vector<8x128xf32>
    %eq3A_1819 = arith.constant 9 : i32
    %eq3A_1820 = vector.broadcast %eq3A_1819 : i32 to vector<8x128xi32>
    %eq3A_1821 = arith.cmpi eq, %broadcast_in_dim3A_1745, %eq3A_1820 : vector<8x128xi32>
    %slice3A_1822 = vector.extract_strided_slice %dot_general3A_1747 {offsets = [0, 1152], sizes = [8, 128], strides = [1, 1]} : vector<8x2048xf32> to vector<8x128xf32>
    %jit3A_1823 = arith.constant 0.000000e+00 : f32
    %broadcast_in_dim3A_1824 = vector.broadcast %jit3A_1823 : f32 to vector<8x128xf32>
    %select_n3A_1825 = arith.select %eq3A_1821, %slice3A_1822, %broadcast_in_dim3A_1824 : vector<8x128xi1>, vector<8x128xf32>
    %add3A_1826 = arith.addf %add3A_1818, %select_n3A_1825 : vector<8x128xf32>
    %eq3A_1827 = arith.constant 10 : i32
    %eq3A_1828 = vector.broadcast %eq3A_1827 : i32 to vector<8x128xi32>
    %eq3A_1829 = arith.cmpi eq, %broadcast_in_dim3A_1745, %eq3A_1828 : vector<8x128xi32>
    %slice3A_1830 = vector.extract_strided_slice %dot_general3A_1747 {offsets = [0, 1280], sizes = [8, 128], strides = [1, 1]} : vector<8x2048xf32> to vector<8x128xf32>
    %jit3A_1831 = arith.constant 0.000000e+00 : f32
    %broadcast_in_dim3A_1832 = vector.broadcast %jit3A_1831 : f32 to vector<8x128xf32>
    %select_n3A_1833 = arith.select %eq3A_1829, %slice3A_1830, %broadcast_in_dim3A_1832 : vector<8x128xi1>, vector<8x128xf32>
    %add3A_1834 = arith.addf %add3A_1826, %select_n3A_1833 : vector<8x128xf32>
    %eq3A_1835 = arith.constant 11 : i32
    %eq3A_1836 = vector.broadcast %eq3A_1835 : i32 to vector<8x128xi32>
    %eq3A_1837 = arith.cmpi eq, %broadcast_in_dim3A_1745, %eq3A_1836 : vector<8x128xi32>
    %slice3A_1838 = vector.extract_strided_slice %dot_general3A_1747 {offsets = [0, 1408], sizes = [8, 128], strides = [1, 1]} : vector<8x2048xf32> to vector<8x128xf32>
    %jit3A_1839 = arith.constant 0.000000e+00 : f32
    %broadcast_in_dim3A_1840 = vector.broadcast %jit3A_1839 : f32 to vector<8x128xf32>
    %select_n3A_1841 = arith.select %eq3A_1837, %slice3A_1838, %broadcast_in_dim3A_1840 : vector<8x128xi1>, vector<8x128xf32>
    %add3A_1842 = arith.addf %add3A_1834, %select_n3A_1841 : vector<8x128xf32>
    %eq3A_1843 = arith.constant 12 : i32
    %eq3A_1844 = vector.broadcast %eq3A_1843 : i32 to vector<8x128xi32>
    %eq3A_1845 = arith.cmpi eq, %broadcast_in_dim3A_1745, %eq3A_1844 : vector<8x128xi32>
    %slice3A_1846 = vector.extract_strided_slice %dot_general3A_1747 {offsets = [0, 1536], sizes = [8, 128], strides = [1, 1]} : vector<8x2048xf32> to vector<8x128xf32>
    %jit3A_1847 = arith.constant 0.000000e+00 : f32
    %broadcast_in_dim3A_1848 = vector.broadcast %jit3A_1847 : f32 to vector<8x128xf32>
    %select_n3A_1849 = arith.select %eq3A_1845, %slice3A_1846, %broadcast_in_dim3A_1848 : vector<8x128xi1>, vector<8x128xf32>
    %add3A_1850 = arith.addf %add3A_1842, %select_n3A_1849 : vector<8x128xf32>
    %eq3A_1851 = arith.constant 13 : i32
    %eq3A_1852 = vector.broadcast %eq3A_1851 : i32 to vector<8x128xi32>
    %eq3A_1853 = arith.cmpi eq, %broadcast_in_dim3A_1745, %eq3A_1852 : vector<8x128xi32>
    %slice3A_1854 = vector.extract_strided_slice %dot_general3A_1747 {offsets = [0, 1664], sizes = [8, 128], strides = [1, 1]} : vector<8x2048xf32> to vector<8x128xf32>
    %jit3A_1855 = arith.constant 0.000000e+00 : f32
    %broadcast_in_dim3A_1856 = vector.broadcast %jit3A_1855 : f32 to vector<8x128xf32>
    %select_n3A_1857 = arith.select %eq3A_1853, %slice3A_1854, %broadcast_in_dim3A_1856 : vector<8x128xi1>, vector<8x128xf32>
    %add3A_1858 = arith.addf %add3A_1850, %select_n3A_1857 : vector<8x128xf32>
    %eq3A_1859 = arith.constant 14 : i32
    %eq3A_1860 = vector.broadcast %eq3A_1859 : i32 to vector<8x128xi32>
    %eq3A_1861 = arith.cmpi eq, %broadcast_in_dim3A_1745, %eq3A_1860 : vector<8x128xi32>
    %slice3A_1862 = vector.extract_strided_slice %dot_general3A_1747 {offsets = [0, 1792], sizes = [8, 128], strides = [1, 1]} : vector<8x2048xf32> to vector<8x128xf32>
    %jit3A_1863 = arith.constant 0.000000e+00 : f32
    %broadcast_in_dim3A_1864 = vector.broadcast %jit3A_1863 : f32 to vector<8x128xf32>
    %select_n3A_1865 = arith.select %eq3A_1861, %slice3A_1862, %broadcast_in_dim3A_1864 : vector<8x128xi1>, vector<8x128xf32>
    %add3A_1866 = arith.addf %add3A_1858, %select_n3A_1865 : vector<8x128xf32>
    %eq3A_1867 = arith.constant 15 : i32
    %eq3A_1868 = vector.broadcast %eq3A_1867 : i32 to vector<8x128xi32>
    %eq3A_1869 = arith.cmpi eq, %broadcast_in_dim3A_1745, %eq3A_1868 : vector<8x128xi32>
    %slice3A_1870 = vector.extract_strided_slice %dot_general3A_1747 {offsets = [0, 1920], sizes = [8, 128], strides = [1, 1]} : vector<8x2048xf32> to vector<8x128xf32>
    %jit3A_1871 = arith.constant 0.000000e+00 : f32
    %broadcast_in_dim3A_1872 = vector.broadcast %jit3A_1871 : f32 to vector<8x128xf32>
    %select_n3A_1873 = arith.select %eq3A_1869, %slice3A_1870, %broadcast_in_dim3A_1872 : vector<8x128xi1>, vector<8x128xf32>
    %add3A_1874 = arith.addf %add3A_1866, %select_n3A_1873 : vector<8x128xf32>
    %tanh3A_1875 = math.tanh %add3A_1874 : vector<8x128xf32>
    %reshape3A_1876 = vector.shape_cast %tanh3A_1875 : vector<8x128xf32> to vector<4x2x128xf32>
    %slice3A_1877 = vector.extract_strided_slice %reshape3A_1876 {offsets = [0, 0, 0], sizes = [4, 1, 128], strides = [1, 1, 1]} : vector<4x2x128xf32> to vector<4x1x128xf32>
    %squeeze3A_1878 = vector.shape_cast %slice3A_1877 : vector<4x1x128xf32> to vector<4x128xf32>
    %slice3A_1879 = vector.extract_strided_slice %reshape3A_1876 {offsets = [0, 1, 0], sizes = [4, 1, 128], strides = [1, 1, 1]} : vector<4x2x128xf32> to vector<4x1x128xf32>
    %squeeze3A_1880 = vector.shape_cast %slice3A_1879 : vector<4x1x128xf32> to vector<4x128xf32>
    %add3A_1881 = arith.addf %squeeze3A_1878, %squeeze3A_1880 : vector<4x128xf32>
    %get3A_1882 = arith.constant 3 : index
    %get3A_1883 = arith.constant 0 : index
    %get3A_1884 = vector.load %arg0[%get3A_1882, %get3A_1883] : memref<8191x1xi32, #tpu.memory_space<vmem>>, vector<4x1xi32>
    %eq3A_1885 = vector.broadcast %get3A_1884 : vector<4x1xi32> to vector<4x16xi32>
    %eq3A_1886 = vector.broadcast %iota3A : vector<1x16xi32> to vector<4x16xi32>
    %eq3A_1887 = arith.cmpi eq, %eq3A_1885, %eq3A_1886 : vector<4x16xi32>
    %convert_element_type3A_1888 = arith.extui %eq3A_1887 : vector<4x16xi1> to vector<4x16xi32>
    %convert_element_type3A_1889 = arith.sitofp %convert_element_type3A_1888 : vector<4x16xi32> to vector<4x16xf32>
    %convert_element_type3A_1890 = arith.truncf %convert_element_type3A_1889 : vector<4x16xf32> to vector<4x16xbf16>
    %convert_element_type3A_1891 = arith.truncf %add3A_1881 : vector<4x128xf32> to vector<4x128xbf16>
    %concatenate3A_1892 = tpu.concatenate %convert_element_type3A_1891, %convert_element_type3A_1890 in 1 : vector<4x128xbf16>, vector<4x16xbf16> -> vector<4x144xbf16>
    %broadcast_in_dim3A_1893 = vector.shape_cast %get3A_1884 : vector<4x1xi32> to vector<4x1xi32>
    %broadcast_in_dim3A_1894 = vector.broadcast %broadcast_in_dim3A_1893 : vector<4x1xi32> to vector<4x128xi32>
    %dot_general3A_1895 = arith.constant dense<0.000000e+00> : vector<4x2048xf32>
    %dot_general3A_1896 = tpu.matmul %concatenate3A_1892, %concatenate3A, %dot_general3A_1895 {dimension_numbers = #tpu.dot_dimension_numbers<[1], [1], [0], [0], [0, 0, 1, 0], [], []>, transpose_lhs_hint = false} : vector<4x144xbf16>, vector<2048x144xbf16>, vector<4x2048xf32> -> vector<4x2048xf32>
    %eq3A_1897 = arith.constant 0 : i32
    %eq3A_1898 = vector.broadcast %eq3A_1897 : i32 to vector<4x128xi32>
    %eq3A_1899 = arith.cmpi eq, %broadcast_in_dim3A_1894, %eq3A_1898 : vector<4x128xi32>
    %slice3A_1900 = vector.extract_strided_slice %dot_general3A_1896 {offsets = [0, 0], sizes = [4, 128], strides = [1, 1]} : vector<4x2048xf32> to vector<4x128xf32>
    %jit3A_1901 = arith.constant 0.000000e+00 : f32
    %broadcast_in_dim3A_1902 = vector.broadcast %jit3A_1901 : f32 to vector<4x128xf32>
    %select_n3A_1903 = arith.select %eq3A_1899, %slice3A_1900, %broadcast_in_dim3A_1902 : vector<4x128xi1>, vector<4x128xf32>
    %eq3A_1904 = arith.constant 1 : i32
    %eq3A_1905 = vector.broadcast %eq3A_1904 : i32 to vector<4x128xi32>
    %eq3A_1906 = arith.cmpi eq, %broadcast_in_dim3A_1894, %eq3A_1905 : vector<4x128xi32>
    %slice3A_1907 = vector.extract_strided_slice %dot_general3A_1896 {offsets = [0, 128], sizes = [4, 128], strides = [1, 1]} : vector<4x2048xf32> to vector<4x128xf32>
    %jit3A_1908 = arith.constant 0.000000e+00 : f32
    %broadcast_in_dim3A_1909 = vector.broadcast %jit3A_1908 : f32 to vector<4x128xf32>
    %select_n3A_1910 = arith.select %eq3A_1906, %slice3A_1907, %broadcast_in_dim3A_1909 : vector<4x128xi1>, vector<4x128xf32>
    %add3A_1911 = arith.addf %select_n3A_1903, %select_n3A_1910 : vector<4x128xf32>
    %eq3A_1912 = arith.constant 2 : i32
    %eq3A_1913 = vector.broadcast %eq3A_1912 : i32 to vector<4x128xi32>
    %eq3A_1914 = arith.cmpi eq, %broadcast_in_dim3A_1894, %eq3A_1913 : vector<4x128xi32>
    %slice3A_1915 = vector.extract_strided_slice %dot_general3A_1896 {offsets = [0, 256], sizes = [4, 128], strides = [1, 1]} : vector<4x2048xf32> to vector<4x128xf32>
    %jit3A_1916 = arith.constant 0.000000e+00 : f32
    %broadcast_in_dim3A_1917 = vector.broadcast %jit3A_1916 : f32 to vector<4x128xf32>
    %select_n3A_1918 = arith.select %eq3A_1914, %slice3A_1915, %broadcast_in_dim3A_1917 : vector<4x128xi1>, vector<4x128xf32>
    %add3A_1919 = arith.addf %add3A_1911, %select_n3A_1918 : vector<4x128xf32>
    %eq3A_1920 = arith.constant 3 : i32
    %eq3A_1921 = vector.broadcast %eq3A_1920 : i32 to vector<4x128xi32>
    %eq3A_1922 = arith.cmpi eq, %broadcast_in_dim3A_1894, %eq3A_1921 : vector<4x128xi32>
    %slice3A_1923 = vector.extract_strided_slice %dot_general3A_1896 {offsets = [0, 384], sizes = [4, 128], strides = [1, 1]} : vector<4x2048xf32> to vector<4x128xf32>
    %jit3A_1924 = arith.constant 0.000000e+00 : f32
    %broadcast_in_dim3A_1925 = vector.broadcast %jit3A_1924 : f32 to vector<4x128xf32>
    %select_n3A_1926 = arith.select %eq3A_1922, %slice3A_1923, %broadcast_in_dim3A_1925 : vector<4x128xi1>, vector<4x128xf32>
    %add3A_1927 = arith.addf %add3A_1919, %select_n3A_1926 : vector<4x128xf32>
    %eq3A_1928 = arith.constant 4 : i32
    %eq3A_1929 = vector.broadcast %eq3A_1928 : i32 to vector<4x128xi32>
    %eq3A_1930 = arith.cmpi eq, %broadcast_in_dim3A_1894, %eq3A_1929 : vector<4x128xi32>
    %slice3A_1931 = vector.extract_strided_slice %dot_general3A_1896 {offsets = [0, 512], sizes = [4, 128], strides = [1, 1]} : vector<4x2048xf32> to vector<4x128xf32>
    %jit3A_1932 = arith.constant 0.000000e+00 : f32
    %broadcast_in_dim3A_1933 = vector.broadcast %jit3A_1932 : f32 to vector<4x128xf32>
    %select_n3A_1934 = arith.select %eq3A_1930, %slice3A_1931, %broadcast_in_dim3A_1933 : vector<4x128xi1>, vector<4x128xf32>
    %add3A_1935 = arith.addf %add3A_1927, %select_n3A_1934 : vector<4x128xf32>
    %eq3A_1936 = arith.constant 5 : i32
    %eq3A_1937 = vector.broadcast %eq3A_1936 : i32 to vector<4x128xi32>
    %eq3A_1938 = arith.cmpi eq, %broadcast_in_dim3A_1894, %eq3A_1937 : vector<4x128xi32>
    %slice3A_1939 = vector.extract_strided_slice %dot_general3A_1896 {offsets = [0, 640], sizes = [4, 128], strides = [1, 1]} : vector<4x2048xf32> to vector<4x128xf32>
    %jit3A_1940 = arith.constant 0.000000e+00 : f32
    %broadcast_in_dim3A_1941 = vector.broadcast %jit3A_1940 : f32 to vector<4x128xf32>
    %select_n3A_1942 = arith.select %eq3A_1938, %slice3A_1939, %broadcast_in_dim3A_1941 : vector<4x128xi1>, vector<4x128xf32>
    %add3A_1943 = arith.addf %add3A_1935, %select_n3A_1942 : vector<4x128xf32>
    %eq3A_1944 = arith.constant 6 : i32
    %eq3A_1945 = vector.broadcast %eq3A_1944 : i32 to vector<4x128xi32>
    %eq3A_1946 = arith.cmpi eq, %broadcast_in_dim3A_1894, %eq3A_1945 : vector<4x128xi32>
    %slice3A_1947 = vector.extract_strided_slice %dot_general3A_1896 {offsets = [0, 768], sizes = [4, 128], strides = [1, 1]} : vector<4x2048xf32> to vector<4x128xf32>
    %jit3A_1948 = arith.constant 0.000000e+00 : f32
    %broadcast_in_dim3A_1949 = vector.broadcast %jit3A_1948 : f32 to vector<4x128xf32>
    %select_n3A_1950 = arith.select %eq3A_1946, %slice3A_1947, %broadcast_in_dim3A_1949 : vector<4x128xi1>, vector<4x128xf32>
    %add3A_1951 = arith.addf %add3A_1943, %select_n3A_1950 : vector<4x128xf32>
    %eq3A_1952 = arith.constant 7 : i32
    %eq3A_1953 = vector.broadcast %eq3A_1952 : i32 to vector<4x128xi32>
    %eq3A_1954 = arith.cmpi eq, %broadcast_in_dim3A_1894, %eq3A_1953 : vector<4x128xi32>
    %slice3A_1955 = vector.extract_strided_slice %dot_general3A_1896 {offsets = [0, 896], sizes = [4, 128], strides = [1, 1]} : vector<4x2048xf32> to vector<4x128xf32>
    %jit3A_1956 = arith.constant 0.000000e+00 : f32
    %broadcast_in_dim3A_1957 = vector.broadcast %jit3A_1956 : f32 to vector<4x128xf32>
    %select_n3A_1958 = arith.select %eq3A_1954, %slice3A_1955, %broadcast_in_dim3A_1957 : vector<4x128xi1>, vector<4x128xf32>
    %add3A_1959 = arith.addf %add3A_1951, %select_n3A_1958 : vector<4x128xf32>
    %eq3A_1960 = arith.constant 8 : i32
    %eq3A_1961 = vector.broadcast %eq3A_1960 : i32 to vector<4x128xi32>
    %eq3A_1962 = arith.cmpi eq, %broadcast_in_dim3A_1894, %eq3A_1961 : vector<4x128xi32>
    %slice3A_1963 = vector.extract_strided_slice %dot_general3A_1896 {offsets = [0, 1024], sizes = [4, 128], strides = [1, 1]} : vector<4x2048xf32> to vector<4x128xf32>
    %jit3A_1964 = arith.constant 0.000000e+00 : f32
    %broadcast_in_dim3A_1965 = vector.broadcast %jit3A_1964 : f32 to vector<4x128xf32>
    %select_n3A_1966 = arith.select %eq3A_1962, %slice3A_1963, %broadcast_in_dim3A_1965 : vector<4x128xi1>, vector<4x128xf32>
    %add3A_1967 = arith.addf %add3A_1959, %select_n3A_1966 : vector<4x128xf32>
    %eq3A_1968 = arith.constant 9 : i32
    %eq3A_1969 = vector.broadcast %eq3A_1968 : i32 to vector<4x128xi32>
    %eq3A_1970 = arith.cmpi eq, %broadcast_in_dim3A_1894, %eq3A_1969 : vector<4x128xi32>
    %slice3A_1971 = vector.extract_strided_slice %dot_general3A_1896 {offsets = [0, 1152], sizes = [4, 128], strides = [1, 1]} : vector<4x2048xf32> to vector<4x128xf32>
    %jit3A_1972 = arith.constant 0.000000e+00 : f32
    %broadcast_in_dim3A_1973 = vector.broadcast %jit3A_1972 : f32 to vector<4x128xf32>
    %select_n3A_1974 = arith.select %eq3A_1970, %slice3A_1971, %broadcast_in_dim3A_1973 : vector<4x128xi1>, vector<4x128xf32>
    %add3A_1975 = arith.addf %add3A_1967, %select_n3A_1974 : vector<4x128xf32>
    %eq3A_1976 = arith.constant 10 : i32
    %eq3A_1977 = vector.broadcast %eq3A_1976 : i32 to vector<4x128xi32>
    %eq3A_1978 = arith.cmpi eq, %broadcast_in_dim3A_1894, %eq3A_1977 : vector<4x128xi32>
    %slice3A_1979 = vector.extract_strided_slice %dot_general3A_1896 {offsets = [0, 1280], sizes = [4, 128], strides = [1, 1]} : vector<4x2048xf32> to vector<4x128xf32>
    %jit3A_1980 = arith.constant 0.000000e+00 : f32
    %broadcast_in_dim3A_1981 = vector.broadcast %jit3A_1980 : f32 to vector<4x128xf32>
    %select_n3A_1982 = arith.select %eq3A_1978, %slice3A_1979, %broadcast_in_dim3A_1981 : vector<4x128xi1>, vector<4x128xf32>
    %add3A_1983 = arith.addf %add3A_1975, %select_n3A_1982 : vector<4x128xf32>
    %eq3A_1984 = arith.constant 11 : i32
    %eq3A_1985 = vector.broadcast %eq3A_1984 : i32 to vector<4x128xi32>
    %eq3A_1986 = arith.cmpi eq, %broadcast_in_dim3A_1894, %eq3A_1985 : vector<4x128xi32>
    %slice3A_1987 = vector.extract_strided_slice %dot_general3A_1896 {offsets = [0, 1408], sizes = [4, 128], strides = [1, 1]} : vector<4x2048xf32> to vector<4x128xf32>
    %jit3A_1988 = arith.constant 0.000000e+00 : f32
    %broadcast_in_dim3A_1989 = vector.broadcast %jit3A_1988 : f32 to vector<4x128xf32>
    %select_n3A_1990 = arith.select %eq3A_1986, %slice3A_1987, %broadcast_in_dim3A_1989 : vector<4x128xi1>, vector<4x128xf32>
    %add3A_1991 = arith.addf %add3A_1983, %select_n3A_1990 : vector<4x128xf32>
    %eq3A_1992 = arith.constant 12 : i32
    %eq3A_1993 = vector.broadcast %eq3A_1992 : i32 to vector<4x128xi32>
    %eq3A_1994 = arith.cmpi eq, %broadcast_in_dim3A_1894, %eq3A_1993 : vector<4x128xi32>
    %slice3A_1995 = vector.extract_strided_slice %dot_general3A_1896 {offsets = [0, 1536], sizes = [4, 128], strides = [1, 1]} : vector<4x2048xf32> to vector<4x128xf32>
    %jit3A_1996 = arith.constant 0.000000e+00 : f32
    %broadcast_in_dim3A_1997 = vector.broadcast %jit3A_1996 : f32 to vector<4x128xf32>
    %select_n3A_1998 = arith.select %eq3A_1994, %slice3A_1995, %broadcast_in_dim3A_1997 : vector<4x128xi1>, vector<4x128xf32>
    %add3A_1999 = arith.addf %add3A_1991, %select_n3A_1998 : vector<4x128xf32>
    %eq3A_2000 = arith.constant 13 : i32
    %eq3A_2001 = vector.broadcast %eq3A_2000 : i32 to vector<4x128xi32>
    %eq3A_2002 = arith.cmpi eq, %broadcast_in_dim3A_1894, %eq3A_2001 : vector<4x128xi32>
    %slice3A_2003 = vector.extract_strided_slice %dot_general3A_1896 {offsets = [0, 1664], sizes = [4, 128], strides = [1, 1]} : vector<4x2048xf32> to vector<4x128xf32>
    %jit3A_2004 = arith.constant 0.000000e+00 : f32
    %broadcast_in_dim3A_2005 = vector.broadcast %jit3A_2004 : f32 to vector<4x128xf32>
    %select_n3A_2006 = arith.select %eq3A_2002, %slice3A_2003, %broadcast_in_dim3A_2005 : vector<4x128xi1>, vector<4x128xf32>
    %add3A_2007 = arith.addf %add3A_1999, %select_n3A_2006 : vector<4x128xf32>
    %eq3A_2008 = arith.constant 14 : i32
    %eq3A_2009 = vector.broadcast %eq3A_2008 : i32 to vector<4x128xi32>
    %eq3A_2010 = arith.cmpi eq, %broadcast_in_dim3A_1894, %eq3A_2009 : vector<4x128xi32>
    %slice3A_2011 = vector.extract_strided_slice %dot_general3A_1896 {offsets = [0, 1792], sizes = [4, 128], strides = [1, 1]} : vector<4x2048xf32> to vector<4x128xf32>
    %jit3A_2012 = arith.constant 0.000000e+00 : f32
    %broadcast_in_dim3A_2013 = vector.broadcast %jit3A_2012 : f32 to vector<4x128xf32>
    %select_n3A_2014 = arith.select %eq3A_2010, %slice3A_2011, %broadcast_in_dim3A_2013 : vector<4x128xi1>, vector<4x128xf32>
    %add3A_2015 = arith.addf %add3A_2007, %select_n3A_2014 : vector<4x128xf32>
    %eq3A_2016 = arith.constant 15 : i32
    %eq3A_2017 = vector.broadcast %eq3A_2016 : i32 to vector<4x128xi32>
    %eq3A_2018 = arith.cmpi eq, %broadcast_in_dim3A_1894, %eq3A_2017 : vector<4x128xi32>
    %slice3A_2019 = vector.extract_strided_slice %dot_general3A_1896 {offsets = [0, 1920], sizes = [4, 128], strides = [1, 1]} : vector<4x2048xf32> to vector<4x128xf32>
    %jit3A_2020 = arith.constant 0.000000e+00 : f32
    %broadcast_in_dim3A_2021 = vector.broadcast %jit3A_2020 : f32 to vector<4x128xf32>
    %select_n3A_2022 = arith.select %eq3A_2018, %slice3A_2019, %broadcast_in_dim3A_2021 : vector<4x128xi1>, vector<4x128xf32>
    %add3A_2023 = arith.addf %add3A_2015, %select_n3A_2022 : vector<4x128xf32>
    %tanh3A_2024 = math.tanh %add3A_2023 : vector<4x128xf32>
    %reshape3A_2025 = vector.shape_cast %tanh3A_2024 : vector<4x128xf32> to vector<2x2x128xf32>
    %slice3A_2026 = vector.extract_strided_slice %reshape3A_2025 {offsets = [0, 0, 0], sizes = [2, 1, 128], strides = [1, 1, 1]} : vector<2x2x128xf32> to vector<2x1x128xf32>
    %squeeze3A_2027 = vector.shape_cast %slice3A_2026 : vector<2x1x128xf32> to vector<2x128xf32>
    %slice3A_2028 = vector.extract_strided_slice %reshape3A_2025 {offsets = [0, 1, 0], sizes = [2, 1, 128], strides = [1, 1, 1]} : vector<2x2x128xf32> to vector<2x1x128xf32>
    %squeeze3A_2029 = vector.shape_cast %slice3A_2028 : vector<2x1x128xf32> to vector<2x128xf32>
    %add3A_2030 = arith.addf %squeeze3A_2027, %squeeze3A_2029 : vector<2x128xf32>
    %get3A_2031 = arith.constant 1 : index
    %get3A_2032 = arith.constant 0 : index
    %get3A_2033 = vector.load %arg0[%get3A_2031, %get3A_2032] : memref<8191x1xi32, #tpu.memory_space<vmem>>, vector<2x1xi32>
    %eq3A_2034 = vector.broadcast %get3A_2033 : vector<2x1xi32> to vector<2x16xi32>
    %eq3A_2035 = vector.broadcast %iota3A : vector<1x16xi32> to vector<2x16xi32>
    %eq3A_2036 = arith.cmpi eq, %eq3A_2034, %eq3A_2035 : vector<2x16xi32>
    %convert_element_type3A_2037 = arith.extui %eq3A_2036 : vector<2x16xi1> to vector<2x16xi32>
    %convert_element_type3A_2038 = arith.sitofp %convert_element_type3A_2037 : vector<2x16xi32> to vector<2x16xf32>
    %convert_element_type3A_2039 = arith.truncf %convert_element_type3A_2038 : vector<2x16xf32> to vector<2x16xbf16>
    %convert_element_type3A_2040 = arith.truncf %add3A_2030 : vector<2x128xf32> to vector<2x128xbf16>
    %concatenate3A_2041 = tpu.concatenate %convert_element_type3A_2040, %convert_element_type3A_2039 in 1 : vector<2x128xbf16>, vector<2x16xbf16> -> vector<2x144xbf16>
    %broadcast_in_dim3A_2042 = vector.shape_cast %get3A_2033 : vector<2x1xi32> to vector<2x1xi32>
    %broadcast_in_dim3A_2043 = vector.broadcast %broadcast_in_dim3A_2042 : vector<2x1xi32> to vector<2x128xi32>
    %dot_general3A_2044 = arith.constant dense<0.000000e+00> : vector<2x2048xf32>
    %dot_general3A_2045 = tpu.matmul %concatenate3A_2041, %concatenate3A, %dot_general3A_2044 {dimension_numbers = #tpu.dot_dimension_numbers<[1], [1], [0], [0], [0, 0, 1, 0], [], []>, transpose_lhs_hint = false} : vector<2x144xbf16>, vector<2048x144xbf16>, vector<2x2048xf32> -> vector<2x2048xf32>
    %eq3A_2046 = arith.constant 0 : i32
    %eq3A_2047 = vector.broadcast %eq3A_2046 : i32 to vector<2x128xi32>
    %eq3A_2048 = arith.cmpi eq, %broadcast_in_dim3A_2043, %eq3A_2047 : vector<2x128xi32>
    %slice3A_2049 = vector.extract_strided_slice %dot_general3A_2045 {offsets = [0, 0], sizes = [2, 128], strides = [1, 1]} : vector<2x2048xf32> to vector<2x128xf32>
    %jit3A_2050 = arith.constant 0.000000e+00 : f32
    %broadcast_in_dim3A_2051 = vector.broadcast %jit3A_2050 : f32 to vector<2x128xf32>
    %select_n3A_2052 = arith.select %eq3A_2048, %slice3A_2049, %broadcast_in_dim3A_2051 : vector<2x128xi1>, vector<2x128xf32>
    %eq3A_2053 = arith.constant 1 : i32
    %eq3A_2054 = vector.broadcast %eq3A_2053 : i32 to vector<2x128xi32>
    %eq3A_2055 = arith.cmpi eq, %broadcast_in_dim3A_2043, %eq3A_2054 : vector<2x128xi32>
    %slice3A_2056 = vector.extract_strided_slice %dot_general3A_2045 {offsets = [0, 128], sizes = [2, 128], strides = [1, 1]} : vector<2x2048xf32> to vector<2x128xf32>
    %jit3A_2057 = arith.constant 0.000000e+00 : f32
    %broadcast_in_dim3A_2058 = vector.broadcast %jit3A_2057 : f32 to vector<2x128xf32>
    %select_n3A_2059 = arith.select %eq3A_2055, %slice3A_2056, %broadcast_in_dim3A_2058 : vector<2x128xi1>, vector<2x128xf32>
    %add3A_2060 = arith.addf %select_n3A_2052, %select_n3A_2059 : vector<2x128xf32>
    %eq3A_2061 = arith.constant 2 : i32
    %eq3A_2062 = vector.broadcast %eq3A_2061 : i32 to vector<2x128xi32>
    %eq3A_2063 = arith.cmpi eq, %broadcast_in_dim3A_2043, %eq3A_2062 : vector<2x128xi32>
    %slice3A_2064 = vector.extract_strided_slice %dot_general3A_2045 {offsets = [0, 256], sizes = [2, 128], strides = [1, 1]} : vector<2x2048xf32> to vector<2x128xf32>
    %jit3A_2065 = arith.constant 0.000000e+00 : f32
    %broadcast_in_dim3A_2066 = vector.broadcast %jit3A_2065 : f32 to vector<2x128xf32>
    %select_n3A_2067 = arith.select %eq3A_2063, %slice3A_2064, %broadcast_in_dim3A_2066 : vector<2x128xi1>, vector<2x128xf32>
    %add3A_2068 = arith.addf %add3A_2060, %select_n3A_2067 : vector<2x128xf32>
    %eq3A_2069 = arith.constant 3 : i32
    %eq3A_2070 = vector.broadcast %eq3A_2069 : i32 to vector<2x128xi32>
    %eq3A_2071 = arith.cmpi eq, %broadcast_in_dim3A_2043, %eq3A_2070 : vector<2x128xi32>
    %slice3A_2072 = vector.extract_strided_slice %dot_general3A_2045 {offsets = [0, 384], sizes = [2, 128], strides = [1, 1]} : vector<2x2048xf32> to vector<2x128xf32>
    %jit3A_2073 = arith.constant 0.000000e+00 : f32
    %broadcast_in_dim3A_2074 = vector.broadcast %jit3A_2073 : f32 to vector<2x128xf32>
    %select_n3A_2075 = arith.select %eq3A_2071, %slice3A_2072, %broadcast_in_dim3A_2074 : vector<2x128xi1>, vector<2x128xf32>
    %add3A_2076 = arith.addf %add3A_2068, %select_n3A_2075 : vector<2x128xf32>
    %eq3A_2077 = arith.constant 4 : i32
    %eq3A_2078 = vector.broadcast %eq3A_2077 : i32 to vector<2x128xi32>
    %eq3A_2079 = arith.cmpi eq, %broadcast_in_dim3A_2043, %eq3A_2078 : vector<2x128xi32>
    %slice3A_2080 = vector.extract_strided_slice %dot_general3A_2045 {offsets = [0, 512], sizes = [2, 128], strides = [1, 1]} : vector<2x2048xf32> to vector<2x128xf32>
    %jit3A_2081 = arith.constant 0.000000e+00 : f32
    %broadcast_in_dim3A_2082 = vector.broadcast %jit3A_2081 : f32 to vector<2x128xf32>
    %select_n3A_2083 = arith.select %eq3A_2079, %slice3A_2080, %broadcast_in_dim3A_2082 : vector<2x128xi1>, vector<2x128xf32>
    %add3A_2084 = arith.addf %add3A_2076, %select_n3A_2083 : vector<2x128xf32>
    %eq3A_2085 = arith.constant 5 : i32
    %eq3A_2086 = vector.broadcast %eq3A_2085 : i32 to vector<2x128xi32>
    %eq3A_2087 = arith.cmpi eq, %broadcast_in_dim3A_2043, %eq3A_2086 : vector<2x128xi32>
    %slice3A_2088 = vector.extract_strided_slice %dot_general3A_2045 {offsets = [0, 640], sizes = [2, 128], strides = [1, 1]} : vector<2x2048xf32> to vector<2x128xf32>
    %jit3A_2089 = arith.constant 0.000000e+00 : f32
    %broadcast_in_dim3A_2090 = vector.broadcast %jit3A_2089 : f32 to vector<2x128xf32>
    %select_n3A_2091 = arith.select %eq3A_2087, %slice3A_2088, %broadcast_in_dim3A_2090 : vector<2x128xi1>, vector<2x128xf32>
    %add3A_2092 = arith.addf %add3A_2084, %select_n3A_2091 : vector<2x128xf32>
    %eq3A_2093 = arith.constant 6 : i32
    %eq3A_2094 = vector.broadcast %eq3A_2093 : i32 to vector<2x128xi32>
    %eq3A_2095 = arith.cmpi eq, %broadcast_in_dim3A_2043, %eq3A_2094 : vector<2x128xi32>
    %slice3A_2096 = vector.extract_strided_slice %dot_general3A_2045 {offsets = [0, 768], sizes = [2, 128], strides = [1, 1]} : vector<2x2048xf32> to vector<2x128xf32>
    %jit3A_2097 = arith.constant 0.000000e+00 : f32
    %broadcast_in_dim3A_2098 = vector.broadcast %jit3A_2097 : f32 to vector<2x128xf32>
    %select_n3A_2099 = arith.select %eq3A_2095, %slice3A_2096, %broadcast_in_dim3A_2098 : vector<2x128xi1>, vector<2x128xf32>
    %add3A_2100 = arith.addf %add3A_2092, %select_n3A_2099 : vector<2x128xf32>
    %eq3A_2101 = arith.constant 7 : i32
    %eq3A_2102 = vector.broadcast %eq3A_2101 : i32 to vector<2x128xi32>
    %eq3A_2103 = arith.cmpi eq, %broadcast_in_dim3A_2043, %eq3A_2102 : vector<2x128xi32>
    %slice3A_2104 = vector.extract_strided_slice %dot_general3A_2045 {offsets = [0, 896], sizes = [2, 128], strides = [1, 1]} : vector<2x2048xf32> to vector<2x128xf32>
    %jit3A_2105 = arith.constant 0.000000e+00 : f32
    %broadcast_in_dim3A_2106 = vector.broadcast %jit3A_2105 : f32 to vector<2x128xf32>
    %select_n3A_2107 = arith.select %eq3A_2103, %slice3A_2104, %broadcast_in_dim3A_2106 : vector<2x128xi1>, vector<2x128xf32>
    %add3A_2108 = arith.addf %add3A_2100, %select_n3A_2107 : vector<2x128xf32>
    %eq3A_2109 = arith.constant 8 : i32
    %eq3A_2110 = vector.broadcast %eq3A_2109 : i32 to vector<2x128xi32>
    %eq3A_2111 = arith.cmpi eq, %broadcast_in_dim3A_2043, %eq3A_2110 : vector<2x128xi32>
    %slice3A_2112 = vector.extract_strided_slice %dot_general3A_2045 {offsets = [0, 1024], sizes = [2, 128], strides = [1, 1]} : vector<2x2048xf32> to vector<2x128xf32>
    %jit3A_2113 = arith.constant 0.000000e+00 : f32
    %broadcast_in_dim3A_2114 = vector.broadcast %jit3A_2113 : f32 to vector<2x128xf32>
    %select_n3A_2115 = arith.select %eq3A_2111, %slice3A_2112, %broadcast_in_dim3A_2114 : vector<2x128xi1>, vector<2x128xf32>
    %add3A_2116 = arith.addf %add3A_2108, %select_n3A_2115 : vector<2x128xf32>
    %eq3A_2117 = arith.constant 9 : i32
    %eq3A_2118 = vector.broadcast %eq3A_2117 : i32 to vector<2x128xi32>
    %eq3A_2119 = arith.cmpi eq, %broadcast_in_dim3A_2043, %eq3A_2118 : vector<2x128xi32>
    %slice3A_2120 = vector.extract_strided_slice %dot_general3A_2045 {offsets = [0, 1152], sizes = [2, 128], strides = [1, 1]} : vector<2x2048xf32> to vector<2x128xf32>
    %jit3A_2121 = arith.constant 0.000000e+00 : f32
    %broadcast_in_dim3A_2122 = vector.broadcast %jit3A_2121 : f32 to vector<2x128xf32>
    %select_n3A_2123 = arith.select %eq3A_2119, %slice3A_2120, %broadcast_in_dim3A_2122 : vector<2x128xi1>, vector<2x128xf32>
    %add3A_2124 = arith.addf %add3A_2116, %select_n3A_2123 : vector<2x128xf32>
    %eq3A_2125 = arith.constant 10 : i32
    %eq3A_2126 = vector.broadcast %eq3A_2125 : i32 to vector<2x128xi32>
    %eq3A_2127 = arith.cmpi eq, %broadcast_in_dim3A_2043, %eq3A_2126 : vector<2x128xi32>
    %slice3A_2128 = vector.extract_strided_slice %dot_general3A_2045 {offsets = [0, 1280], sizes = [2, 128], strides = [1, 1]} : vector<2x2048xf32> to vector<2x128xf32>
    %jit3A_2129 = arith.constant 0.000000e+00 : f32
    %broadcast_in_dim3A_2130 = vector.broadcast %jit3A_2129 : f32 to vector<2x128xf32>
    %select_n3A_2131 = arith.select %eq3A_2127, %slice3A_2128, %broadcast_in_dim3A_2130 : vector<2x128xi1>, vector<2x128xf32>
    %add3A_2132 = arith.addf %add3A_2124, %select_n3A_2131 : vector<2x128xf32>
    %eq3A_2133 = arith.constant 11 : i32
    %eq3A_2134 = vector.broadcast %eq3A_2133 : i32 to vector<2x128xi32>
    %eq3A_2135 = arith.cmpi eq, %broadcast_in_dim3A_2043, %eq3A_2134 : vector<2x128xi32>
    %slice3A_2136 = vector.extract_strided_slice %dot_general3A_2045 {offsets = [0, 1408], sizes = [2, 128], strides = [1, 1]} : vector<2x2048xf32> to vector<2x128xf32>
    %jit3A_2137 = arith.constant 0.000000e+00 : f32
    %broadcast_in_dim3A_2138 = vector.broadcast %jit3A_2137 : f32 to vector<2x128xf32>
    %select_n3A_2139 = arith.select %eq3A_2135, %slice3A_2136, %broadcast_in_dim3A_2138 : vector<2x128xi1>, vector<2x128xf32>
    %add3A_2140 = arith.addf %add3A_2132, %select_n3A_2139 : vector<2x128xf32>
    %eq3A_2141 = arith.constant 12 : i32
    %eq3A_2142 = vector.broadcast %eq3A_2141 : i32 to vector<2x128xi32>
    %eq3A_2143 = arith.cmpi eq, %broadcast_in_dim3A_2043, %eq3A_2142 : vector<2x128xi32>
    %slice3A_2144 = vector.extract_strided_slice %dot_general3A_2045 {offsets = [0, 1536], sizes = [2, 128], strides = [1, 1]} : vector<2x2048xf32> to vector<2x128xf32>
    %jit3A_2145 = arith.constant 0.000000e+00 : f32
    %broadcast_in_dim3A_2146 = vector.broadcast %jit3A_2145 : f32 to vector<2x128xf32>
    %select_n3A_2147 = arith.select %eq3A_2143, %slice3A_2144, %broadcast_in_dim3A_2146 : vector<2x128xi1>, vector<2x128xf32>
    %add3A_2148 = arith.addf %add3A_2140, %select_n3A_2147 : vector<2x128xf32>
    %eq3A_2149 = arith.constant 13 : i32
    %eq3A_2150 = vector.broadcast %eq3A_2149 : i32 to vector<2x128xi32>
    %eq3A_2151 = arith.cmpi eq, %broadcast_in_dim3A_2043, %eq3A_2150 : vector<2x128xi32>
    %slice3A_2152 = vector.extract_strided_slice %dot_general3A_2045 {offsets = [0, 1664], sizes = [2, 128], strides = [1, 1]} : vector<2x2048xf32> to vector<2x128xf32>
    %jit3A_2153 = arith.constant 0.000000e+00 : f32
    %broadcast_in_dim3A_2154 = vector.broadcast %jit3A_2153 : f32 to vector<2x128xf32>
    %select_n3A_2155 = arith.select %eq3A_2151, %slice3A_2152, %broadcast_in_dim3A_2154 : vector<2x128xi1>, vector<2x128xf32>
    %add3A_2156 = arith.addf %add3A_2148, %select_n3A_2155 : vector<2x128xf32>
    %eq3A_2157 = arith.constant 14 : i32
    %eq3A_2158 = vector.broadcast %eq3A_2157 : i32 to vector<2x128xi32>
    %eq3A_2159 = arith.cmpi eq, %broadcast_in_dim3A_2043, %eq3A_2158 : vector<2x128xi32>
    %slice3A_2160 = vector.extract_strided_slice %dot_general3A_2045 {offsets = [0, 1792], sizes = [2, 128], strides = [1, 1]} : vector<2x2048xf32> to vector<2x128xf32>
    %jit3A_2161 = arith.constant 0.000000e+00 : f32
    %broadcast_in_dim3A_2162 = vector.broadcast %jit3A_2161 : f32 to vector<2x128xf32>
    %select_n3A_2163 = arith.select %eq3A_2159, %slice3A_2160, %broadcast_in_dim3A_2162 : vector<2x128xi1>, vector<2x128xf32>
    %add3A_2164 = arith.addf %add3A_2156, %select_n3A_2163 : vector<2x128xf32>
    %eq3A_2165 = arith.constant 15 : i32
    %eq3A_2166 = vector.broadcast %eq3A_2165 : i32 to vector<2x128xi32>
    %eq3A_2167 = arith.cmpi eq, %broadcast_in_dim3A_2043, %eq3A_2166 : vector<2x128xi32>
    %slice3A_2168 = vector.extract_strided_slice %dot_general3A_2045 {offsets = [0, 1920], sizes = [2, 128], strides = [1, 1]} : vector<2x2048xf32> to vector<2x128xf32>
    %jit3A_2169 = arith.constant 0.000000e+00 : f32
    %broadcast_in_dim3A_2170 = vector.broadcast %jit3A_2169 : f32 to vector<2x128xf32>
    %select_n3A_2171 = arith.select %eq3A_2167, %slice3A_2168, %broadcast_in_dim3A_2170 : vector<2x128xi1>, vector<2x128xf32>
    %add3A_2172 = arith.addf %add3A_2164, %select_n3A_2171 : vector<2x128xf32>
    %tanh3A_2173 = math.tanh %add3A_2172 : vector<2x128xf32>
    %reshape3A_2174 = vector.shape_cast %tanh3A_2173 : vector<2x128xf32> to vector<1x2x128xf32>
    %slice3A_2175 = vector.extract_strided_slice %reshape3A_2174 {offsets = [0, 0, 0], sizes = [1, 1, 128], strides = [1, 1, 1]} : vector<1x2x128xf32> to vector<1x1x128xf32>
    %squeeze3A_2176 = vector.shape_cast %slice3A_2175 : vector<1x1x128xf32> to vector<1x128xf32>
    %slice3A_2177 = vector.extract_strided_slice %reshape3A_2174 {offsets = [0, 1, 0], sizes = [1, 1, 128], strides = [1, 1, 1]} : vector<1x2x128xf32> to vector<1x1x128xf32>
    %squeeze3A_2178 = vector.shape_cast %slice3A_2177 : vector<1x1x128xf32> to vector<1x128xf32>
    %add3A_2179 = arith.addf %squeeze3A_2176, %squeeze3A_2178 : vector<1x128xf32>
    %get3A_2180 = arith.constant 0 : index
    %get3A_2181 = arith.constant 0 : index
    %get3A_2182 = vector.load %arg0[%get3A_2180, %get3A_2181] : memref<8191x1xi32, #tpu.memory_space<vmem>>, vector<1x1xi32>
    %eq3A_2183 = vector.broadcast %get3A_2182 : vector<1x1xi32> to vector<1x16xi32>
    %eq3A_2184 = arith.cmpi eq, %eq3A_2183, %iota3A : vector<1x16xi32>
    %convert_element_type3A_2185 = arith.extui %eq3A_2184 : vector<1x16xi1> to vector<1x16xi32>
    %convert_element_type3A_2186 = arith.sitofp %convert_element_type3A_2185 : vector<1x16xi32> to vector<1x16xf32>
    %convert_element_type3A_2187 = arith.truncf %convert_element_type3A_2186 : vector<1x16xf32> to vector<1x16xbf16>
    %convert_element_type3A_2188 = arith.truncf %add3A_2179 : vector<1x128xf32> to vector<1x128xbf16>
    %concatenate3A_2189 = tpu.concatenate %convert_element_type3A_2188, %convert_element_type3A_2187 in 1 : vector<1x128xbf16>, vector<1x16xbf16> -> vector<1x144xbf16>
    %broadcast_in_dim3A_2190 = vector.shape_cast %get3A_2182 : vector<1x1xi32> to vector<1x1xi32>
    %broadcast_in_dim3A_2191 = vector.broadcast %broadcast_in_dim3A_2190 : vector<1x1xi32> to vector<1x128xi32>
    %dot_general3A_2192 = arith.constant dense<0.000000e+00> : vector<1x2048xf32>
    %dot_general3A_2193 = tpu.matmul %concatenate3A_2189, %concatenate3A, %dot_general3A_2192 {dimension_numbers = #tpu.dot_dimension_numbers<[1], [1], [0], [0], [0, 0, 1, 0], [], []>, transpose_lhs_hint = false} : vector<1x144xbf16>, vector<2048x144xbf16>, vector<1x2048xf32> -> vector<1x2048xf32>
    %eq3A_2194 = arith.constant 0 : i32
    %eq3A_2195 = vector.broadcast %eq3A_2194 : i32 to vector<1x128xi32>
    %eq3A_2196 = arith.cmpi eq, %broadcast_in_dim3A_2191, %eq3A_2195 : vector<1x128xi32>
    %slice3A_2197 = vector.extract_strided_slice %dot_general3A_2193 {offsets = [0, 0], sizes = [1, 128], strides = [1, 1]} : vector<1x2048xf32> to vector<1x128xf32>
    %jit3A_2198 = arith.constant 0.000000e+00 : f32
    %broadcast_in_dim3A_2199 = vector.broadcast %jit3A_2198 : f32 to vector<1x128xf32>
    %select_n3A_2200 = arith.select %eq3A_2196, %slice3A_2197, %broadcast_in_dim3A_2199 : vector<1x128xi1>, vector<1x128xf32>
    %eq3A_2201 = arith.constant 1 : i32
    %eq3A_2202 = vector.broadcast %eq3A_2201 : i32 to vector<1x128xi32>
    %eq3A_2203 = arith.cmpi eq, %broadcast_in_dim3A_2191, %eq3A_2202 : vector<1x128xi32>
    %slice3A_2204 = vector.extract_strided_slice %dot_general3A_2193 {offsets = [0, 128], sizes = [1, 128], strides = [1, 1]} : vector<1x2048xf32> to vector<1x128xf32>
    %jit3A_2205 = arith.constant 0.000000e+00 : f32
    %broadcast_in_dim3A_2206 = vector.broadcast %jit3A_2205 : f32 to vector<1x128xf32>
    %select_n3A_2207 = arith.select %eq3A_2203, %slice3A_2204, %broadcast_in_dim3A_2206 : vector<1x128xi1>, vector<1x128xf32>
    %add3A_2208 = arith.addf %select_n3A_2200, %select_n3A_2207 : vector<1x128xf32>
    %eq3A_2209 = arith.constant 2 : i32
    %eq3A_2210 = vector.broadcast %eq3A_2209 : i32 to vector<1x128xi32>
    %eq3A_2211 = arith.cmpi eq, %broadcast_in_dim3A_2191, %eq3A_2210 : vector<1x128xi32>
    %slice3A_2212 = vector.extract_strided_slice %dot_general3A_2193 {offsets = [0, 256], sizes = [1, 128], strides = [1, 1]} : vector<1x2048xf32> to vector<1x128xf32>
    %jit3A_2213 = arith.constant 0.000000e+00 : f32
    %broadcast_in_dim3A_2214 = vector.broadcast %jit3A_2213 : f32 to vector<1x128xf32>
    %select_n3A_2215 = arith.select %eq3A_2211, %slice3A_2212, %broadcast_in_dim3A_2214 : vector<1x128xi1>, vector<1x128xf32>
    %add3A_2216 = arith.addf %add3A_2208, %select_n3A_2215 : vector<1x128xf32>
    %eq3A_2217 = arith.constant 3 : i32
    %eq3A_2218 = vector.broadcast %eq3A_2217 : i32 to vector<1x128xi32>
    %eq3A_2219 = arith.cmpi eq, %broadcast_in_dim3A_2191, %eq3A_2218 : vector<1x128xi32>
    %slice3A_2220 = vector.extract_strided_slice %dot_general3A_2193 {offsets = [0, 384], sizes = [1, 128], strides = [1, 1]} : vector<1x2048xf32> to vector<1x128xf32>
    %jit3A_2221 = arith.constant 0.000000e+00 : f32
    %broadcast_in_dim3A_2222 = vector.broadcast %jit3A_2221 : f32 to vector<1x128xf32>
    %select_n3A_2223 = arith.select %eq3A_2219, %slice3A_2220, %broadcast_in_dim3A_2222 : vector<1x128xi1>, vector<1x128xf32>
    %add3A_2224 = arith.addf %add3A_2216, %select_n3A_2223 : vector<1x128xf32>
    %eq3A_2225 = arith.constant 4 : i32
    %eq3A_2226 = vector.broadcast %eq3A_2225 : i32 to vector<1x128xi32>
    %eq3A_2227 = arith.cmpi eq, %broadcast_in_dim3A_2191, %eq3A_2226 : vector<1x128xi32>
    %slice3A_2228 = vector.extract_strided_slice %dot_general3A_2193 {offsets = [0, 512], sizes = [1, 128], strides = [1, 1]} : vector<1x2048xf32> to vector<1x128xf32>
    %jit3A_2229 = arith.constant 0.000000e+00 : f32
    %broadcast_in_dim3A_2230 = vector.broadcast %jit3A_2229 : f32 to vector<1x128xf32>
    %select_n3A_2231 = arith.select %eq3A_2227, %slice3A_2228, %broadcast_in_dim3A_2230 : vector<1x128xi1>, vector<1x128xf32>
    %add3A_2232 = arith.addf %add3A_2224, %select_n3A_2231 : vector<1x128xf32>
    %eq3A_2233 = arith.constant 5 : i32
    %eq3A_2234 = vector.broadcast %eq3A_2233 : i32 to vector<1x128xi32>
    %eq3A_2235 = arith.cmpi eq, %broadcast_in_dim3A_2191, %eq3A_2234 : vector<1x128xi32>
    %slice3A_2236 = vector.extract_strided_slice %dot_general3A_2193 {offsets = [0, 640], sizes = [1, 128], strides = [1, 1]} : vector<1x2048xf32> to vector<1x128xf32>
    %jit3A_2237 = arith.constant 0.000000e+00 : f32
    %broadcast_in_dim3A_2238 = vector.broadcast %jit3A_2237 : f32 to vector<1x128xf32>
    %select_n3A_2239 = arith.select %eq3A_2235, %slice3A_2236, %broadcast_in_dim3A_2238 : vector<1x128xi1>, vector<1x128xf32>
    %add3A_2240 = arith.addf %add3A_2232, %select_n3A_2239 : vector<1x128xf32>
    %eq3A_2241 = arith.constant 6 : i32
    %eq3A_2242 = vector.broadcast %eq3A_2241 : i32 to vector<1x128xi32>
    %eq3A_2243 = arith.cmpi eq, %broadcast_in_dim3A_2191, %eq3A_2242 : vector<1x128xi32>
    %slice3A_2244 = vector.extract_strided_slice %dot_general3A_2193 {offsets = [0, 768], sizes = [1, 128], strides = [1, 1]} : vector<1x2048xf32> to vector<1x128xf32>
    %jit3A_2245 = arith.constant 0.000000e+00 : f32
    %broadcast_in_dim3A_2246 = vector.broadcast %jit3A_2245 : f32 to vector<1x128xf32>
    %select_n3A_2247 = arith.select %eq3A_2243, %slice3A_2244, %broadcast_in_dim3A_2246 : vector<1x128xi1>, vector<1x128xf32>
    %add3A_2248 = arith.addf %add3A_2240, %select_n3A_2247 : vector<1x128xf32>
    %eq3A_2249 = arith.constant 7 : i32
    %eq3A_2250 = vector.broadcast %eq3A_2249 : i32 to vector<1x128xi32>
    %eq3A_2251 = arith.cmpi eq, %broadcast_in_dim3A_2191, %eq3A_2250 : vector<1x128xi32>
    %slice3A_2252 = vector.extract_strided_slice %dot_general3A_2193 {offsets = [0, 896], sizes = [1, 128], strides = [1, 1]} : vector<1x2048xf32> to vector<1x128xf32>
    %jit3A_2253 = arith.constant 0.000000e+00 : f32
    %broadcast_in_dim3A_2254 = vector.broadcast %jit3A_2253 : f32 to vector<1x128xf32>
    %select_n3A_2255 = arith.select %eq3A_2251, %slice3A_2252, %broadcast_in_dim3A_2254 : vector<1x128xi1>, vector<1x128xf32>
    %add3A_2256 = arith.addf %add3A_2248, %select_n3A_2255 : vector<1x128xf32>
    %eq3A_2257 = arith.constant 8 : i32
    %eq3A_2258 = vector.broadcast %eq3A_2257 : i32 to vector<1x128xi32>
    %eq3A_2259 = arith.cmpi eq, %broadcast_in_dim3A_2191, %eq3A_2258 : vector<1x128xi32>
    %slice3A_2260 = vector.extract_strided_slice %dot_general3A_2193 {offsets = [0, 1024], sizes = [1, 128], strides = [1, 1]} : vector<1x2048xf32> to vector<1x128xf32>
    %jit3A_2261 = arith.constant 0.000000e+00 : f32
    %broadcast_in_dim3A_2262 = vector.broadcast %jit3A_2261 : f32 to vector<1x128xf32>
    %select_n3A_2263 = arith.select %eq3A_2259, %slice3A_2260, %broadcast_in_dim3A_2262 : vector<1x128xi1>, vector<1x128xf32>
    %add3A_2264 = arith.addf %add3A_2256, %select_n3A_2263 : vector<1x128xf32>
    %eq3A_2265 = arith.constant 9 : i32
    %eq3A_2266 = vector.broadcast %eq3A_2265 : i32 to vector<1x128xi32>
    %eq3A_2267 = arith.cmpi eq, %broadcast_in_dim3A_2191, %eq3A_2266 : vector<1x128xi32>
    %slice3A_2268 = vector.extract_strided_slice %dot_general3A_2193 {offsets = [0, 1152], sizes = [1, 128], strides = [1, 1]} : vector<1x2048xf32> to vector<1x128xf32>
    %jit3A_2269 = arith.constant 0.000000e+00 : f32
    %broadcast_in_dim3A_2270 = vector.broadcast %jit3A_2269 : f32 to vector<1x128xf32>
    %select_n3A_2271 = arith.select %eq3A_2267, %slice3A_2268, %broadcast_in_dim3A_2270 : vector<1x128xi1>, vector<1x128xf32>
    %add3A_2272 = arith.addf %add3A_2264, %select_n3A_2271 : vector<1x128xf32>
    %eq3A_2273 = arith.constant 10 : i32
    %eq3A_2274 = vector.broadcast %eq3A_2273 : i32 to vector<1x128xi32>
    %eq3A_2275 = arith.cmpi eq, %broadcast_in_dim3A_2191, %eq3A_2274 : vector<1x128xi32>
    %slice3A_2276 = vector.extract_strided_slice %dot_general3A_2193 {offsets = [0, 1280], sizes = [1, 128], strides = [1, 1]} : vector<1x2048xf32> to vector<1x128xf32>
    %jit3A_2277 = arith.constant 0.000000e+00 : f32
    %broadcast_in_dim3A_2278 = vector.broadcast %jit3A_2277 : f32 to vector<1x128xf32>
    %select_n3A_2279 = arith.select %eq3A_2275, %slice3A_2276, %broadcast_in_dim3A_2278 : vector<1x128xi1>, vector<1x128xf32>
    %add3A_2280 = arith.addf %add3A_2272, %select_n3A_2279 : vector<1x128xf32>
    %eq3A_2281 = arith.constant 11 : i32
    %eq3A_2282 = vector.broadcast %eq3A_2281 : i32 to vector<1x128xi32>
    %eq3A_2283 = arith.cmpi eq, %broadcast_in_dim3A_2191, %eq3A_2282 : vector<1x128xi32>
    %slice3A_2284 = vector.extract_strided_slice %dot_general3A_2193 {offsets = [0, 1408], sizes = [1, 128], strides = [1, 1]} : vector<1x2048xf32> to vector<1x128xf32>
    %jit3A_2285 = arith.constant 0.000000e+00 : f32
    %broadcast_in_dim3A_2286 = vector.broadcast %jit3A_2285 : f32 to vector<1x128xf32>
    %select_n3A_2287 = arith.select %eq3A_2283, %slice3A_2284, %broadcast_in_dim3A_2286 : vector<1x128xi1>, vector<1x128xf32>
    %add3A_2288 = arith.addf %add3A_2280, %select_n3A_2287 : vector<1x128xf32>
    %eq3A_2289 = arith.constant 12 : i32
    %eq3A_2290 = vector.broadcast %eq3A_2289 : i32 to vector<1x128xi32>
    %eq3A_2291 = arith.cmpi eq, %broadcast_in_dim3A_2191, %eq3A_2290 : vector<1x128xi32>
    %slice3A_2292 = vector.extract_strided_slice %dot_general3A_2193 {offsets = [0, 1536], sizes = [1, 128], strides = [1, 1]} : vector<1x2048xf32> to vector<1x128xf32>
    %jit3A_2293 = arith.constant 0.000000e+00 : f32
    %broadcast_in_dim3A_2294 = vector.broadcast %jit3A_2293 : f32 to vector<1x128xf32>
    %select_n3A_2295 = arith.select %eq3A_2291, %slice3A_2292, %broadcast_in_dim3A_2294 : vector<1x128xi1>, vector<1x128xf32>
    %add3A_2296 = arith.addf %add3A_2288, %select_n3A_2295 : vector<1x128xf32>
    %eq3A_2297 = arith.constant 13 : i32
    %eq3A_2298 = vector.broadcast %eq3A_2297 : i32 to vector<1x128xi32>
    %eq3A_2299 = arith.cmpi eq, %broadcast_in_dim3A_2191, %eq3A_2298 : vector<1x128xi32>
    %slice3A_2300 = vector.extract_strided_slice %dot_general3A_2193 {offsets = [0, 1664], sizes = [1, 128], strides = [1, 1]} : vector<1x2048xf32> to vector<1x128xf32>
    %jit3A_2301 = arith.constant 0.000000e+00 : f32
    %broadcast_in_dim3A_2302 = vector.broadcast %jit3A_2301 : f32 to vector<1x128xf32>
    %select_n3A_2303 = arith.select %eq3A_2299, %slice3A_2300, %broadcast_in_dim3A_2302 : vector<1x128xi1>, vector<1x128xf32>
    %add3A_2304 = arith.addf %add3A_2296, %select_n3A_2303 : vector<1x128xf32>
    %eq3A_2305 = arith.constant 14 : i32
    %eq3A_2306 = vector.broadcast %eq3A_2305 : i32 to vector<1x128xi32>
    %eq3A_2307 = arith.cmpi eq, %broadcast_in_dim3A_2191, %eq3A_2306 : vector<1x128xi32>
    %slice3A_2308 = vector.extract_strided_slice %dot_general3A_2193 {offsets = [0, 1792], sizes = [1, 128], strides = [1, 1]} : vector<1x2048xf32> to vector<1x128xf32>
    %jit3A_2309 = arith.constant 0.000000e+00 : f32
    %broadcast_in_dim3A_2310 = vector.broadcast %jit3A_2309 : f32 to vector<1x128xf32>
    %select_n3A_2311 = arith.select %eq3A_2307, %slice3A_2308, %broadcast_in_dim3A_2310 : vector<1x128xi1>, vector<1x128xf32>
    %add3A_2312 = arith.addf %add3A_2304, %select_n3A_2311 : vector<1x128xf32>
    %eq3A_2313 = arith.constant 15 : i32
    %eq3A_2314 = vector.broadcast %eq3A_2313 : i32 to vector<1x128xi32>
    %eq3A_2315 = arith.cmpi eq, %broadcast_in_dim3A_2191, %eq3A_2314 : vector<1x128xi32>
    %slice3A_2316 = vector.extract_strided_slice %dot_general3A_2193 {offsets = [0, 1920], sizes = [1, 128], strides = [1, 1]} : vector<1x2048xf32> to vector<1x128xf32>
    %jit3A_2317 = arith.constant 0.000000e+00 : f32
    %broadcast_in_dim3A_2318 = vector.broadcast %jit3A_2317 : f32 to vector<1x128xf32>
    %select_n3A_2319 = arith.select %eq3A_2315, %slice3A_2316, %broadcast_in_dim3A_2318 : vector<1x128xi1>, vector<1x128xf32>
    %add3A_2320 = arith.addf %add3A_2312, %select_n3A_2319 : vector<1x128xf32>
    %tanh3A_2321 = math.tanh %add3A_2320 : vector<1x128xf32>
    %get3A_2322 = arith.constant 0 : index
    %get3A_2323 = arith.constant 0 : index
    %get3A_2324 = vector.load %arg4[%get3A_2322, %get3A_2323] : memref<10x128xf32, #tpu.memory_space<vmem>>, vector<10x128xf32>
    %dot_general3A_2325 = arith.constant dense<0.000000e+00> : vector<1x10xf32>
    %dot_general3A_2326 = tpu.matmul %tanh3A_2321, %get3A_2324, %dot_general3A_2325 {dimension_numbers = #tpu.dot_dimension_numbers<[1], [1], [0], [0], [0, 0, 1, 0], [], []>, transpose_lhs_hint = false} : vector<1x128xf32>, vector<10x128xf32>, vector<1x10xf32> -> vector<1x10xf32>
    %get3A_2327 = arith.constant 0 : index
    %get3A_2328 = arith.constant 0 : index
    %get3A_2329 = vector.load %arg5[%get3A_2327, %get3A_2328] : memref<1x10xf32, #tpu.memory_space<vmem>>, vector<1x10xf32>
    %add3A_2330 = arith.addf %dot_general3A_2326, %get3A_2329 : vector<1x10xf32>
    %swap3A = arith.constant 0 : index
    %swap3A_2331 = arith.constant 0 : index
    %swap3A_2332 = vector.load %arg6[%swap3A, %swap3A_2331] : memref<1x10xf32, #tpu.memory_space<vmem>>, vector<1x10xf32>
    tpu.vector_store %arg6[%swap3A, %swap3A_2331], %add3A_2330 {strides = array<i32>} : memref<1x10xf32, #tpu.memory_space<vmem>>, vector<1x10xf32>,
    return
  }
}

</mosaic_0001>

<sc_bundles>
// kernel: kernel.4.cloned.1.call-start
scs
__scs_entry_jumppad:
0x0: {  	(pc) =	sbr.rel $0x88, $3  }
0x1: {  	(tag) =	ssettag $0x0;
	lr =	simm.s32 $0x1  }
0x2: {  	[smem:$0x3F9C] =	sst lr;
	_ =	strace $0xD0000000  }
0x3: {  	_ = 	snop  }
0x4: {  	_ = 	snop  }
0x5: {  	_ = 	snop  }
0x6: {  	_ = 	snop  }
0x7: {  	_ = 	snop  }
__scs_overlays_trampoline_lowered:
0x8: {  	[smem:$0x3FAB] =	sst s0  }
0x9: {  	[smem:$0x3FAC] =	sst s1  }
0xa: {  	[smem:$0x3FAD] =	sst s2  }
0xb: {  	[smem:$0x3FAE] =	sst s3  }
0xc: {  	[smem:$0x3FAF] =	sst s4  }
0xd: {  	[smem:$0x3FB0] =	sst s5  }
0xe: {  	[smem:$0x3FB1] =	sst s6  }
0xf: {  	[smem:$0x3FB2] =	sst s7  }
0x10: {  	[smem:$0x3FB3] =	sst s8  }
0x11: {  	[smem:$0x3FB4] =	sst s9;
	s0 =	simm.s32 @!p0 $0x0  }
0x12: {  	s1 =	sld [smem:$0x3F9A];
	s0 =	simm.s32 @p0 $0x1  }
0x13: {  	[smem:$0x3FB5] =	sst s0;
	s0 =	simm.s32 @!p1 $0x0  }
0x14: {  	s2 =	sld [smem:$0x3F99];
	s0 =	simm.s32 @p1 $0x1  }
0x15: {  	[smem:$0x3FB6] =	sst s0;
	s0 =	simm.s32 @!p2 $0x0  }
0x16: {  	s3 =	sld [smem:$0x3FDB];
	s0 =	simm.s32 @p2 $0x1  }
0x17: {  	s4 =	simm.s32 $0x1BF5;
	[smem:$0x3FB8] =	sst s0  }
0x18: {  	s0 =	sld [smem:$0x3F9B];
	_ =	swait.ge [sflag:s4], $0x0  }
0x19: {  	s7 =	sld [smem:$0x3F9C]  }
0x1a: {  	s8 =	sadd.s32 $0xFFFFE003, lr  }
0x1b: {  	s9 =	sadd.s32 $0xFFFFFEF7, lr;
	s5 =	simm.s32 $0xFFFFFFFF;
	p2 =	slt.u32 s8, $0xFFFFF086  }
0x1c: {  	p1 =	slt.u32 s9, $0xF7A;
	s5 =	simm.s32 @!p2 $0x0  }
0x1d: {  	s5 =	simm.s32 @p1 $0x1;
	p0 =	seq.s32 s7, s2  }
0x1e: {  	s7 =	smul.u32 @!p0 $0xF7A, s2;
	p2 =	seq.s32 @!p0 s5, $0x0  }
0x1f: {  	s9 =	smul.u32 $0xF7A, s1;
	s8 =	simm.s32 @!p0 $0x1BF5;
	p2 =	por !p2, p0  }
0x20: {  	[sflag:s8] =	ssyncset.s32 @!p0 $0xFFFFF086;
	s6 =	sadd.s32 @!p0 s3, s7;
	s7 =	simm.s32 @!p0 $0x108  }
0x21: {  	s3 =	sadd.s32 s3, s9;
	s6 =	sadd.s32 @!p0 $0x88, s6;
	s7 =	simm.s32 @p2 $0x1082  }
0x22: {  	[simem:s7], [sflag:s8] =	dma.local @!p0 [hbm:s6], $0xF7A  }
0x23: {  	s9 =	sor.u32 $0xD0000000, s2;
	s6 =	simm.s32 $0x108;
	_ =	swait.ge @!p0 [sflag:s8], $0x0  }
0x24: {  	s3 =	sadd.s32 $0x88, s3;
	s6 =	simm.s32 @!p1 $0x1082;
	[sflag:s4] =	ssyncset.s32 $0xFFFFF086  }
0x25: {  	[simem:s6], [sflag:s4] =	dma.local [hbm:s3], $0xF7A  }
0x26: {  	[smem:$0x3F9C] =	sst s1;
	(tag) =	ssettag s2;
	_ =	strace s9  }
0x27: {  	s1 =	sld [smem:$0x3FAC]  }
0x28: {  	s2 =	sld [smem:$0x3FAD]  }
0x29: {  	s4 =	sld [smem:$0x3FAF]  }
0x2a: {  	p0 =	seq.s32 s5, $0x0;
	s5 =	sld [smem:$0x3FB0]  }
0x2b: {  	s6 =	sld [smem:$0x3FB1]  }
0x2c: {  	s7 =	sld [smem:$0x3FB2]  }
0x2d: {  	s3 =	simm.s32 $0x108;
	s8 =	sld [smem:$0x3FB3]  }
0x2e: {  	s3 =	simm.s32 @!p0 $0x1082;
	s9 =	sld [smem:$0x3FB4]  }
0x2f: {  	lr =	sadd.s32 s0, s3;
	s0 =	sld [smem:$0x3FAB]  }
0x30: {  	s3 =	sld [smem:$0x3FAE]  }
0x31: {  	[smem:$0x3FB7] =	sst s10  }
0x32: {  	s10 =	sld [smem:$0x3FB5];
	_ =	sdelay $0x3  }
0x33: {  	p0 =	seq.s32 s10, $0x1;
	s10 =	sld [smem:$0x3FB7];
	_ =	sdelay $0x3  }
0x34: {  	[smem:$0x3FB7] =	sst s10  }
0x35: {  	s10 =	sld [smem:$0x3FB6];
	_ =	sdelay $0x3  }
0x36: {  	p1 =	seq.s32 s10, $0x1;
	s10 =	sld [smem:$0x3FB7];
	_ =	sdelay $0x3  }
0x37: {  	[smem:$0x3FB7] =	sst s10  }
0x38: {  	s10 =	sld [smem:$0x3FB8]  }
0x39: {  	_ = 	snop;
	(pc) =	sbr.ind lr, $3  }
0x3a: {  	_ = 	snop  }
0x3b: {  	_ = 	snop  }
0x3c: {  	p2 =	seq.s32 s10, $0x1;
	s10 =	sld [smem:$0x3FB7]  }
0x3d: {  	_ =	shalt  }
0x3e: {  	_ =	shalt  }
0x3f: {  	_ =	shalt  }
0x40: {  	_ =	shalt  }
0x41: {  	_ =	shalt  }
0x42: {  	_ =	shalt  }
0x43: {  	_ =	shalt  }
0x44: {  	_ =	shalt  }
0x45: {  	_ =	shalt  }
0x46: {  	_ =	shalt  }
0x47: {  	_ =	shalt  }
0x48: {  	_ =	shalt  }
0x49: {  	_ =	shalt  }
0x4a: {  	_ =	shalt  }
0x4b: {  	_ =	shalt  }
0x4c: {  	_ =	shalt  }
0x4d: {  	_ =	shalt  }
0x4e: {  	_ =	shalt  }
0x4f: {  	_ =	shalt  }
0x50: {  	_ =	shalt  }
0x51: {  	_ =	shalt  }
0x52: {  	_ =	shalt  }
0x53: {  	_ =	shalt  }
0x54: {  	_ =	shalt  }
0x55: {  	_ =	shalt  }
0x56: {  	_ =	shalt  }
0x57: {  	_ =	shalt  }
0x58: {  	_ =	shalt  }
0x59: {  	_ =	shalt  }
0x5a: {  	_ =	shalt  }
0x5b: {  	_ =	shalt  }
0x5c: {  	_ =	shalt  }
0x5d: {  	_ =	shalt  }
0x5e: {  	_ =	shalt  }
0x5f: {  	_ =	shalt  }
0x60: {  	_ =	shalt  }
0x61: {  	_ =	shalt  }
0x62: {  	_ =	shalt  }
0x63: {  	_ =	shalt  }
0x64: {  	_ =	shalt  }
0x65: {  	_ =	shalt  }
0x66: {  	_ =	shalt  }
0x67: {  	_ =	shalt  }
0x68: {  	_ =	shalt  }
0x69: {  	_ =	shalt  }
0x6a: {  	_ =	shalt  }
0x6b: {  	_ =	shalt  }
0x6c: {  	_ =	shalt  }
0x6d: {  	_ =	shalt  }
0x6e: {  	_ =	shalt  }
0x6f: {  	_ =	shalt  }
0x70: {  	_ =	shalt  }
0x71: {  	_ =	shalt  }
0x72: {  	_ =	shalt  }
0x73: {  	_ =	shalt  }
0x74: {  	_ =	shalt  }
0x75: {  	_ =	shalt  }
0x76: {  	_ =	shalt  }
0x77: {  	_ =	shalt  }
0x78: {  	_ =	shalt  }
0x79: {  	_ =	shalt  }
0x7a: {  	_ =	shalt  }
0x7b: {  	_ =	shalt  }
0x7c: {  	_ =	shalt  }
0x7d: {  	_ =	shalt  }
0x7e: {  	_ =	shalt  }
0x7f: {  	_ =	shalt  }
0x80: {  	_ =	shalt  }
0x81: {  	_ =	shalt  }
0x82: {  	_ =	shalt  }
0x83: {  	_ =	shalt  }
0x84: {  	_ =	shalt  }
0x85: {  	_ =	shalt  }
0x86: {  	_ =	shalt  }
0x87: {  	_ =	shalt  }
.Lfunc_end0:
.L_simem_size_0:
called_computation_lowered:
.L_overlay_start_0:
0x88: {  	s2 =	sld [smem:$0x3FD9]  }
0x89: {  	s3 =	sld [smem:$0x3FFE];
	_ =	sdelay $0x1  }
0x8a: {  	s1 =	srdreg.scid  }
0x8b: {  	s0 =	sand.u32 $0x1, s1  }
0x8c: {  	s17 =	sshll.u32 s0, $0xA;
	s2 =	sadd.s32 s3, s2  }
0x8d: {  	s2 =	sadd.s32 s2, s17  }
0x8e: {  	[smem:$0x3FC3] =	sst s2  }
0x8f: {  	_ = 	snop  }
0x90: {  	s2 =	sld [smem:$0x3FC7];
	(tm) =	ssettm $0x1  }
0x91: {  	s18 =	sld [smem:$0x3FFB];
	_ =	sdelay $0x3  }
0x92: {  	_ =	strace s18  }
0x93: {  	s3 =	sld [smem:$0x3FFC];
	_ =	sdelay $0x3  }
0x94: {  	_ =	strace s3  }
0x95: {  	s3 =	sld [smem:$0x3FFD];
	_ =	sdelay $0x3  }
0x96: {  	_ =	strace s3  }
0x97: {  	_ =	strace $0x8FFFFFFF  }
0x98: {  	s19 =	sld [smem:$0x3FDB];
	_ =	sdelay $0x1  }
0x99: {  	s4 =	simm.s32 $_scs_section_size  }
0x9a: {  	s5 =	simm.s32 $_size__tile_overlayer_lowered;
	s6 =	simm.s32 $_tile_overlayer_lowered  }
0x9b: {  	s22 =	simm.s32 $0x1BFF;
	s21 =	sshll.u32 s6, $0x1;
	s3 =	sadd.s32 s4, s19  }
0x9c: {  	s7 =	simm.s32 $0x0;
	s20 =	sshll.u32 s5, $0x1;
	s5 =	sadd.s32 s21, s3  }
0x9d: {  	[timem:s7], [sflag:s22] =	dma.local [hbm:s5], s20  }
0x9e: {  	_ =	swait.ge [sflag:s22], s20  }
0x9f: {  	s4 =	ssub.s32 $0x0, s20;
	[sflag:s22] =	ssyncset.done $0x0  }
0xa0: {  	[sflag:s22] =	ssyncadd.s32 s4;
	_ =	sdelay $0x1  }
0xa1: {  	s23 =	simm.s32 $0x1B8B  }
0xa2: {  	_ =	swait.ge [sflag:s23], $0x1  }
0xa3: {  	[sflag:s23] =	ssyncset.done $0x0  }
0xa4: {  	s25 =	simm.s32 $0x1B8E;
	s24 =	sld [smem:$0x3FFE];
	[sflag:s23] =	ssyncadd.s32 $0xFFFFFFFF  }
0xa5: {  	s26 =	simm.s32 $execute0_lowered;
	[smem:$0x3FD2] =	sst s25  }
0xa6: {  	s5 =	sshll.u32 s26, $0x1;
	_ =	strace $0x80000046;
	[dreg:$0x1] =	wrdreg $0xFFFFFFFF  }
0xa7: {  	s28 =	simm.s32 $_size_execute0_lowered;
	s3 =	sadd.s32 s3, s5;
	[dreg:$0x0] =	wrdreg $0x0  }
0xa8: {  	s5 =	sshll.u32 s28, $0x1;
	[dreg:$0x2] =	wrdreg s3  }
0xa9: {  	[dreg:$0x3] =	wrdreg s5  }
0xaa: {  	[dreg:$0x4] =	wrdreg $0xC0  }
0xab: {  	_ =	task [dreg:s7], $0x5FFFF  }
0xac: {  	[dreg:$0x1] =	wrdreg $0xFFFFFFFF  }
0xad: {  	[dreg:$0x0] =	wrdreg $0x60  }
0xae: {  	[dreg:$0x2] =	wrdreg s2  }
0xaf: {  	[dreg:$0x3] =	wrdreg s24  }
0xb0: {  	[dreg:$0x4] =	wrdreg $0x9  }
0xb1: {  	_ =	task.clear_ibuf [dreg:s7], $0x5FFFF;
	_ =	strace $0x90000046  }
0xb2: {  	s29 =	simm.s32 $0x9;
	_ =	strace $0x80000048  }
0xb3: {  	_ =	swait.ge [sflag:s29], $0x1  }
0xb4: {  	[sflag:s29] =	ssyncadd.s32 $0xFFFFFFFF  }
0xb5: {  	_ =	strace $0x90000048  }
0xb6: {  	_ =	sfence  }
0xb7: {  	s30 =	sld [smem:$0x0];
	_ =	sdelay $0x2  }
0xb8: {  	s31 =	sshll.u32 s1, $0xD;
	s1 =	sshrl.u32 s1, $0x2  }
0xb9: {  	s3 =	sand.u32 $0x4000, s31;
	s1 =	sadd.s32 s1, s30  }
0xba: {  	s0 =	sor.u32 s3, s0;
	s1 =	sshll.u32 s1, $0x11  }
0xbb: {  	s0 =	sor.u32 s1, s0  }
0xbc: {  	s0 =	sadd.s32 $0x8F2B, s0  }
0xbd: {  	[sflag:s0] =	ssyncadd.remote.s32 $0x1  }
0xbe: {  	_ =	sfence.sel $0xFFFF  }
0xbf: {  	[dreg:$0x0] =	wrdreg $0xFFFFFFFF;
	(pc) =	sbr.abs _section_cstart, $3  }
0xc0: {  	[dreg:$0x1] =	wrdreg $0xFFFFFFFF  }
0xc1: {  	_ =	task.clear_ibuf [dreg:s7], $0x2FFFF;
	_ =	strace $0x9FFFFFFF  }
0xc2: {  	(tm) =	ssettm $0x7FFFFFFF  }
0xc3: {  	_ =	shalt  }
tec
execute0_lowered:
.L_overlay_start_1:
0x0: {  	(tag) =	ssettag $0x1  }
0x1: {  	s1 =	srdreg.scid  }
0x2: {  	s0 =	stileid.u32;
	s6 =	sand.u32 $0x1, s1  }
0x3: {  	s2 =	rddreg [dreg:$0x0];
	s30 =	sshll.u32 s0, $0x8;
	s3 =	sshll.u32 s6, $0x7  }
0x4: {  	s8 =	rddreg [dreg:$0x1];
	s7 =	simm.s32 $0x1;
	s9 =	sor.u32 s3, s30  }
0x5: {  	s1 =	rddreg [dreg:$0x2];
	s3 =	simm.s32 $0x0;
	s4 =	sshrl.u32 s9, $0x3  }
0x6: {  	s10 =	ssub.s32 $0x2, s6;
	[smem:$0x7FF] =	sst s3;
	s4 =	sadd.s32 s4, s8  }
0x7: {  	_ =	strace $0x80000047;
	s5 =	sadd.s32 $0x600, s4;
	s4 =	simm.s32 $0x2  }
0x8: {  	[tilespmem:s3], [sflag:$0x2] =	stream.linear.gather [hbm4b:s5+s3], $0x80, $0x38;
	[tilespmem:$0x4080] =	vst v63  }
0x9: {  	s6 =	simm.s32 $0x80;
	s11 =	sshrl.u32 s10, $0x1;
	_ =	swait.ge [sflag:s4], $0x80  }
0xa: {  	s9 =	sshll.u32 s9, $0x4;
	s31 =	ssub.s32 s10, s11;
	[sflag:s4] =	ssyncset.done $0x0  }
0xb: {  	s8 =	sadd.s32 s9, s8;
	s9 =	smax.u32 s31, $0x1;
	[sflag:s4] =	ssyncadd.s32 $0xFFFFFF80  }
0xc: {  	[tilespmem:s6], [sflag:$0x1] =	stream.indirect.gather [hbm4b:s2+s6], $0x80, s3, s6, $0xb8;
	[tilespmem:$0x4080] =	vst v63  }
0xd: {  	p0 =	sne.s32 s9, $0x1;
	_ =	swait.ge [sflag:s7], $0x4000  }
.Ltmp0:
0xe: {  	[sflag:s7] =	ssyncset.done $0x0;
	(pc) =	sbr.rel @!p0 .LBB2_2-.Ltmp0, $4  }
0xf: {  	s8 =	sadd.s32 $0x800, s8;
	[sflag:s7] =	ssyncadd.s32 $0xFFFFC000  }
0x10: {  	[hbm4b:s8+s3] =	stream.linear.scatter [tilespmem:s6], [sflag:$0x2], $0x4000, $0x38;
	[tilespmem:$0x4080] =	vst v63  }
0x11: {  	_ =	swait.ge [sflag:s4], $0x4000  }
0x12: {  	s9 =	sadd.s32 $0xFFFFFFFF, s9;
	[sflag:s4] =	ssyncset.done $0x0  }
.LBB2_1:
0x13: {  	p0 =	sne.s32 s9, $0x1;
	s9 =	sadd.s32 $0xFFFFFFFF, s9;
	[sflag:s4] =	ssyncadd.s32 $0xFFFFC000  }
0x14: {  	[tilespmem:s3], [sflag:$0x2] =	stream.linear.gather [hbm4b:s5+s3], $0x80, $0x38;
	[tilespmem:$0x4080] =	vst v63  }
0x15: {  	_ =	swait.ge [sflag:s4], $0x80  }
0x16: {  	[sflag:s4] =	ssyncset.done $0x0  }
0x17: {  	[sflag:s4] =	ssyncadd.s32 $0xFFFFFF80  }
0x18: {  	[tilespmem:s6], [sflag:$0x1] =	stream.indirect.gather [hbm4b:s2+s6], $0x80, s3, s6, $0xb8;
	[tilespmem:$0x4080] =	vst v63  }
0x19: {  	_ =	swait.ge [sflag:s7], $0x4000  }
.Ltmp1:
0x1a: {  	[sflag:s7] =	ssyncset.done $0x0;
	(pc) =	sbr.rel @p0 .LBB2_1-.Ltmp1, $4  }
0x1b: {  	[sflag:s7] =	ssyncadd.s32 $0xFFFFC000  }
0x1c: {  	[hbm4b:s8+s3] =	stream.linear.scatter [tilespmem:s6], [sflag:$0x2], $0x4000, $0x38;
	[tilespmem:$0x4080] =	vst v63  }
0x1d: {  	_ =	swait.ge [sflag:s4], $0x4000  }
0x1e: {  	[sflag:s4] =	ssyncset.done $0x0  }
.LBB2_2:
0x1f: {  	[sflag:s4] =	ssyncadd.s32 $0xFFFFC000  }
0x20: {  	_ =	sfence.sel $0x180000  }
0x21: {  	[bflag:$0x0] =	sbarrier.arrive $0xFFFF  }
0x22: {  	p0 =	sne.s32 s0, $0x0;
	_ =	strace $0x90000047  }
0x23: {  	s0 =	sadd.s32 @!p0 $0x100000, s1;
	[bflag:$0x2] =	sbarrier.arrive $0xFFFF  }
0x24: {  	[sflag:s0] =	ssyncadd.tile.s32 @!p0 $0x1;
	_ =	shalt  }
.Lfunc_end2:
_tile_overlayer_lowered:
.L_overlay_start_2:
0x25: {  	(tag) =	ssettag $0x2  }
0x26: {  	s0 =	rddreg [dreg:$0x0];
	s2 =	stileid.u32  }
0x27: {  	s1 =	rddreg [dreg:$0x1];
	p0 =	sne.s32 s2, $0x0  }
0x28: {  	s3 =	rddreg [dreg:$0x2];
	[bflag:$0x3] =	sbarrier.arrive $0xFFFF;
	s2 =	simm.s32 @!p0 $0x1C02  }
0x29: {  	[timem:s3], [sflag:s2] =	dma.local @!p0 [hbm:s0], s1  }
0x2a: {  	s0 =	simm.s32 @!p0 $0x2  }
0x2b: {  	_ =	swait.ge @!p0 [sflag:s0], s1  }
0x2c: {  	s1 =	ssub.s32 @!p0 $0x0, s1;
	[sflag:s0] =	ssyncset.done @!p0 $0x0  }
0x2d: {  	[sflag:s0] =	ssyncadd.s32 @!p0 s1  }
0x2e: {  	[bflag:$0x3] =	sbarrier.arrive $0xFFFF  }
0x2f: {  	_ =	shalt  }

</sc_bundles>
